<compile_context>
chip_gen: v7x
topology: tpu7x:2x2x1
jax: 0.10.2.dev20260603
libtpu: 0.0.44.dev20260713+nightly
codegen_flags: <defaults>
</compile_context>

<pallas_src>
import functools

import jax
import jax.numpy as jnp
from jax import lax
from jax.experimental import pallas as pl
from jax.experimental.pallas import tpu as pltpu
from jax.experimental.pallas import tpu_sc as plsc

N = 10000
E = 320000
D = 128
H = 128
C = 2
G = 512

N_PAD = 10240
G_PAD = 520
NW = 32
NCHUNK = 80
CHUNK = 128
E_PAD = NW * NCHUNK * CHUNK
ROWS_PT = N_PAD // 16
BR = 1024
BRP = 512


def _sc_mesh():
    return plsc.VectorSubcoreMesh(core_axis_name="c", subcore_axis_name="s")


def _sc_degree(dst_r, zeros1):

    @functools.partial(
        pl.kernel,
        out_type=jax.ShapeDtypeStruct((2 * N_PAD,), jnp.float32),
        mesh=_sc_mesh(),
        scratch_types=[
            pltpu.VMEM((NCHUNK, CHUNK), jnp.int32),
            pltpu.VMEM((CHUNK,), jnp.float32),
            pltpu.VMEM_SHARED((N_PAD,), jnp.float32),
        ],
    )
    def run(dst_hbm, z_hbm, deg_out, d_idx, ones_v, acc):
        cid = lax.axis_index("c")
        sid = lax.axis_index("s")
        wid = sid * 2 + cid
        pltpu.sync_copy(dst_hbm.at[pl.ds(wid * NCHUNK, NCHUNK)], d_idx)
        for i in range(CHUNK // 16):
            ones_v[pl.ds(i * 16, 16)] = jnp.ones((16,), jnp.float32)
        pltpu.sync_copy(z_hbm.at[pl.ds(sid * ROWS_PT, ROWS_PT)],
                        acc.at[pl.ds(sid * ROWS_PT, ROWS_PT)])
        plsc.subcore_barrier()

        def body(j, c):
            pltpu.sync_copy(ones_v, acc.at[d_idx.at[j]], add=True)
            return c

        lax.fori_loop(0, NCHUNK, body, 0)
        plsc.subcore_barrier()
        pltpu.sync_copy(acc.at[pl.ds(sid * ROWS_PT, ROWS_PT)],
                        deg_out.at[pl.ds(cid * N_PAD + sid * ROWS_PT, ROWS_PT)])

    return run(dst_r, zeros1)


PC = NCHUNK // 2


def _sc_scatter(p, src_r, dst_r, zeros2):

    @functools.partial(
        pl.kernel,
        out_type=jax.ShapeDtypeStruct((2 * N_PAD, H), jnp.float32),
        mesh=_sc_mesh(),
        scratch_types=[
            pltpu.VMEM((PC, CHUNK), jnp.int32),
            pltpu.VMEM((PC, CHUNK), jnp.int32),
            pltpu.VMEM((CHUNK, H), jnp.float32),
            pltpu.VMEM((CHUNK, H), jnp.float32),
            pltpu.VMEM_SHARED((N_PAD, H), jnp.float32),
            pltpu.SemaphoreType.DMA,
            pltpu.SemaphoreType.DMA,
        ],
    )
    def run(p_hbm, src_hbm, dst_hbm, z_hbm, s_out,
            s_idx, d_idx, buf0, buf1, acc, sem0, sem1):
        cid = lax.axis_index("c")
        sid = lax.axis_index("s")
        wid = sid * 2 + cid
        pltpu.sync_copy(z_hbm.at[pl.ds(sid * ROWS_PT, ROWS_PT)],
                        acc.at[pl.ds(sid * ROWS_PT, ROWS_PT)])
        plsc.subcore_barrier()

        for ph in range(2):
            base = wid * NCHUNK + ph * PC
            pltpu.sync_copy(src_hbm.at[pl.ds(base, PC)], s_idx)
            pltpu.sync_copy(dst_hbm.at[pl.ds(base, PC)], d_idx)

            pltpu.async_copy(p_hbm.at[s_idx.at[0]], buf0, sem0)
            pltpu.async_copy(p_hbm.at[s_idx.at[1]], buf1, sem1)

            def body(g, c):
                j0 = 2 * g
                j1 = j0 + 1
                pltpu.make_async_copy(p_hbm.at[s_idx.at[j0]], buf0, sem0).wait()
                pltpu.sync_copy(buf0, acc.at[d_idx.at[j0]], add=True)

                @pl.when(j0 + 2 < PC)
                def _():
                    pltpu.async_copy(p_hbm.at[s_idx.at[j0 + 2]], buf0, sem0)

                pltpu.make_async_copy(p_hbm.at[s_idx.at[j1]], buf1, sem1).wait()
                pltpu.sync_copy(buf1, acc.at[d_idx.at[j1]], add=True)

                @pl.when(j1 + 2 < PC)
                def _():
                    pltpu.async_copy(p_hbm.at[s_idx.at[j1 + 2]], buf1, sem1)

                return c

            lax.fori_loop(0, PC // 2, body, 0)

        plsc.subcore_barrier()
        pltpu.sync_copy(acc.at[pl.ds(sid * ROWS_PT, ROWS_PT)],
                        s_out.at[pl.ds(cid * N_PAD + sid * ROWS_PT, ROWS_PT)])

    return run(p, src_r, dst_r, zeros2)


def _tc_first(dega, degb, x, W1):

    def body(dega_ref, degb_ref, x_ref, w_ref, p_ref, dinv_ref):
        deg = dega_ref[...] + degb_ref[...] + 1.0
        dinv = lax.rsqrt(deg)
        dinv_ref[...] = dinv
        p_ref[...] = dinv * jnp.dot(x_ref[...], w_ref[...],
                                    preferred_element_type=jnp.float32)

    nb = N_PAD // BR
    return pl.pallas_call(
        body,
        grid=(nb,),
        in_specs=[
            pl.BlockSpec((BR, 1), lambda i: (i, 0)),
            pl.BlockSpec((BR, 1), lambda i: (i, 0)),
            pl.BlockSpec((BR, D), lambda i: (i, 0)),
            pl.BlockSpec((D, H), lambda i: (0, 0)),
        ],
        out_specs=[
            pl.BlockSpec((BR, H), lambda i: (i, 0)),
            pl.BlockSpec((BR, 1), lambda i: (i, 0)),
        ],
        out_shape=[
            jax.ShapeDtypeStruct((N_PAD, H), jnp.float32),
            jax.ShapeDtypeStruct((N_PAD, 1), jnp.float32),
        ],
    )(dega, degb, x, W1)


def _tc_mid(sa, sb, pp, dinv, b2d, W):

    def body(sa_ref, sb_ref, pp_ref, dinv_ref, b_ref, w_ref, p_ref):
        dinv = dinv_ref[...]
        h = jnp.maximum(dinv * (sa_ref[...] + sb_ref[...] + pp_ref[...])
                        + b_ref[...], 0.0)
        p_ref[...] = dinv * jnp.dot(h, w_ref[...],
                                    preferred_element_type=jnp.float32)

    nb = N_PAD // BR
    return pl.pallas_call(
        body,
        grid=(nb,),
        in_specs=[
            pl.BlockSpec((BR, H), lambda i: (i, 0)),
            pl.BlockSpec((BR, H), lambda i: (i, 0)),
            pl.BlockSpec((BR, H), lambda i: (i, 0)),
            pl.BlockSpec((BR, 1), lambda i: (i, 0)),
            pl.BlockSpec((1, H), lambda i: (0, 0)),
            pl.BlockSpec((H, H), lambda i: (0, 0)),
        ],
        out_specs=pl.BlockSpec((BR, H), lambda i: (i, 0)),
        out_shape=jax.ShapeDtypeStruct((N_PAD, H), jnp.float32),
    )(sa, sb, pp, dinv, b2d, W)


def _tc_pool(sa, sb, p4, dinv, b2d, batch3):

    def body(sa_ref, sb_ref, p_ref, dinv_ref, b_ref, batch_ref,
             pooled_ref, counts_ref):
        i = pl.program_id(0)
        h = dinv_ref[...] * (sa_ref[...] + sb_ref[...] + p_ref[...]) + b_ref[...]
        bb = batch_ref[0, 0, :]
        seg = lax.broadcasted_iota(jnp.int32, (G_PAD, BRP), 0)
        oh = (seg == bb[None, :]).astype(jnp.float32)

        @pl.when(i == 0)
        def _():
            pooled_ref[...] = jnp.zeros_like(pooled_ref)
            counts_ref[...] = jnp.zeros_like(counts_ref)

        pooled_ref[...] += jnp.dot(oh, h, preferred_element_type=jnp.float32)
        counts_ref[...] += jnp.sum(oh, axis=1, keepdims=True)

    nb = N_PAD // BRP
    return pl.pallas_call(
        body,
        grid=(nb,),
        in_specs=[
            pl.BlockSpec((BRP, H), lambda i: (i, 0)),
            pl.BlockSpec((BRP, H), lambda i: (i, 0)),
            pl.BlockSpec((BRP, H), lambda i: (i, 0)),
            pl.BlockSpec((BRP, 1), lambda i: (i, 0)),
            pl.BlockSpec((1, H), lambda i: (0, 0)),
            pl.BlockSpec((1, 1, BRP), lambda i: (i, 0, 0)),
        ],
        out_specs=[
            pl.BlockSpec((G_PAD, H), lambda i: (0, 0)),
            pl.BlockSpec((G_PAD, 1), lambda i: (0, 0)),
        ],
        out_shape=[
            jax.ShapeDtypeStruct((G_PAD, H), jnp.float32),
            jax.ShapeDtypeStruct((G_PAD, 1), jnp.float32),
        ],
    )(sa, sb, p4, dinv, b2d, batch3)


def _tc_final(pooled, counts, Wl_pad, bl_pad):
    def body(pooled_ref, counts_ref, wl_ref, bl_ref, out_ref):
        avg = pooled_ref[...] / jnp.maximum(counts_ref[...], 1.0)
        out_ref[...] = jnp.dot(avg, wl_ref[...],
                               preferred_element_type=jnp.float32) + bl_ref[...]

    return pl.pallas_call(
        body,
        out_shape=jax.ShapeDtypeStruct((G_PAD, H), jnp.float32),
    )(pooled, counts, Wl_pad, bl_pad)


def kernel(x, edge_index, batch, W1, b1, W2, b2, W3, b3, W4, b4, Wl, bl):
    f32 = jnp.float32
    src = edge_index[0].astype(jnp.int32)
    dst = edge_index[1].astype(jnp.int32)
    pad_e = E_PAD - E
    pad_idx = N + jnp.arange(pad_e, dtype=jnp.int32) % (N_PAD - N)
    src_r = jnp.concatenate([src, pad_idx]).reshape(NW * NCHUNK, CHUNK)
    dst_r = jnp.concatenate([dst, pad_idx]).reshape(NW * NCHUNK, CHUNK)

    x_pad = jnp.concatenate([x.astype(f32), jnp.zeros((N_PAD - N, D), f32)])
    batch3 = jnp.concatenate([batch.astype(jnp.int32),
                              jnp.full((N_PAD - N,), G, jnp.int32)]
                             ).reshape(N_PAD // BRP, 1, BRP)
    zeros1 = jnp.zeros((N_PAD,), f32)
    zeros2 = jnp.zeros((N_PAD, H), f32)

    b1r = b1.reshape(1, H).astype(f32)
    b2r = b2.reshape(1, H).astype(f32)
    b3r = b3.reshape(1, H).astype(f32)
    b4r = b4.reshape(1, H).astype(f32)
    Wl_pad = jnp.pad(Wl.astype(f32), ((0, 0), (0, H - C)))
    bl_pad = jnp.pad(bl.astype(f32), (0, H - C)).reshape(1, H)

    deg_pair = _sc_degree(dst_r, zeros1).reshape(2, N_PAD)
    dega = deg_pair[0].reshape(N_PAD, 1)
    degb = deg_pair[1].reshape(N_PAD, 1)

    p1, dinv = _tc_first(dega, degb, x_pad, W1.astype(f32))
    s1 = _sc_scatter(p1, src_r, dst_r, zeros2).reshape(2, N_PAD, H)
    p2 = _tc_mid(s1[0], s1[1], p1, dinv, b1r, W2.astype(f32))
    s2 = _sc_scatter(p2, src_r, dst_r, zeros2).reshape(2, N_PAD, H)
    p3 = _tc_mid(s2[0], s2[1], p2, dinv, b2r, W3.astype(f32))
    s3 = _sc_scatter(p3, src_r, dst_r, zeros2).reshape(2, N_PAD, H)
    p4 = _tc_mid(s3[0], s3[1], p3, dinv, b3r, W4.astype(f32))
    s4 = _sc_scatter(p4, src_r, dst_r, zeros2).reshape(2, N_PAD, H)
    pooled, counts = _tc_pool(s4[0], s4[1], p4, dinv, b4r, batch3)
    out = _tc_final(pooled, counts, Wl_pad, bl_pad)
    return out[:G, :C]

# --- scband reference (transcript-rebuilt; emitter-appended) ---
"""Pipeline reference for scband-gcn-609885356937 (READ-ONLY COPY).

The authoritative reference and input builder live on the scoring server;
editing this copy changes nothing except your own understanding.
"""

import jax, jax.numpy as jnp
import numpy as np

N = 10000
E = 320000
D = 128
H = 128
C = 2
G = 512


def setup_inputs(seed: int = 0) -> dict:
    key = jax.random.key(seed)
    ks = jax.random.split(key, 14)
    x = jax.random.normal(ks[0], (N, D), dtype=jnp.float32)
    edge_index = jax.random.randint(ks[1], (2, E), 0, N)
    batch = jnp.sort(jax.random.randint(ks[2], (N,), 0, G))
    s_in = 1.0 / np.sqrt(D)
    s_h = 1.0 / np.sqrt(H)
    W1 = jax.random.normal(ks[3], (D, H), dtype=jnp.float32) * s_in
    b1 = jnp.zeros((H,), dtype=jnp.float32)
    W2 = jax.random.normal(ks[4], (H, H), dtype=jnp.float32) * s_h
    b2 = jnp.zeros((H,), dtype=jnp.float32)
    W3 = jax.random.normal(ks[5], (H, H), dtype=jnp.float32) * s_h
    b3 = jnp.zeros((H,), dtype=jnp.float32)
    W4 = jax.random.normal(ks[6], (H, H), dtype=jnp.float32) * s_h
    b4 = jnp.zeros((H,), dtype=jnp.float32)
    Wl = jax.random.normal(ks[7], (H, C), dtype=jnp.float32) * s_h
    bl = jnp.zeros((C,), dtype=jnp.float32)
    return {"x": x, "edge_index": edge_index, "batch": batch,
            "W1": W1, "b1": b1, "W2": W2, "b2": b2,
            "W3": W3, "b3": b3, "W4": W4, "b4": b4,
            "Wl": Wl, "bl": bl}


def _gcn_conv(x, src, dst, norm, W, b):
    # GCNConv: x @ W, propagate with symmetric normalization, add bias
    h = x @ W
    msg = h[src] * norm[:, None]
    out = jnp.zeros((N, W.shape[1]), dtype=h.dtype).at[dst].add(msg)
    return out + b


def reference(x, edge_index, batch, W1, b1, W2, b2, W3, b3, W4, b4, Wl, bl):
    # add self loops (as in PyG GCNConv default)
    loop = jnp.arange(N)
    src = jnp.concatenate([edge_index[0], loop])
    dst = jnp.concatenate([edge_index[1], loop])
    deg = jnp.zeros((N,), dtype=jnp.float32).at[dst].add(1.0)
    dinv = 1.0 / jnp.sqrt(deg)  # deg >= 1 due to self-loops
    norm = dinv[src] * dinv[dst]

    h = jax.nn.relu(_gcn_conv(x, src, dst, norm, W1, b1))
    h = jax.nn.relu(_gcn_conv(h, src, dst, norm, W2, b2))
    h = jax.nn.relu(_gcn_conv(h, src, dst, norm, W3, b3))
    h = _gcn_conv(h, src, dst, norm, W4, b4)

    # global_mean_pool over batch ids
    summed = jax.ops.segment_sum(h, batch, num_segments=G)
    counts = jax.ops.segment_sum(jnp.ones((N,), dtype=jnp.float32), batch, num_segments=G)
    pooled = summed / jnp.maximum(counts, 1.0)[:, None]

    # dropout(p=0.5) is identity in eval mode
    out = pooled @ Wl + bl
    return out

if __name__ == "__main__":
    import jax
    _d = setup_inputs()
    print(jax.jit(kernel)(*tuple(_d.values())))

</pallas_src>

<mosaic_0001>
#map = affine_map<(d0, d1) -> (0, 0)>
#map1 = affine_map<(d0, d1) -> (0)>
module attributes {stable_mosaic.version = 14 : i64} {
  func.func @run(%arg0: i32, %arg1: i32, %arg2: memref<2560x128xi32, #tpu.memory_space<hbm>>, %arg3: memref<10240xf32, #tpu.memory_space<hbm>>, %arg4: memref<20480xf32, #tpu.memory_space<hbm>>, %arg5: memref<80x128xi32, #tpu.memory_space<vmem>>, %arg6: memref<128xf32, #tpu.memory_space<vmem>>, %arg7: memref<10240xf32, #tpu.memory_space<vmem_shared>>) attributes {dimension_semantics = [#tpu.dimension_semantics<core_parallel>, #tpu.dimension_semantics<subcore_parallel>], iteration_bounds = array<i64: 2, 16>, scalar_prefetch = 0 : i64, scratch_operands = 3 : i64, tpu.core_type = #tpu.core_type<sc_vector_subcore>, window_params = [{transform_indices = #map}, {transform_indices = #map1}, {transform_indices = #map1}]} {
    %mul3A = arith.constant 2 : i32
    %mul3A_0 = arith.muli %arg1, %mul3A : i32
    %add3A = arith.addi %mul3A_0, %arg0 : i32
    %mul3A_1 = arith.constant 80 : i32
    %mul3A_2 = arith.muli %add3A, %mul3A_1 : i32
    "tpu.region"() ({
      %run_scoped3A = tpu.sem_alloc : memref<!tpu.dma_semaphore, #tpu.memory_space<semaphore_mem>>
      %dma_start3A = arith.constant 0 : i32
      %dma_start3A_66 = tpu.memref_slice %arg2[%mul3A_2, %dma_start3A] : memref<2560x128xi32, #tpu.memory_space<hbm>> -> memref<80x128xi32, #tpu.memory_space<hbm>>
      %dma_start3A_67 = arith.constant 0 : i32
      %dma_start3A_68 = tpu.memref_slice %arg2[%mul3A_2, %dma_start3A_67] : memref<2560x128xi32, #tpu.memory_space<hbm>> -> memref<80x128xi32, #tpu.memory_space<hbm>>
      tpu.enqueue_dma source(%dma_start3A_68 : memref<80x128xi32, #tpu.memory_space<hbm>>) target(%arg5 : memref<80x128xi32, #tpu.memory_space<vmem>>) target_semaphore(%run_scoped3A : memref<!tpu.dma_semaphore, #tpu.memory_space<semaphore_mem>>)
      %dma_wait3A = arith.constant 0 : i32
      %dma_wait3A_69 = tpu.memref_slice %arg2[%mul3A_2, %dma_wait3A] : memref<2560x128xi32, #tpu.memory_space<hbm>> -> memref<80x128xi32, #tpu.memory_space<hbm>>
      %dma_wait3A_70 = arith.constant 0 : i32
      %dma_wait3A_71 = tpu.memref_slice %arg2[%mul3A_2, %dma_wait3A_70] : memref<2560x128xi32, #tpu.memory_space<hbm>> -> memref<80x128xi32, #tpu.memory_space<hbm>>
      tpu.wait_dma2 semaphore(%run_scoped3A : memref<!tpu.dma_semaphore, #tpu.memory_space<semaphore_mem>>) src(%dma_wait3A_71 : memref<80x128xi32, #tpu.memory_space<hbm>>) dst(%arg5 : memref<80x128xi32, #tpu.memory_space<vmem>>)
      tpu.yield
    }) : () -> ()
    %broadcast_in_dim3A = arith.constant 1.000000e+00 : f32
    %broadcast_in_dim3A_3 = vector.broadcast %broadcast_in_dim3A : f32 to vector<16xf32>
    %swap3A = arith.constant 0 : index
    %swap3A_4 = tpu.vector_load %arg6[%swap3A] {strides = array<i32>} : memref<128xf32, #tpu.memory_space<vmem>>, vector<16xf32>,
    %swap3A_5 = vector.shape_cast %swap3A_4 : vector<16xf32> to vector<16xf32>
    %swap3A_6 = vector.shape_cast %broadcast_in_dim3A_3 : vector<16xf32> to vector<16xf32>
    tpu.vector_store %arg6[%swap3A], %swap3A_6 {strides = array<i32>} : memref<128xf32, #tpu.memory_space<vmem>>, vector<16xf32>,
    %broadcast_in_dim3A_7 = arith.constant 1.000000e+00 : f32
    %broadcast_in_dim3A_8 = vector.broadcast %broadcast_in_dim3A_7 : f32 to vector<16xf32>
    %swap3A_9 = arith.constant 16 : index
    %swap3A_10 = tpu.vector_load %arg6[%swap3A_9] {strides = array<i32>} : memref<128xf32, #tpu.memory_space<vmem>>, vector<16xf32>,
    %swap3A_11 = vector.shape_cast %swap3A_10 : vector<16xf32> to vector<16xf32>
    %swap3A_12 = vector.shape_cast %broadcast_in_dim3A_8 : vector<16xf32> to vector<16xf32>
    tpu.vector_store %arg6[%swap3A_9], %swap3A_12 {strides = array<i32>} : memref<128xf32, #tpu.memory_space<vmem>>, vector<16xf32>,
    %broadcast_in_dim3A_13 = arith.constant 1.000000e+00 : f32
    %broadcast_in_dim3A_14 = vector.broadcast %broadcast_in_dim3A_13 : f32 to vector<16xf32>
    %swap3A_15 = arith.constant 32 : index
    %swap3A_16 = tpu.vector_load %arg6[%swap3A_15] {strides = array<i32>} : memref<128xf32, #tpu.memory_space<vmem>>, vector<16xf32>,
    %swap3A_17 = vector.shape_cast %swap3A_16 : vector<16xf32> to vector<16xf32>
    %swap3A_18 = vector.shape_cast %broadcast_in_dim3A_14 : vector<16xf32> to vector<16xf32>
    tpu.vector_store %arg6[%swap3A_15], %swap3A_18 {strides = array<i32>} : memref<128xf32, #tpu.memory_space<vmem>>, vector<16xf32>,
    %broadcast_in_dim3A_19 = arith.constant 1.000000e+00 : f32
    %broadcast_in_dim3A_20 = vector.broadcast %broadcast_in_dim3A_19 : f32 to vector<16xf32>
    %swap3A_21 = arith.constant 48 : index
    %swap3A_22 = tpu.vector_load %arg6[%swap3A_21] {strides = array<i32>} : memref<128xf32, #tpu.memory_space<vmem>>, vector<16xf32>,
    %swap3A_23 = vector.shape_cast %swap3A_22 : vector<16xf32> to vector<16xf32>
    %swap3A_24 = vector.shape_cast %broadcast_in_dim3A_20 : vector<16xf32> to vector<16xf32>
    tpu.vector_store %arg6[%swap3A_21], %swap3A_24 {strides = array<i32>} : memref<128xf32, #tpu.memory_space<vmem>>, vector<16xf32>,
    %broadcast_in_dim3A_25 = arith.constant 1.000000e+00 : f32
    %broadcast_in_dim3A_26 = vector.broadcast %broadcast_in_dim3A_25 : f32 to vector<16xf32>
    %swap3A_27 = arith.constant 64 : index
    %swap3A_28 = tpu.vector_load %arg6[%swap3A_27] {strides = array<i32>} : memref<128xf32, #tpu.memory_space<vmem>>, vector<16xf32>,
    %swap3A_29 = vector.shape_cast %swap3A_28 : vector<16xf32> to vector<16xf32>
    %swap3A_30 = vector.shape_cast %broadcast_in_dim3A_26 : vector<16xf32> to vector<16xf32>
    tpu.vector_store %arg6[%swap3A_27], %swap3A_30 {strides = array<i32>} : memref<128xf32, #tpu.memory_space<vmem>>, vector<16xf32>,
    %broadcast_in_dim3A_31 = arith.constant 1.000000e+00 : f32
    %broadcast_in_dim3A_32 = vector.broadcast %broadcast_in_dim3A_31 : f32 to vector<16xf32>
    %swap3A_33 = arith.constant 80 : index
    %swap3A_34 = tpu.vector_load %arg6[%swap3A_33] {strides = array<i32>} : memref<128xf32, #tpu.memory_space<vmem>>, vector<16xf32>,
    %swap3A_35 = vector.shape_cast %swap3A_34 : vector<16xf32> to vector<16xf32>
    %swap3A_36 = vector.shape_cast %broadcast_in_dim3A_32 : vector<16xf32> to vector<16xf32>
    tpu.vector_store %arg6[%swap3A_33], %swap3A_36 {strides = array<i32>} : memref<128xf32, #tpu.memory_space<vmem>>, vector<16xf32>,
    %broadcast_in_dim3A_37 = arith.constant 1.000000e+00 : f32
    %broadcast_in_dim3A_38 = vector.broadcast %broadcast_in_dim3A_37 : f32 to vector<16xf32>
    %swap3A_39 = arith.constant 96 : index
    %swap3A_40 = tpu.vector_load %arg6[%swap3A_39] {strides = array<i32>} : memref<128xf32, #tpu.memory_space<vmem>>, vector<16xf32>,
    %swap3A_41 = vector.shape_cast %swap3A_40 : vector<16xf32> to vector<16xf32>
    %swap3A_42 = vector.shape_cast %broadcast_in_dim3A_38 : vector<16xf32> to vector<16xf32>
    tpu.vector_store %arg6[%swap3A_39], %swap3A_42 {strides = array<i32>} : memref<128xf32, #tpu.memory_space<vmem>>, vector<16xf32>,
    %broadcast_in_dim3A_43 = arith.constant 1.000000e+00 : f32
    %broadcast_in_dim3A_44 = vector.broadcast %broadcast_in_dim3A_43 : f32 to vector<16xf32>
    %swap3A_45 = arith.constant 112 : index
    %swap3A_46 = tpu.vector_load %arg6[%swap3A_45] {strides = array<i32>} : memref<128xf32, #tpu.memory_space<vmem>>, vector<16xf32>,
    %swap3A_47 = vector.shape_cast %swap3A_46 : vector<16xf32> to vector<16xf32>
    %swap3A_48 = vector.shape_cast %broadcast_in_dim3A_44 : vector<16xf32> to vector<16xf32>
    tpu.vector_store %arg6[%swap3A_45], %swap3A_48 {strides = array<i32>} : memref<128xf32, #tpu.memory_space<vmem>>, vector<16xf32>,
    %mul3A_49 = arith.constant 640 : i32
    %mul3A_50 = arith.muli %arg1, %mul3A_49 : i32
    %mul3A_51 = arith.constant 640 : i32
    %mul3A_52 = arith.muli %arg1, %mul3A_51 : i32
    "tpu.region"() ({
      %run_scoped3A = tpu.sem_alloc : memref<!tpu.dma_semaphore, #tpu.memory_space<semaphore_mem>>
      %dma_start3A = tpu.memref_slice %arg7[%mul3A_52] : memref<10240xf32, #tpu.memory_space<vmem_shared>> -> memref<640xf32, #tpu.memory_space<vmem_shared>>
      %dma_start3A_66 = tpu.memref_slice %arg3[%mul3A_50] : memref<10240xf32, #tpu.memory_space<hbm>> -> memref<640xf32, #tpu.memory_space<hbm>>
      tpu.enqueue_dma source(%dma_start3A_66 : memref<640xf32, #tpu.memory_space<hbm>>) target(%dma_start3A : memref<640xf32, #tpu.memory_space<vmem_shared>>) target_semaphore(%run_scoped3A : memref<!tpu.dma_semaphore, #tpu.memory_space<semaphore_mem>>)
      %dma_wait3A = tpu.memref_slice %arg7[%mul3A_52] : memref<10240xf32, #tpu.memory_space<vmem_shared>> -> memref<640xf32, #tpu.memory_space<vmem_shared>>
      %dma_wait3A_67 = tpu.memref_slice %arg3[%mul3A_50] : memref<10240xf32, #tpu.memory_space<hbm>> -> memref<640xf32, #tpu.memory_space<hbm>>
      tpu.wait_dma2 semaphore(%run_scoped3A : memref<!tpu.dma_semaphore, #tpu.memory_space<semaphore_mem>>) src(%dma_wait3A_67 : memref<640xf32, #tpu.memory_space<hbm>>) dst(%dma_wait3A : memref<640xf32, #tpu.memory_space<vmem_shared>>)
      tpu.yield
    }) : () -> ()
    %barrier3A = arith.constant 0 : index
    tpu.barrier barrier_id(%barrier3A)
    %scan3A = arith.constant 0 : i32
    %scan3A_53 = arith.constant 0 : i32
    %scan3A_54 = arith.constant 80 : i32
    %scan3A_55 = arith.addi %scan3A_53, %scan3A_54 : i32
    %scan3A_56 = arith.constant 1 : i32
    scf.for %scan3A_66 = %scan3A_53 to %scan3A_55 step %scan3A_56  : i32 {
      "tpu.region"() ({
        %run_scoped3A = tpu.sem_alloc : memref<!tpu.dma_semaphore, #tpu.memory_space<semaphore_mem>>
        %dma_start3A = arith.constant 0 : i32
        %dma_start3A_67 = tpu.memref_slice %arg5[%scan3A_66, %dma_start3A] : memref<80x128xi32, #tpu.memory_space<vmem>> -> memref<1x128xi32, #tpu.memory_space<vmem>>
        %dma_start3A_68 = tpu.memref_squeeze %dma_start3A_67 : memref<1x128xi32, #tpu.memory_space<vmem>> -> memref<128xi32, #tpu.memory_space<vmem>>
        %dma_start3A_69 = arith.constant 0 : i32
        %dma_start3A_70 = tpu.memref_slice %arg7[%dma_start3A_69] : memref<10240xf32, #tpu.memory_space<vmem_shared>> -> memref<10240xf32, #tpu.memory_space<vmem_shared>>
        tpu.enqueue_indirect_dma source(%arg6 : memref<128xf32, #tpu.memory_space<vmem>>) target(%dma_start3A_70 : memref<10240xf32, #tpu.memory_space<vmem_shared>>) offsets(%dma_start3A_68 : memref<128xi32, #tpu.memory_space<vmem>>) semaphore(%run_scoped3A : memref<!tpu.dma_semaphore, #tpu.memory_space<semaphore_mem>>) {add = true}
        %dma_wait3A = arith.constant 0 : i32
        %dma_wait3A_71 = tpu.memref_slice %arg5[%scan3A_66, %dma_wait3A] : memref<80x128xi32, #tpu.memory_space<vmem>> -> memref<1x128xi32, #tpu.memory_space<vmem>>
        %dma_wait3A_72 = tpu.memref_squeeze %dma_wait3A_71 : memref<1x128xi32, #tpu.memory_space<vmem>> -> memref<128xi32, #tpu.memory_space<vmem>>
        %dma_wait3A_73 = arith.constant 0 : i32
        %dma_wait3A_74 = tpu.memref_slice %arg7[%dma_wait3A_73] : memref<10240xf32, #tpu.memory_space<vmem_shared>> -> memref<10240xf32, #tpu.memory_space<vmem_shared>>
        tpu.wait_indirect_dma semaphore(%run_scoped3A : memref<!tpu.dma_semaphore, #tpu.memory_space<semaphore_mem>>) src(%arg6 : memref<128xf32, #tpu.memory_space<vmem>>) dst(%dma_wait3A_74 : memref<10240xf32, #tpu.memory_space<vmem_shared>>)
        tpu.yield
      }) : () -> ()
    }
    %scan3A_57 = arith.constant 80 : i32
    %barrier3A_58 = arith.constant 0 : index
    tpu.barrier barrier_id(%barrier3A_58)
    %mul3A_59 = arith.constant 640 : i32
    %mul3A_60 = arith.muli %arg1, %mul3A_59 : i32
    %mul3A_61 = arith.constant 10240 : i32
    %mul3A_62 = arith.muli %arg0, %mul3A_61 : i32
    %mul3A_63 = arith.constant 640 : i32
    %mul3A_64 = arith.muli %arg1, %mul3A_63 : i32
    %add3A_65 = arith.addi %mul3A_62, %mul3A_64 : i32
    "tpu.region"() ({
      %run_scoped3A = tpu.sem_alloc : memref<!tpu.dma_semaphore, #tpu.memory_space<semaphore_mem>>
      %dma_start3A = tpu.memref_slice %arg4[%add3A_65] : memref<20480xf32, #tpu.memory_space<hbm>> -> memref<640xf32, #tpu.memory_space<hbm>>
      %dma_start3A_66 = tpu.memref_slice %arg7[%mul3A_60] : memref<10240xf32, #tpu.memory_space<vmem_shared>> -> memref<640xf32, #tpu.memory_space<vmem_shared>>
      tpu.enqueue_dma source(%dma_start3A_66 : memref<640xf32, #tpu.memory_space<vmem_shared>>) target(%dma_start3A : memref<640xf32, #tpu.memory_space<hbm>>) target_semaphore(%run_scoped3A : memref<!tpu.dma_semaphore, #tpu.memory_space<semaphore_mem>>)
      %dma_wait3A = tpu.memref_slice %arg4[%add3A_65] : memref<20480xf32, #tpu.memory_space<hbm>> -> memref<640xf32, #tpu.memory_space<hbm>>
      %dma_wait3A_67 = tpu.memref_slice %arg7[%mul3A_60] : memref<10240xf32, #tpu.memory_space<vmem_shared>> -> memref<640xf32, #tpu.memory_space<vmem_shared>>
      tpu.wait_dma2 semaphore(%run_scoped3A : memref<!tpu.dma_semaphore, #tpu.memory_space<semaphore_mem>>) src(%dma_wait3A_67 : memref<640xf32, #tpu.memory_space<vmem_shared>>) dst(%dma_wait3A : memref<640xf32, #tpu.memory_space<hbm>>)
      tpu.yield
    }) : () -> ()
    return
  }
}

#map = affine_map<(d0, d1) -> (0, 0)>
module attributes {stable_mosaic.version = 14 : i64} {
  func.func @run(%arg0: i32, %arg1: i32, %arg2: memref<10240x128xf32, #tpu.memory_space<hbm>>, %arg3: memref<2560x128xi32, #tpu.memory_space<hbm>>, %arg4: memref<2560x128xi32, #tpu.memory_space<hbm>>, %arg5: memref<10240x128xf32, #tpu.memory_space<hbm>>, %arg6: memref<20480x128xf32, #tpu.memory_space<hbm>>, %arg7: memref<40x128xi32, #tpu.memory_space<vmem>>, %arg8: memref<40x128xi32, #tpu.memory_space<vmem>>, %arg9: memref<128x128xf32, #tpu.memory_space<vmem>>, %arg10: memref<128x128xf32, #tpu.memory_space<vmem>>, %arg11: memref<10240x128xf32, #tpu.memory_space<vmem_shared>>, %arg12: memref<!tpu.dma_semaphore, #tpu.memory_space<semaphore_mem>>, %arg13: memref<!tpu.dma_semaphore, #tpu.memory_space<semaphore_mem>>) attributes {dimension_semantics = [#tpu.dimension_semantics<core_parallel>, #tpu.dimension_semantics<subcore_parallel>], iteration_bounds = array<i64: 2, 16>, scalar_prefetch = 0 : i64, scratch_operands = 7 : i64, tpu.core_type = #tpu.core_type<sc_vector_subcore>, window_params = [{transform_indices = #map}, {transform_indices = #map}, {transform_indices = #map}, {transform_indices = #map}, {transform_indices = #map}]} {
    %mul3A = arith.constant 2 : i32
    %mul3A_0 = arith.muli %arg1, %mul3A : i32
    %add3A = arith.addi %mul3A_0, %arg0 : i32
    %mul3A_1 = arith.constant 640 : i32
    %mul3A_2 = arith.muli %arg1, %mul3A_1 : i32
    %mul3A_3 = arith.constant 640 : i32
    %mul3A_4 = arith.muli %arg1, %mul3A_3 : i32
    "tpu.region"() ({
      %run_scoped3A = tpu.sem_alloc : memref<!tpu.dma_semaphore, #tpu.memory_space<semaphore_mem>>
      %dma_start3A_59 = arith.constant 0 : i32
      %dma_start3A_60 = tpu.memref_slice %arg11[%mul3A_4, %dma_start3A_59] : memref<10240x128xf32, #tpu.memory_space<vmem_shared>> -> memref<640x128xf32, #tpu.memory_space<vmem_shared>>
      %dma_start3A_61 = arith.constant 0 : i32
      %dma_start3A_62 = tpu.memref_slice %arg5[%mul3A_2, %dma_start3A_61] : memref<10240x128xf32, #tpu.memory_space<hbm>> -> memref<640x128xf32, #tpu.memory_space<hbm>>
      tpu.enqueue_dma source(%dma_start3A_62 : memref<640x128xf32, #tpu.memory_space<hbm>>) target(%dma_start3A_60 : memref<640x128xf32, #tpu.memory_space<vmem_shared>>) target_semaphore(%run_scoped3A : memref<!tpu.dma_semaphore, #tpu.memory_space<semaphore_mem>>)
      %dma_wait3A = arith.constant 0 : i32
      %dma_wait3A_63 = tpu.memref_slice %arg11[%mul3A_4, %dma_wait3A] : memref<10240x128xf32, #tpu.memory_space<vmem_shared>> -> memref<640x128xf32, #tpu.memory_space<vmem_shared>>
      %dma_wait3A_64 = arith.constant 0 : i32
      %dma_wait3A_65 = tpu.memref_slice %arg5[%mul3A_2, %dma_wait3A_64] : memref<10240x128xf32, #tpu.memory_space<hbm>> -> memref<640x128xf32, #tpu.memory_space<hbm>>
      tpu.wait_dma2 semaphore(%run_scoped3A : memref<!tpu.dma_semaphore, #tpu.memory_space<semaphore_mem>>) src(%dma_wait3A_65 : memref<640x128xf32, #tpu.memory_space<hbm>>) dst(%dma_wait3A_63 : memref<640x128xf32, #tpu.memory_space<vmem_shared>>)
      tpu.yield
    }) : () -> ()
    %barrier3A = arith.constant 0 : index
    tpu.barrier barrier_id(%barrier3A)
    %mul3A_5 = arith.constant 80 : i32
    %mul3A_6 = arith.muli %add3A, %mul3A_5 : i32
    %add3A_7 = arith.constant 0 : i32
    %add3A_8 = arith.addi %mul3A_6, %add3A_7 : i32
    "tpu.region"() ({
      %run_scoped3A = tpu.sem_alloc : memref<!tpu.dma_semaphore, #tpu.memory_space<semaphore_mem>>
      %dma_start3A_59 = arith.constant 0 : i32
      %dma_start3A_60 = tpu.memref_slice %arg3[%add3A_8, %dma_start3A_59] : memref<2560x128xi32, #tpu.memory_space<hbm>> -> memref<40x128xi32, #tpu.memory_space<hbm>>
      %dma_start3A_61 = arith.constant 0 : i32
      %dma_start3A_62 = tpu.memref_slice %arg3[%add3A_8, %dma_start3A_61] : memref<2560x128xi32, #tpu.memory_space<hbm>> -> memref<40x128xi32, #tpu.memory_space<hbm>>
      tpu.enqueue_dma source(%dma_start3A_62 : memref<40x128xi32, #tpu.memory_space<hbm>>) target(%arg7 : memref<40x128xi32, #tpu.memory_space<vmem>>) target_semaphore(%run_scoped3A : memref<!tpu.dma_semaphore, #tpu.memory_space<semaphore_mem>>)
      %dma_wait3A = arith.constant 0 : i32
      %dma_wait3A_63 = tpu.memref_slice %arg3[%add3A_8, %dma_wait3A] : memref<2560x128xi32, #tpu.memory_space<hbm>> -> memref<40x128xi32, #tpu.memory_space<hbm>>
      %dma_wait3A_64 = arith.constant 0 : i32
      %dma_wait3A_65 = tpu.memref_slice %arg3[%add3A_8, %dma_wait3A_64] : memref<2560x128xi32, #tpu.memory_space<hbm>> -> memref<40x128xi32, #tpu.memory_space<hbm>>
      tpu.wait_dma2 semaphore(%run_scoped3A : memref<!tpu.dma_semaphore, #tpu.memory_space<semaphore_mem>>) src(%dma_wait3A_65 : memref<40x128xi32, #tpu.memory_space<hbm>>) dst(%arg7 : memref<40x128xi32, #tpu.memory_space<vmem>>)
      tpu.yield
    }) : () -> ()
    "tpu.region"() ({
      %run_scoped3A = tpu.sem_alloc : memref<!tpu.dma_semaphore, #tpu.memory_space<semaphore_mem>>
      %dma_start3A_59 = arith.constant 0 : i32
      %dma_start3A_60 = tpu.memref_slice %arg4[%add3A_8, %dma_start3A_59] : memref<2560x128xi32, #tpu.memory_space<hbm>> -> memref<40x128xi32, #tpu.memory_space<hbm>>
      %dma_start3A_61 = arith.constant 0 : i32
      %dma_start3A_62 = tpu.memref_slice %arg4[%add3A_8, %dma_start3A_61] : memref<2560x128xi32, #tpu.memory_space<hbm>> -> memref<40x128xi32, #tpu.memory_space<hbm>>
      tpu.enqueue_dma source(%dma_start3A_62 : memref<40x128xi32, #tpu.memory_space<hbm>>) target(%arg8 : memref<40x128xi32, #tpu.memory_space<vmem>>) target_semaphore(%run_scoped3A : memref<!tpu.dma_semaphore, #tpu.memory_space<semaphore_mem>>)
      %dma_wait3A = arith.constant 0 : i32
      %dma_wait3A_63 = tpu.memref_slice %arg4[%add3A_8, %dma_wait3A] : memref<2560x128xi32, #tpu.memory_space<hbm>> -> memref<40x128xi32, #tpu.memory_space<hbm>>
      %dma_wait3A_64 = arith.constant 0 : i32
      %dma_wait3A_65 = tpu.memref_slice %arg4[%add3A_8, %dma_wait3A_64] : memref<2560x128xi32, #tpu.memory_space<hbm>> -> memref<40x128xi32, #tpu.memory_space<hbm>>
      tpu.wait_dma2 semaphore(%run_scoped3A : memref<!tpu.dma_semaphore, #tpu.memory_space<semaphore_mem>>) src(%dma_wait3A_65 : memref<40x128xi32, #tpu.memory_space<hbm>>) dst(%arg8 : memref<40x128xi32, #tpu.memory_space<vmem>>)
      tpu.yield
    }) : () -> ()
    %dma_start3A = arith.constant 0 : i32
    %dma_start3A_9 = arith.constant 0 : i32
    %dma_start3A_10 = tpu.memref_slice %arg7[%dma_start3A, %dma_start3A_9] : memref<40x128xi32, #tpu.memory_space<vmem>> -> memref<1x128xi32, #tpu.memory_space<vmem>>
    %dma_start3A_11 = tpu.memref_squeeze %dma_start3A_10 : memref<1x128xi32, #tpu.memory_space<vmem>> -> memref<128xi32, #tpu.memory_space<vmem>>
    %dma_start3A_12 = arith.constant 0 : i32
    %dma_start3A_13 = arith.constant 0 : i32
    %dma_start3A_14 = tpu.memref_slice %arg2[%dma_start3A_12, %dma_start3A_13] : memref<10240x128xf32, #tpu.memory_space<hbm>> -> memref<10240x128xf32, #tpu.memory_space<hbm>>
    tpu.enqueue_indirect_dma source(%dma_start3A_14 : memref<10240x128xf32, #tpu.memory_space<hbm>>) target(%arg9 : memref<128x128xf32, #tpu.memory_space<vmem>>) offsets(%dma_start3A_11 : memref<128xi32, #tpu.memory_space<vmem>>) semaphore(%arg12 : memref<!tpu.dma_semaphore, #tpu.memory_space<semaphore_mem>>)
    %dma_start3A_15 = arith.constant 1 : i32
    %dma_start3A_16 = arith.constant 0 : i32
    %dma_start3A_17 = tpu.memref_slice %arg7[%dma_start3A_15, %dma_start3A_16] : memref<40x128xi32, #tpu.memory_space<vmem>> -> memref<1x128xi32, #tpu.memory_space<vmem>>
    %dma_start3A_18 = tpu.memref_squeeze %dma_start3A_17 : memref<1x128xi32, #tpu.memory_space<vmem>> -> memref<128xi32, #tpu.memory_space<vmem>>
    %dma_start3A_19 = arith.constant 0 : i32
    %dma_start3A_20 = arith.constant 0 : i32
    %dma_start3A_21 = tpu.memref_slice %arg2[%dma_start3A_19, %dma_start3A_20] : memref<10240x128xf32, #tpu.memory_space<hbm>> -> memref<10240x128xf32, #tpu.memory_space<hbm>>
    tpu.enqueue_indirect_dma source(%dma_start3A_21 : memref<10240x128xf32, #tpu.memory_space<hbm>>) target(%arg10 : memref<128x128xf32, #tpu.memory_space<vmem>>) offsets(%dma_start3A_18 : memref<128xi32, #tpu.memory_space<vmem>>) semaphore(%arg13 : memref<!tpu.dma_semaphore, #tpu.memory_space<semaphore_mem>>)
    %scan3A = arith.constant 0 : i32
    %scan3A_22 = arith.constant 0 : i32
    %scan3A_23 = arith.constant 20 : i32
    %scan3A_24 = arith.addi %scan3A_22, %scan3A_23 : i32
    %scan3A_25 = arith.constant 1 : i32
    scf.for %scan3A_59 = %scan3A_22 to %scan3A_24 step %scan3A_25  : i32 {
      %mul3A_60 = arith.constant 2 : i32
      %mul3A_61 = arith.muli %mul3A_60, %scan3A_59 : i32
      %add3A_62 = arith.constant 1 : i32
      %add3A_63 = arith.addi %mul3A_61, %add3A_62 : i32
      %dma_wait3A = arith.constant 0 : i32
      %dma_wait3A_64 = tpu.memref_slice %arg7[%mul3A_61, %dma_wait3A] : memref<40x128xi32, #tpu.memory_space<vmem>> -> memref<1x128xi32, #tpu.memory_space<vmem>>
      %dma_wait3A_65 = tpu.memref_squeeze %dma_wait3A_64 : memref<1x128xi32, #tpu.memory_space<vmem>> -> memref<128xi32, #tpu.memory_space<vmem>>
      %dma_wait3A_66 = arith.constant 0 : i32
      %dma_wait3A_67 = arith.constant 0 : i32
      %dma_wait3A_68 = tpu.memref_slice %arg2[%dma_wait3A_66, %dma_wait3A_67] : memref<10240x128xf32, #tpu.memory_space<hbm>> -> memref<10240x128xf32, #tpu.memory_space<hbm>>
      tpu.wait_indirect_dma semaphore(%arg12 : memref<!tpu.dma_semaphore, #tpu.memory_space<semaphore_mem>>) src(%dma_wait3A_68 : memref<10240x128xf32, #tpu.memory_space<hbm>>) dst(%arg9 : memref<128x128xf32, #tpu.memory_space<vmem>>)
      "tpu.region"() ({
        %run_scoped3A = tpu.sem_alloc : memref<!tpu.dma_semaphore, #tpu.memory_space<semaphore_mem>>
        %dma_start3A_86 = arith.constant 0 : i32
        %dma_start3A_87 = tpu.memref_slice %arg8[%mul3A_61, %dma_start3A_86] : memref<40x128xi32, #tpu.memory_space<vmem>> -> memref<1x128xi32, #tpu.memory_space<vmem>>
        %dma_start3A_88 = tpu.memref_squeeze %dma_start3A_87 : memref<1x128xi32, #tpu.memory_space<vmem>> -> memref<128xi32, #tpu.memory_space<vmem>>
        %dma_start3A_89 = arith.constant 0 : i32
        %dma_start3A_90 = arith.constant 0 : i32
        %dma_start3A_91 = tpu.memref_slice %arg11[%dma_start3A_89, %dma_start3A_90] : memref<10240x128xf32, #tpu.memory_space<vmem_shared>> -> memref<10240x128xf32, #tpu.memory_space<vmem_shared>>
        tpu.enqueue_indirect_dma source(%arg9 : memref<128x128xf32, #tpu.memory_space<vmem>>) target(%dma_start3A_91 : memref<10240x128xf32, #tpu.memory_space<vmem_shared>>) offsets(%dma_start3A_88 : memref<128xi32, #tpu.memory_space<vmem>>) semaphore(%run_scoped3A : memref<!tpu.dma_semaphore, #tpu.memory_space<semaphore_mem>>) {add = true}
        %dma_wait3A_92 = arith.constant 0 : i32
        %dma_wait3A_93 = tpu.memref_slice %arg8[%mul3A_61, %dma_wait3A_92] : memref<40x128xi32, #tpu.memory_space<vmem>> -> memref<1x128xi32, #tpu.memory_space<vmem>>
        %dma_wait3A_94 = tpu.memref_squeeze %dma_wait3A_93 : memref<1x128xi32, #tpu.memory_space<vmem>> -> memref<128xi32, #tpu.memory_space<vmem>>
        %dma_wait3A_95 = arith.constant 0 : i32
        %dma_wait3A_96 = arith.constant 0 : i32
        %dma_wait3A_97 = tpu.memref_slice %arg11[%dma_wait3A_95, %dma_wait3A_96] : memref<10240x128xf32, #tpu.memory_space<vmem_shared>> -> memref<10240x128xf32, #tpu.memory_space<vmem_shared>>
        tpu.wait_indirect_dma semaphore(%run_scoped3A : memref<!tpu.dma_semaphore, #tpu.memory_space<semaphore_mem>>) src(%arg9 : memref<128x128xf32, #tpu.memory_space<vmem>>) dst(%dma_wait3A_97 : memref<10240x128xf32, #tpu.memory_space<vmem_shared>>)
        tpu.yield
      }) : () -> ()
      %add3A_69 = arith.constant 2 : i32
      %add3A_70 = arith.addi %mul3A_61, %add3A_69 : i32
      %lt3A = arith.constant 40 : i32
      %lt3A_71 = arith.cmpi slt, %add3A_70, %lt3A : i32
      %convert_element_type3A = arith.extui %lt3A_71 : i1 to i32
      %cond3A = arith.constant 0 : i32
      %cond3A_72 = arith.cmpi ne, %convert_element_type3A, %cond3A : i32
      scf.if %cond3A_72 {
        %add3A_86 = arith.constant 2 : i32
        %add3A_87 = arith.addi %mul3A_61, %add3A_86 : i32
        %dma_start3A_88 = arith.constant 0 : i32
        %dma_start3A_89 = tpu.memref_slice %arg7[%add3A_87, %dma_start3A_88] : memref<40x128xi32, #tpu.memory_space<vmem>> -> memref<1x128xi32, #tpu.memory_space<vmem>>
        %dma_start3A_90 = tpu.memref_squeeze %dma_start3A_89 : memref<1x128xi32, #tpu.memory_space<vmem>> -> memref<128xi32, #tpu.memory_space<vmem>>
        %dma_start3A_91 = arith.constant 0 : i32
        %dma_start3A_92 = arith.constant 0 : i32
        %dma_start3A_93 = tpu.memref_slice %arg2[%dma_start3A_91, %dma_start3A_92] : memref<10240x128xf32, #tpu.memory_space<hbm>> -> memref<10240x128xf32, #tpu.memory_space<hbm>>
        tpu.enqueue_indirect_dma source(%dma_start3A_93 : memref<10240x128xf32, #tpu.memory_space<hbm>>) target(%arg9 : memref<128x128xf32, #tpu.memory_space<vmem>>) offsets(%dma_start3A_90 : memref<128xi32, #tpu.memory_space<vmem>>) semaphore(%arg12 : memref<!tpu.dma_semaphore, #tpu.memory_space<semaphore_mem>>)
      } else {
      }
      %dma_wait3A_73 = arith.constant 0 : i32
      %dma_wait3A_74 = tpu.memref_slice %arg7[%add3A_63, %dma_wait3A_73] : memref<40x128xi32, #tpu.memory_space<vmem>> -> memref<1x128xi32, #tpu.memory_space<vmem>>
      %dma_wait3A_75 = tpu.memref_squeeze %dma_wait3A_74 : memref<1x128xi32, #tpu.memory_space<vmem>> -> memref<128xi32, #tpu.memory_space<vmem>>
      %dma_wait3A_76 = arith.constant 0 : i32
      %dma_wait3A_77 = arith.constant 0 : i32
      %dma_wait3A_78 = tpu.memref_slice %arg2[%dma_wait3A_76, %dma_wait3A_77] : memref<10240x128xf32, #tpu.memory_space<hbm>> -> memref<10240x128xf32, #tpu.memory_space<hbm>>
      tpu.wait_indirect_dma semaphore(%arg13 : memref<!tpu.dma_semaphore, #tpu.memory_space<semaphore_mem>>) src(%dma_wait3A_78 : memref<10240x128xf32, #tpu.memory_space<hbm>>) dst(%arg10 : memref<128x128xf32, #tpu.memory_space<vmem>>)
      "tpu.region"() ({
        %run_scoped3A = tpu.sem_alloc : memref<!tpu.dma_semaphore, #tpu.memory_space<semaphore_mem>>
        %dma_start3A_86 = arith.constant 0 : i32
        %dma_start3A_87 = tpu.memref_slice %arg8[%add3A_63, %dma_start3A_86] : memref<40x128xi32, #tpu.memory_space<vmem>> -> memref<1x128xi32, #tpu.memory_space<vmem>>
        %dma_start3A_88 = tpu.memref_squeeze %dma_start3A_87 : memref<1x128xi32, #tpu.memory_space<vmem>> -> memref<128xi32, #tpu.memory_space<vmem>>
        %dma_start3A_89 = arith.constant 0 : i32
        %dma_start3A_90 = arith.constant 0 : i32
        %dma_start3A_91 = tpu.memref_slice %arg11[%dma_start3A_89, %dma_start3A_90] : memref<10240x128xf32, #tpu.memory_space<vmem_shared>> -> memref<10240x128xf32, #tpu.memory_space<vmem_shared>>
        tpu.enqueue_indirect_dma source(%arg10 : memref<128x128xf32, #tpu.memory_space<vmem>>) target(%dma_start3A_91 : memref<10240x128xf32, #tpu.memory_space<vmem_shared>>) offsets(%dma_start3A_88 : memref<128xi32, #tpu.memory_space<vmem>>) semaphore(%run_scoped3A : memref<!tpu.dma_semaphore, #tpu.memory_space<semaphore_mem>>) {add = true}
        %dma_wait3A_92 = arith.constant 0 : i32
        %dma_wait3A_93 = tpu.memref_slice %arg8[%add3A_63, %dma_wait3A_92] : memref<40x128xi32, #tpu.memory_space<vmem>> -> memref<1x128xi32, #tpu.memory_space<vmem>>
        %dma_wait3A_94 = tpu.memref_squeeze %dma_wait3A_93 : memref<1x128xi32, #tpu.memory_space<vmem>> -> memref<128xi32, #tpu.memory_space<vmem>>
        %dma_wait3A_95 = arith.constant 0 : i32
        %dma_wait3A_96 = arith.constant 0 : i32
        %dma_wait3A_97 = tpu.memref_slice %arg11[%dma_wait3A_95, %dma_wait3A_96] : memref<10240x128xf32, #tpu.memory_space<vmem_shared>> -> memref<10240x128xf32, #tpu.memory_space<vmem_shared>>
        tpu.wait_indirect_dma semaphore(%run_scoped3A : memref<!tpu.dma_semaphore, #tpu.memory_space<semaphore_mem>>) src(%arg10 : memref<128x128xf32, #tpu.memory_space<vmem>>) dst(%dma_wait3A_97 : memref<10240x128xf32, #tpu.memory_space<vmem_shared>>)
        tpu.yield
      }) : () -> ()
      %add3A_79 = arith.constant 2 : i32
      %add3A_80 = arith.addi %add3A_63, %add3A_79 : i32
      %lt3A_81 = arith.constant 40 : i32
      %lt3A_82 = arith.cmpi slt, %add3A_80, %lt3A_81 : i32
      %convert_element_type3A_83 = arith.extui %lt3A_82 : i1 to i32
      %cond3A_84 = arith.constant 0 : i32
      %cond3A_85 = arith.cmpi ne, %convert_element_type3A_83, %cond3A_84 : i32
      scf.if %cond3A_85 {
        %add3A_86 = arith.constant 2 : i32
        %add3A_87 = arith.addi %add3A_63, %add3A_86 : i32
        %dma_start3A_88 = arith.constant 0 : i32
        %dma_start3A_89 = tpu.memref_slice %arg7[%add3A_87, %dma_start3A_88] : memref<40x128xi32, #tpu.memory_space<vmem>> -> memref<1x128xi32, #tpu.memory_space<vmem>>
        %dma_start3A_90 = tpu.memref_squeeze %dma_start3A_89 : memref<1x128xi32, #tpu.memory_space<vmem>> -> memref<128xi32, #tpu.memory_space<vmem>>
        %dma_start3A_91 = arith.constant 0 : i32
        %dma_start3A_92 = arith.constant 0 : i32
        %dma_start3A_93 = tpu.memref_slice %arg2[%dma_start3A_91, %dma_start3A_92] : memref<10240x128xf32, #tpu.memory_space<hbm>> -> memref<10240x128xf32, #tpu.memory_space<hbm>>
        tpu.enqueue_indirect_dma source(%dma_start3A_93 : memref<10240x128xf32, #tpu.memory_space<hbm>>) target(%arg10 : memref<128x128xf32, #tpu.memory_space<vmem>>) offsets(%dma_start3A_90 : memref<128xi32, #tpu.memory_space<vmem>>) semaphore(%arg13 : memref<!tpu.dma_semaphore, #tpu.memory_space<semaphore_mem>>)
      } else {
      }
    }
    %scan3A_26 = arith.constant 20 : i32
    %mul3A_27 = arith.constant 80 : i32
    %mul3A_28 = arith.muli %add3A, %mul3A_27 : i32
    %add3A_29 = arith.constant 40 : i32
    %add3A_30 = arith.addi %mul3A_28, %add3A_29 : i32
    "tpu.region"() ({
      %run_scoped3A = tpu.sem_alloc : memref<!tpu.dma_semaphore, #tpu.memory_space<semaphore_mem>>
      %dma_start3A_59 = arith.constant 0 : i32
      %dma_start3A_60 = tpu.memref_slice %arg3[%add3A_30, %dma_start3A_59] : memref<2560x128xi32, #tpu.memory_space<hbm>> -> memref<40x128xi32, #tpu.memory_space<hbm>>
      %dma_start3A_61 = arith.constant 0 : i32
      %dma_start3A_62 = tpu.memref_slice %arg3[%add3A_30, %dma_start3A_61] : memref<2560x128xi32, #tpu.memory_space<hbm>> -> memref<40x128xi32, #tpu.memory_space<hbm>>
      tpu.enqueue_dma source(%dma_start3A_62 : memref<40x128xi32, #tpu.memory_space<hbm>>) target(%arg7 : memref<40x128xi32, #tpu.memory_space<vmem>>) target_semaphore(%run_scoped3A : memref<!tpu.dma_semaphore, #tpu.memory_space<semaphore_mem>>)
      %dma_wait3A = arith.constant 0 : i32
      %dma_wait3A_63 = tpu.memref_slice %arg3[%add3A_30, %dma_wait3A] : memref<2560x128xi32, #tpu.memory_space<hbm>> -> memref<40x128xi32, #tpu.memory_space<hbm>>
      %dma_wait3A_64 = arith.constant 0 : i32
      %dma_wait3A_65 = tpu.memref_slice %arg3[%add3A_30, %dma_wait3A_64] : memref<2560x128xi32, #tpu.memory_space<hbm>> -> memref<40x128xi32, #tpu.memory_space<hbm>>
      tpu.wait_dma2 semaphore(%run_scoped3A : memref<!tpu.dma_semaphore, #tpu.memory_space<semaphore_mem>>) src(%dma_wait3A_65 : memref<40x128xi32, #tpu.memory_space<hbm>>) dst(%arg7 : memref<40x128xi32, #tpu.memory_space<vmem>>)
      tpu.yield
    }) : () -> ()
    "tpu.region"() ({
      %run_scoped3A = tpu.sem_alloc : memref<!tpu.dma_semaphore, #tpu.memory_space<semaphore_mem>>
      %dma_start3A_59 = arith.constant 0 : i32
      %dma_start3A_60 = tpu.memref_slice %arg4[%add3A_30, %dma_start3A_59] : memref<2560x128xi32, #tpu.memory_space<hbm>> -> memref<40x128xi32, #tpu.memory_space<hbm>>
      %dma_start3A_61 = arith.constant 0 : i32
      %dma_start3A_62 = tpu.memref_slice %arg4[%add3A_30, %dma_start3A_61] : memref<2560x128xi32, #tpu.memory_space<hbm>> -> memref<40x128xi32, #tpu.memory_space<hbm>>
      tpu.enqueue_dma source(%dma_start3A_62 : memref<40x128xi32, #tpu.memory_space<hbm>>) target(%arg8 : memref<40x128xi32, #tpu.memory_space<vmem>>) target_semaphore(%run_scoped3A : memref<!tpu.dma_semaphore, #tpu.memory_space<semaphore_mem>>)
      %dma_wait3A = arith.constant 0 : i32
      %dma_wait3A_63 = tpu.memref_slice %arg4[%add3A_30, %dma_wait3A] : memref<2560x128xi32, #tpu.memory_space<hbm>> -> memref<40x128xi32, #tpu.memory_space<hbm>>
      %dma_wait3A_64 = arith.constant 0 : i32
      %dma_wait3A_65 = tpu.memref_slice %arg4[%add3A_30, %dma_wait3A_64] : memref<2560x128xi32, #tpu.memory_space<hbm>> -> memref<40x128xi32, #tpu.memory_space<hbm>>
      tpu.wait_dma2 semaphore(%run_scoped3A : memref<!tpu.dma_semaphore, #tpu.memory_space<semaphore_mem>>) src(%dma_wait3A_65 : memref<40x128xi32, #tpu.memory_space<hbm>>) dst(%arg8 : memref<40x128xi32, #tpu.memory_space<vmem>>)
      tpu.yield
    }) : () -> ()
    %dma_start3A_31 = arith.constant 0 : i32
    %dma_start3A_32 = arith.constant 0 : i32
    %dma_start3A_33 = tpu.memref_slice %arg7[%dma_start3A_31, %dma_start3A_32] : memref<40x128xi32, #tpu.memory_space<vmem>> -> memref<1x128xi32, #tpu.memory_space<vmem>>
    %dma_start3A_34 = tpu.memref_squeeze %dma_start3A_33 : memref<1x128xi32, #tpu.memory_space<vmem>> -> memref<128xi32, #tpu.memory_space<vmem>>
    %dma_start3A_35 = arith.constant 0 : i32
    %dma_start3A_36 = arith.constant 0 : i32
    %dma_start3A_37 = tpu.memref_slice %arg2[%dma_start3A_35, %dma_start3A_36] : memref<10240x128xf32, #tpu.memory_space<hbm>> -> memref<10240x128xf32, #tpu.memory_space<hbm>>
    tpu.enqueue_indirect_dma source(%dma_start3A_37 : memref<10240x128xf32, #tpu.memory_space<hbm>>) target(%arg9 : memref<128x128xf32, #tpu.memory_space<vmem>>) offsets(%dma_start3A_34 : memref<128xi32, #tpu.memory_space<vmem>>) semaphore(%arg12 : memref<!tpu.dma_semaphore, #tpu.memory_space<semaphore_mem>>)
    %dma_start3A_38 = arith.constant 1 : i32
    %dma_start3A_39 = arith.constant 0 : i32
    %dma_start3A_40 = tpu.memref_slice %arg7[%dma_start3A_38, %dma_start3A_39] : memref<40x128xi32, #tpu.memory_space<vmem>> -> memref<1x128xi32, #tpu.memory_space<vmem>>
    %dma_start3A_41 = tpu.memref_squeeze %dma_start3A_40 : memref<1x128xi32, #tpu.memory_space<vmem>> -> memref<128xi32, #tpu.memory_space<vmem>>
    %dma_start3A_42 = arith.constant 0 : i32
    %dma_start3A_43 = arith.constant 0 : i32
    %dma_start3A_44 = tpu.memref_slice %arg2[%dma_start3A_42, %dma_start3A_43] : memref<10240x128xf32, #tpu.memory_space<hbm>> -> memref<10240x128xf32, #tpu.memory_space<hbm>>
    tpu.enqueue_indirect_dma source(%dma_start3A_44 : memref<10240x128xf32, #tpu.memory_space<hbm>>) target(%arg10 : memref<128x128xf32, #tpu.memory_space<vmem>>) offsets(%dma_start3A_41 : memref<128xi32, #tpu.memory_space<vmem>>) semaphore(%arg13 : memref<!tpu.dma_semaphore, #tpu.memory_space<semaphore_mem>>)
    %scan3A_45 = arith.constant 0 : i32
    %scan3A_46 = arith.constant 0 : i32
    %scan3A_47 = arith.constant 20 : i32
    %scan3A_48 = arith.addi %scan3A_46, %scan3A_47 : i32
    %scan3A_49 = arith.constant 1 : i32
    scf.for %scan3A_59 = %scan3A_46 to %scan3A_48 step %scan3A_49  : i32 {
      %mul3A_60 = arith.constant 2 : i32
      %mul3A_61 = arith.muli %mul3A_60, %scan3A_59 : i32
      %add3A_62 = arith.constant 1 : i32
      %add3A_63 = arith.addi %mul3A_61, %add3A_62 : i32
      %dma_wait3A = arith.constant 0 : i32
      %dma_wait3A_64 = tpu.memref_slice %arg7[%mul3A_61, %dma_wait3A] : memref<40x128xi32, #tpu.memory_space<vmem>> -> memref<1x128xi32, #tpu.memory_space<vmem>>
      %dma_wait3A_65 = tpu.memref_squeeze %dma_wait3A_64 : memref<1x128xi32, #tpu.memory_space<vmem>> -> memref<128xi32, #tpu.memory_space<vmem>>
      %dma_wait3A_66 = arith.constant 0 : i32
      %dma_wait3A_67 = arith.constant 0 : i32
      %dma_wait3A_68 = tpu.memref_slice %arg2[%dma_wait3A_66, %dma_wait3A_67] : memref<10240x128xf32, #tpu.memory_space<hbm>> -> memref<10240x128xf32, #tpu.memory_space<hbm>>
      tpu.wait_indirect_dma semaphore(%arg12 : memref<!tpu.dma_semaphore, #tpu.memory_space<semaphore_mem>>) src(%dma_wait3A_68 : memref<10240x128xf32, #tpu.memory_space<hbm>>) dst(%arg9 : memref<128x128xf32, #tpu.memory_space<vmem>>)
      "tpu.region"() ({
        %run_scoped3A = tpu.sem_alloc : memref<!tpu.dma_semaphore, #tpu.memory_space<semaphore_mem>>
        %dma_start3A_86 = arith.constant 0 : i32
        %dma_start3A_87 = tpu.memref_slice %arg8[%mul3A_61, %dma_start3A_86] : memref<40x128xi32, #tpu.memory_space<vmem>> -> memref<1x128xi32, #tpu.memory_space<vmem>>
        %dma_start3A_88 = tpu.memref_squeeze %dma_start3A_87 : memref<1x128xi32, #tpu.memory_space<vmem>> -> memref<128xi32, #tpu.memory_space<vmem>>
        %dma_start3A_89 = arith.constant 0 : i32
        %dma_start3A_90 = arith.constant 0 : i32
        %dma_start3A_91 = tpu.memref_slice %arg11[%dma_start3A_89, %dma_start3A_90] : memref<10240x128xf32, #tpu.memory_space<vmem_shared>> -> memref<10240x128xf32, #tpu.memory_space<vmem_shared>>
        tpu.enqueue_indirect_dma source(%arg9 : memref<128x128xf32, #tpu.memory_space<vmem>>) target(%dma_start3A_91 : memref<10240x128xf32, #tpu.memory_space<vmem_shared>>) offsets(%dma_start3A_88 : memref<128xi32, #tpu.memory_space<vmem>>) semaphore(%run_scoped3A : memref<!tpu.dma_semaphore, #tpu.memory_space<semaphore_mem>>) {add = true}
        %dma_wait3A_92 = arith.constant 0 : i32
        %dma_wait3A_93 = tpu.memref_slice %arg8[%mul3A_61, %dma_wait3A_92] : memref<40x128xi32, #tpu.memory_space<vmem>> -> memref<1x128xi32, #tpu.memory_space<vmem>>
        %dma_wait3A_94 = tpu.memref_squeeze %dma_wait3A_93 : memref<1x128xi32, #tpu.memory_space<vmem>> -> memref<128xi32, #tpu.memory_space<vmem>>
        %dma_wait3A_95 = arith.constant 0 : i32
        %dma_wait3A_96 = arith.constant 0 : i32
        %dma_wait3A_97 = tpu.memref_slice %arg11[%dma_wait3A_95, %dma_wait3A_96] : memref<10240x128xf32, #tpu.memory_space<vmem_shared>> -> memref<10240x128xf32, #tpu.memory_space<vmem_shared>>
        tpu.wait_indirect_dma semaphore(%run_scoped3A : memref<!tpu.dma_semaphore, #tpu.memory_space<semaphore_mem>>) src(%arg9 : memref<128x128xf32, #tpu.memory_space<vmem>>) dst(%dma_wait3A_97 : memref<10240x128xf32, #tpu.memory_space<vmem_shared>>)
        tpu.yield
      }) : () -> ()
      %add3A_69 = arith.constant 2 : i32
      %add3A_70 = arith.addi %mul3A_61, %add3A_69 : i32
      %lt3A = arith.constant 40 : i32
      %lt3A_71 = arith.cmpi slt, %add3A_70, %lt3A : i32
      %convert_element_type3A = arith.extui %lt3A_71 : i1 to i32
      %cond3A = arith.constant 0 : i32
      %cond3A_72 = arith.cmpi ne, %convert_element_type3A, %cond3A : i32
      scf.if %cond3A_72 {
        %add3A_86 = arith.constant 2 : i32
        %add3A_87 = arith.addi %mul3A_61, %add3A_86 : i32
        %dma_start3A_88 = arith.constant 0 : i32
        %dma_start3A_89 = tpu.memref_slice %arg7[%add3A_87, %dma_start3A_88] : memref<40x128xi32, #tpu.memory_space<vmem>> -> memref<1x128xi32, #tpu.memory_space<vmem>>
        %dma_start3A_90 = tpu.memref_squeeze %dma_start3A_89 : memref<1x128xi32, #tpu.memory_space<vmem>> -> memref<128xi32, #tpu.memory_space<vmem>>
        %dma_start3A_91 = arith.constant 0 : i32
        %dma_start3A_92 = arith.constant 0 : i32
        %dma_start3A_93 = tpu.memref_slice %arg2[%dma_start3A_91, %dma_start3A_92] : memref<10240x128xf32, #tpu.memory_space<hbm>> -> memref<10240x128xf32, #tpu.memory_space<hbm>>
        tpu.enqueue_indirect_dma source(%dma_start3A_93 : memref<10240x128xf32, #tpu.memory_space<hbm>>) target(%arg9 : memref<128x128xf32, #tpu.memory_space<vmem>>) offsets(%dma_start3A_90 : memref<128xi32, #tpu.memory_space<vmem>>) semaphore(%arg12 : memref<!tpu.dma_semaphore, #tpu.memory_space<semaphore_mem>>)
      } else {
      }
      %dma_wait3A_73 = arith.constant 0 : i32
      %dma_wait3A_74 = tpu.memref_slice %arg7[%add3A_63, %dma_wait3A_73] : memref<40x128xi32, #tpu.memory_space<vmem>> -> memref<1x128xi32, #tpu.memory_space<vmem>>
      %dma_wait3A_75 = tpu.memref_squeeze %dma_wait3A_74 : memref<1x128xi32, #tpu.memory_space<vmem>> -> memref<128xi32, #tpu.memory_space<vmem>>
      %dma_wait3A_76 = arith.constant 0 : i32
      %dma_wait3A_77 = arith.constant 0 : i32
      %dma_wait3A_78 = tpu.memref_slice %arg2[%dma_wait3A_76, %dma_wait3A_77] : memref<10240x128xf32, #tpu.memory_space<hbm>> -> memref<10240x128xf32, #tpu.memory_space<hbm>>
      tpu.wait_indirect_dma semaphore(%arg13 : memref<!tpu.dma_semaphore, #tpu.memory_space<semaphore_mem>>) src(%dma_wait3A_78 : memref<10240x128xf32, #tpu.memory_space<hbm>>) dst(%arg10 : memref<128x128xf32, #tpu.memory_space<vmem>>)
      "tpu.region"() ({
        %run_scoped3A = tpu.sem_alloc : memref<!tpu.dma_semaphore, #tpu.memory_space<semaphore_mem>>
        %dma_start3A_86 = arith.constant 0 : i32
        %dma_start3A_87 = tpu.memref_slice %arg8[%add3A_63, %dma_start3A_86] : memref<40x128xi32, #tpu.memory_space<vmem>> -> memref<1x128xi32, #tpu.memory_space<vmem>>
        %dma_start3A_88 = tpu.memref_squeeze %dma_start3A_87 : memref<1x128xi32, #tpu.memory_space<vmem>> -> memref<128xi32, #tpu.memory_space<vmem>>
        %dma_start3A_89 = arith.constant 0 : i32
        %dma_start3A_90 = arith.constant 0 : i32
        %dma_start3A_91 = tpu.memref_slice %arg11[%dma_start3A_89, %dma_start3A_90] : memref<10240x128xf32, #tpu.memory_space<vmem_shared>> -> memref<10240x128xf32, #tpu.memory_space<vmem_shared>>
        tpu.enqueue_indirect_dma source(%arg10 : memref<128x128xf32, #tpu.memory_space<vmem>>) target(%dma_start3A_91 : memref<10240x128xf32, #tpu.memory_space<vmem_shared>>) offsets(%dma_start3A_88 : memref<128xi32, #tpu.memory_space<vmem>>) semaphore(%run_scoped3A : memref<!tpu.dma_semaphore, #tpu.memory_space<semaphore_mem>>) {add = true}
        %dma_wait3A_92 = arith.constant 0 : i32
        %dma_wait3A_93 = tpu.memref_slice %arg8[%add3A_63, %dma_wait3A_92] : memref<40x128xi32, #tpu.memory_space<vmem>> -> memref<1x128xi32, #tpu.memory_space<vmem>>
        %dma_wait3A_94 = tpu.memref_squeeze %dma_wait3A_93 : memref<1x128xi32, #tpu.memory_space<vmem>> -> memref<128xi32, #tpu.memory_space<vmem>>
        %dma_wait3A_95 = arith.constant 0 : i32
        %dma_wait3A_96 = arith.constant 0 : i32
        %dma_wait3A_97 = tpu.memref_slice %arg11[%dma_wait3A_95, %dma_wait3A_96] : memref<10240x128xf32, #tpu.memory_space<vmem_shared>> -> memref<10240x128xf32, #tpu.memory_space<vmem_shared>>
        tpu.wait_indirect_dma semaphore(%run_scoped3A : memref<!tpu.dma_semaphore, #tpu.memory_space<semaphore_mem>>) src(%arg10 : memref<128x128xf32, #tpu.memory_space<vmem>>) dst(%dma_wait3A_97 : memref<10240x128xf32, #tpu.memory_space<vmem_shared>>)
        tpu.yield
      }) : () -> ()
      %add3A_79 = arith.constant 2 : i32
      %add3A_80 = arith.addi %add3A_63, %add3A_79 : i32
      %lt3A_81 = arith.constant 40 : i32
      %lt3A_82 = arith.cmpi slt, %add3A_80, %lt3A_81 : i32
      %convert_element_type3A_83 = arith.extui %lt3A_82 : i1 to i32
      %cond3A_84 = arith.constant 0 : i32
      %cond3A_85 = arith.cmpi ne, %convert_element_type3A_83, %cond3A_84 : i32
      scf.if %cond3A_85 {
        %add3A_86 = arith.constant 2 : i32
        %add3A_87 = arith.addi %add3A_63, %add3A_86 : i32
        %dma_start3A_88 = arith.constant 0 : i32
        %dma_start3A_89 = tpu.memref_slice %arg7[%add3A_87, %dma_start3A_88] : memref<40x128xi32, #tpu.memory_space<vmem>> -> memref<1x128xi32, #tpu.memory_space<vmem>>
        %dma_start3A_90 = tpu.memref_squeeze %dma_start3A_89 : memref<1x128xi32, #tpu.memory_space<vmem>> -> memref<128xi32, #tpu.memory_space<vmem>>
        %dma_start3A_91 = arith.constant 0 : i32
        %dma_start3A_92 = arith.constant 0 : i32
        %dma_start3A_93 = tpu.memref_slice %arg2[%dma_start3A_91, %dma_start3A_92] : memref<10240x128xf32, #tpu.memory_space<hbm>> -> memref<10240x128xf32, #tpu.memory_space<hbm>>
        tpu.enqueue_indirect_dma source(%dma_start3A_93 : memref<10240x128xf32, #tpu.memory_space<hbm>>) target(%arg10 : memref<128x128xf32, #tpu.memory_space<vmem>>) offsets(%dma_start3A_90 : memref<128xi32, #tpu.memory_space<vmem>>) semaphore(%arg13 : memref<!tpu.dma_semaphore, #tpu.memory_space<semaphore_mem>>)
      } else {
      }
    }
    %scan3A_50 = arith.constant 20 : i32
    %barrier3A_51 = arith.constant 0 : index
    tpu.barrier barrier_id(%barrier3A_51)
    %mul3A_52 = arith.constant 640 : i32
    %mul3A_53 = arith.muli %arg1, %mul3A_52 : i32
    %mul3A_54 = arith.constant 10240 : i32
    %mul3A_55 = arith.muli %arg0, %mul3A_54 : i32
    %mul3A_56 = arith.constant 640 : i32
    %mul3A_57 = arith.muli %arg1, %mul3A_56 : i32
    %add3A_58 = arith.addi %mul3A_55, %mul3A_57 : i32
    "tpu.region"() ({
      %run_scoped3A = tpu.sem_alloc : memref<!tpu.dma_semaphore, #tpu.memory_space<semaphore_mem>>
      %dma_start3A_59 = arith.constant 0 : i32
      %dma_start3A_60 = tpu.memref_slice %arg6[%add3A_58, %dma_start3A_59] : memref<20480x128xf32, #tpu.memory_space<hbm>> -> memref<640x128xf32, #tpu.memory_space<hbm>>
      %dma_start3A_61 = arith.constant 0 : i32
      %dma_start3A_62 = tpu.memref_slice %arg11[%mul3A_53, %dma_start3A_61] : memref<10240x128xf32, #tpu.memory_space<vmem_shared>> -> memref<640x128xf32, #tpu.memory_space<vmem_shared>>
      tpu.enqueue_dma source(%dma_start3A_62 : memref<640x128xf32, #tpu.memory_space<vmem_shared>>) target(%dma_start3A_60 : memref<640x128xf32, #tpu.memory_space<hbm>>) target_semaphore(%run_scoped3A : memref<!tpu.dma_semaphore, #tpu.memory_space<semaphore_mem>>)
      %dma_wait3A = arith.constant 0 : i32
      %dma_wait3A_63 = tpu.memref_slice %arg6[%add3A_58, %dma_wait3A] : memref<20480x128xf32, #tpu.memory_space<hbm>> -> memref<640x128xf32, #tpu.memory_space<hbm>>
      %dma_wait3A_64 = arith.constant 0 : i32
      %dma_wait3A_65 = tpu.memref_slice %arg11[%mul3A_53, %dma_wait3A_64] : memref<10240x128xf32, #tpu.memory_space<vmem_shared>> -> memref<640x128xf32, #tpu.memory_space<vmem_shared>>
      tpu.wait_dma2 semaphore(%run_scoped3A : memref<!tpu.dma_semaphore, #tpu.memory_space<semaphore_mem>>) src(%dma_wait3A_65 : memref<640x128xf32, #tpu.memory_space<vmem_shared>>) dst(%dma_wait3A_63 : memref<640x128xf32, #tpu.memory_space<hbm>>)
      tpu.yield
    }) : () -> ()
    return
  }
}

#map = affine_map<(d0, d1) -> (0, 0)>
module attributes {stable_mosaic.version = 14 : i64} {
  func.func @run(%arg0: i32, %arg1: i32, %arg2: memref<10240x128xf32, #tpu.memory_space<hbm>>, %arg3: memref<2560x128xi32, #tpu.memory_space<hbm>>, %arg4: memref<2560x128xi32, #tpu.memory_space<hbm>>, %arg5: memref<10240x128xf32, #tpu.memory_space<hbm>>, %arg6: memref<20480x128xf32, #tpu.memory_space<hbm>>, %arg7: memref<40x128xi32, #tpu.memory_space<vmem>>, %arg8: memref<40x128xi32, #tpu.memory_space<vmem>>, %arg9: memref<128x128xf32, #tpu.memory_space<vmem>>, %arg10: memref<128x128xf32, #tpu.memory_space<vmem>>, %arg11: memref<10240x128xf32, #tpu.memory_space<vmem_shared>>, %arg12: memref<!tpu.dma_semaphore, #tpu.memory_space<semaphore_mem>>, %arg13: memref<!tpu.dma_semaphore, #tpu.memory_space<semaphore_mem>>) attributes {dimension_semantics = [#tpu.dimension_semantics<core_parallel>, #tpu.dimension_semantics<subcore_parallel>], iteration_bounds = array<i64: 2, 16>, scalar_prefetch = 0 : i64, scratch_operands = 7 : i64, tpu.core_type = #tpu.core_type<sc_vector_subcore>, window_params = [{transform_indices = #map}, {transform_indices = #map}, {transform_indices = #map}, {transform_indices = #map}, {transform_indices = #map}]} {
    %mul3A = arith.constant 2 : i32
    %mul3A_0 = arith.muli %arg1, %mul3A : i32
    %add3A = arith.addi %mul3A_0, %arg0 : i32
    %mul3A_1 = arith.constant 640 : i32
    %mul3A_2 = arith.muli %arg1, %mul3A_1 : i32
    %mul3A_3 = arith.constant 640 : i32
    %mul3A_4 = arith.muli %arg1, %mul3A_3 : i32
    "tpu.region"() ({
      %run_scoped3A = tpu.sem_alloc : memref<!tpu.dma_semaphore, #tpu.memory_space<semaphore_mem>>
      %dma_start3A_59 = arith.constant 0 : i32
      %dma_start3A_60 = tpu.memref_slice %arg11[%mul3A_4, %dma_start3A_59] : memref<10240x128xf32, #tpu.memory_space<vmem_shared>> -> memref<640x128xf32, #tpu.memory_space<vmem_shared>>
      %dma_start3A_61 = arith.constant 0 : i32
      %dma_start3A_62 = tpu.memref_slice %arg5[%mul3A_2, %dma_start3A_61] : memref<10240x128xf32, #tpu.memory_space<hbm>> -> memref<640x128xf32, #tpu.memory_space<hbm>>
      tpu.enqueue_dma source(%dma_start3A_62 : memref<640x128xf32, #tpu.memory_space<hbm>>) target(%dma_start3A_60 : memref<640x128xf32, #tpu.memory_space<vmem_shared>>) target_semaphore(%run_scoped3A : memref<!tpu.dma_semaphore, #tpu.memory_space<semaphore_mem>>)
      %dma_wait3A = arith.constant 0 : i32
      %dma_wait3A_63 = tpu.memref_slice %arg11[%mul3A_4, %dma_wait3A] : memref<10240x128xf32, #tpu.memory_space<vmem_shared>> -> memref<640x128xf32, #tpu.memory_space<vmem_shared>>
      %dma_wait3A_64 = arith.constant 0 : i32
      %dma_wait3A_65 = tpu.memref_slice %arg5[%mul3A_2, %dma_wait3A_64] : memref<10240x128xf32, #tpu.memory_space<hbm>> -> memref<640x128xf32, #tpu.memory_space<hbm>>
      tpu.wait_dma2 semaphore(%run_scoped3A : memref<!tpu.dma_semaphore, #tpu.memory_space<semaphore_mem>>) src(%dma_wait3A_65 : memref<640x128xf32, #tpu.memory_space<hbm>>) dst(%dma_wait3A_63 : memref<640x128xf32, #tpu.memory_space<vmem_shared>>)
      tpu.yield
    }) : () -> ()
    %barrier3A = arith.constant 0 : index
    tpu.barrier barrier_id(%barrier3A)
    %mul3A_5 = arith.constant 80 : i32
    %mul3A_6 = arith.muli %add3A, %mul3A_5 : i32
    %add3A_7 = arith.constant 0 : i32
    %add3A_8 = arith.addi %mul3A_6, %add3A_7 : i32
    "tpu.region"() ({
      %run_scoped3A = tpu.sem_alloc : memref<!tpu.dma_semaphore, #tpu.memory_space<semaphore_mem>>
      %dma_start3A_59 = arith.constant 0 : i32
      %dma_start3A_60 = tpu.memref_slice %arg3[%add3A_8, %dma_start3A_59] : memref<2560x128xi32, #tpu.memory_space<hbm>> -> memref<40x128xi32, #tpu.memory_space<hbm>>
      %dma_start3A_61 = arith.constant 0 : i32
      %dma_start3A_62 = tpu.memref_slice %arg3[%add3A_8, %dma_start3A_61] : memref<2560x128xi32, #tpu.memory_space<hbm>> -> memref<40x128xi32, #tpu.memory_space<hbm>>
      tpu.enqueue_dma source(%dma_start3A_62 : memref<40x128xi32, #tpu.memory_space<hbm>>) target(%arg7 : memref<40x128xi32, #tpu.memory_space<vmem>>) target_semaphore(%run_scoped3A : memref<!tpu.dma_semaphore, #tpu.memory_space<semaphore_mem>>)
      %dma_wait3A = arith.constant 0 : i32
      %dma_wait3A_63 = tpu.memref_slice %arg3[%add3A_8, %dma_wait3A] : memref<2560x128xi32, #tpu.memory_space<hbm>> -> memref<40x128xi32, #tpu.memory_space<hbm>>
      %dma_wait3A_64 = arith.constant 0 : i32
      %dma_wait3A_65 = tpu.memref_slice %arg3[%add3A_8, %dma_wait3A_64] : memref<2560x128xi32, #tpu.memory_space<hbm>> -> memref<40x128xi32, #tpu.memory_space<hbm>>
      tpu.wait_dma2 semaphore(%run_scoped3A : memref<!tpu.dma_semaphore, #tpu.memory_space<semaphore_mem>>) src(%dma_wait3A_65 : memref<40x128xi32, #tpu.memory_space<hbm>>) dst(%arg7 : memref<40x128xi32, #tpu.memory_space<vmem>>)
      tpu.yield
    }) : () -> ()
    "tpu.region"() ({
      %run_scoped3A = tpu.sem_alloc : memref<!tpu.dma_semaphore, #tpu.memory_space<semaphore_mem>>
      %dma_start3A_59 = arith.constant 0 : i32
      %dma_start3A_60 = tpu.memref_slice %arg4[%add3A_8, %dma_start3A_59] : memref<2560x128xi32, #tpu.memory_space<hbm>> -> memref<40x128xi32, #tpu.memory_space<hbm>>
      %dma_start3A_61 = arith.constant 0 : i32
      %dma_start3A_62 = tpu.memref_slice %arg4[%add3A_8, %dma_start3A_61] : memref<2560x128xi32, #tpu.memory_space<hbm>> -> memref<40x128xi32, #tpu.memory_space<hbm>>
      tpu.enqueue_dma source(%dma_start3A_62 : memref<40x128xi32, #tpu.memory_space<hbm>>) target(%arg8 : memref<40x128xi32, #tpu.memory_space<vmem>>) target_semaphore(%run_scoped3A : memref<!tpu.dma_semaphore, #tpu.memory_space<semaphore_mem>>)
      %dma_wait3A = arith.constant 0 : i32
      %dma_wait3A_63 = tpu.memref_slice %arg4[%add3A_8, %dma_wait3A] : memref<2560x128xi32, #tpu.memory_space<hbm>> -> memref<40x128xi32, #tpu.memory_space<hbm>>
      %dma_wait3A_64 = arith.constant 0 : i32
      %dma_wait3A_65 = tpu.memref_slice %arg4[%add3A_8, %dma_wait3A_64] : memref<2560x128xi32, #tpu.memory_space<hbm>> -> memref<40x128xi32, #tpu.memory_space<hbm>>
      tpu.wait_dma2 semaphore(%run_scoped3A : memref<!tpu.dma_semaphore, #tpu.memory_space<semaphore_mem>>) src(%dma_wait3A_65 : memref<40x128xi32, #tpu.memory_space<hbm>>) dst(%arg8 : memref<40x128xi32, #tpu.memory_space<vmem>>)
      tpu.yield
    }) : () -> ()
    %dma_start3A = arith.constant 0 : i32
    %dma_start3A_9 = arith.constant 0 : i32
    %dma_start3A_10 = tpu.memref_slice %arg7[%dma_start3A, %dma_start3A_9] : memref<40x128xi32, #tpu.memory_space<vmem>> -> memref<1x128xi32, #tpu.memory_space<vmem>>
    %dma_start3A_11 = tpu.memref_squeeze %dma_start3A_10 : memref<1x128xi32, #tpu.memory_space<vmem>> -> memref<128xi32, #tpu.memory_space<vmem>>
    %dma_start3A_12 = arith.constant 0 : i32
    %dma_start3A_13 = arith.constant 0 : i32
    %dma_start3A_14 = tpu.memref_slice %arg2[%dma_start3A_12, %dma_start3A_13] : memref<10240x128xf32, #tpu.memory_space<hbm>> -> memref<10240x128xf32, #tpu.memory_space<hbm>>
    tpu.enqueue_indirect_dma source(%dma_start3A_14 : memref<10240x128xf32, #tpu.memory_space<hbm>>) target(%arg9 : memref<128x128xf32, #tpu.memory_space<vmem>>) offsets(%dma_start3A_11 : memref<128xi32, #tpu.memory_space<vmem>>) semaphore(%arg12 : memref<!tpu.dma_semaphore, #tpu.memory_space<semaphore_mem>>)
    %dma_start3A_15 = arith.constant 1 : i32
    %dma_start3A_16 = arith.constant 0 : i32
    %dma_start3A_17 = tpu.memref_slice %arg7[%dma_start3A_15, %dma_start3A_16] : memref<40x128xi32, #tpu.memory_space<vmem>> -> memref<1x128xi32, #tpu.memory_space<vmem>>
    %dma_start3A_18 = tpu.memref_squeeze %dma_start3A_17 : memref<1x128xi32, #tpu.memory_space<vmem>> -> memref<128xi32, #tpu.memory_space<vmem>>
    %dma_start3A_19 = arith.constant 0 : i32
    %dma_start3A_20 = arith.constant 0 : i32
    %dma_start3A_21 = tpu.memref_slice %arg2[%dma_start3A_19, %dma_start3A_20] : memref<10240x128xf32, #tpu.memory_space<hbm>> -> memref<10240x128xf32, #tpu.memory_space<hbm>>
    tpu.enqueue_indirect_dma source(%dma_start3A_21 : memref<10240x128xf32, #tpu.memory_space<hbm>>) target(%arg10 : memref<128x128xf32, #tpu.memory_space<vmem>>) offsets(%dma_start3A_18 : memref<128xi32, #tpu.memory_space<vmem>>) semaphore(%arg13 : memref<!tpu.dma_semaphore, #tpu.memory_space<semaphore_mem>>)
    %scan3A = arith.constant 0 : i32
    %scan3A_22 = arith.constant 0 : i32
    %scan3A_23 = arith.constant 20 : i32
    %scan3A_24 = arith.addi %scan3A_22, %scan3A_23 : i32
    %scan3A_25 = arith.constant 1 : i32
    scf.for %scan3A_59 = %scan3A_22 to %scan3A_24 step %scan3A_25  : i32 {
      %mul3A_60 = arith.constant 2 : i32
      %mul3A_61 = arith.muli %mul3A_60, %scan3A_59 : i32
      %add3A_62 = arith.constant 1 : i32
      %add3A_63 = arith.addi %mul3A_61, %add3A_62 : i32
      %dma_wait3A = arith.constant 0 : i32
      %dma_wait3A_64 = tpu.memref_slice %arg7[%mul3A_61, %dma_wait3A] : memref<40x128xi32, #tpu.memory_space<vmem>> -> memref<1x128xi32, #tpu.memory_space<vmem>>
      %dma_wait3A_65 = tpu.memref_squeeze %dma_wait3A_64 : memref<1x128xi32, #tpu.memory_space<vmem>> -> memref<128xi32, #tpu.memory_space<vmem>>
      %dma_wait3A_66 = arith.constant 0 : i32
      %dma_wait3A_67 = arith.constant 0 : i32
      %dma_wait3A_68 = tpu.memref_slice %arg2[%dma_wait3A_66, %dma_wait3A_67] : memref<10240x128xf32, #tpu.memory_space<hbm>> -> memref<10240x128xf32, #tpu.memory_space<hbm>>
      tpu.wait_indirect_dma semaphore(%arg12 : memref<!tpu.dma_semaphore, #tpu.memory_space<semaphore_mem>>) src(%dma_wait3A_68 : memref<10240x128xf32, #tpu.memory_space<hbm>>) dst(%arg9 : memref<128x128xf32, #tpu.memory_space<vmem>>)
      "tpu.region"() ({
        %run_scoped3A = tpu.sem_alloc : memref<!tpu.dma_semaphore, #tpu.memory_space<semaphore_mem>>
        %dma_start3A_86 = arith.constant 0 : i32
        %dma_start3A_87 = tpu.memref_slice %arg8[%mul3A_61, %dma_start3A_86] : memref<40x128xi32, #tpu.memory_space<vmem>> -> memref<1x128xi32, #tpu.memory_space<vmem>>
        %dma_start3A_88 = tpu.memref_squeeze %dma_start3A_87 : memref<1x128xi32, #tpu.memory_space<vmem>> -> memref<128xi32, #tpu.memory_space<vmem>>
        %dma_start3A_89 = arith.constant 0 : i32
        %dma_start3A_90 = arith.constant 0 : i32
        %dma_start3A_91 = tpu.memref_slice %arg11[%dma_start3A_89, %dma_start3A_90] : memref<10240x128xf32, #tpu.memory_space<vmem_shared>> -> memref<10240x128xf32, #tpu.memory_space<vmem_shared>>
        tpu.enqueue_indirect_dma source(%arg9 : memref<128x128xf32, #tpu.memory_space<vmem>>) target(%dma_start3A_91 : memref<10240x128xf32, #tpu.memory_space<vmem_shared>>) offsets(%dma_start3A_88 : memref<128xi32, #tpu.memory_space<vmem>>) semaphore(%run_scoped3A : memref<!tpu.dma_semaphore, #tpu.memory_space<semaphore_mem>>) {add = true}
        %dma_wait3A_92 = arith.constant 0 : i32
        %dma_wait3A_93 = tpu.memref_slice %arg8[%mul3A_61, %dma_wait3A_92] : memref<40x128xi32, #tpu.memory_space<vmem>> -> memref<1x128xi32, #tpu.memory_space<vmem>>
        %dma_wait3A_94 = tpu.memref_squeeze %dma_wait3A_93 : memref<1x128xi32, #tpu.memory_space<vmem>> -> memref<128xi32, #tpu.memory_space<vmem>>
        %dma_wait3A_95 = arith.constant 0 : i32
        %dma_wait3A_96 = arith.constant 0 : i32
        %dma_wait3A_97 = tpu.memref_slice %arg11[%dma_wait3A_95, %dma_wait3A_96] : memref<10240x128xf32, #tpu.memory_space<vmem_shared>> -> memref<10240x128xf32, #tpu.memory_space<vmem_shared>>
        tpu.wait_indirect_dma semaphore(%run_scoped3A : memref<!tpu.dma_semaphore, #tpu.memory_space<semaphore_mem>>) src(%arg9 : memref<128x128xf32, #tpu.memory_space<vmem>>) dst(%dma_wait3A_97 : memref<10240x128xf32, #tpu.memory_space<vmem_shared>>)
        tpu.yield
      }) : () -> ()
      %add3A_69 = arith.constant 2 : i32
      %add3A_70 = arith.addi %mul3A_61, %add3A_69 : i32
      %lt3A = arith.constant 40 : i32
      %lt3A_71 = arith.cmpi slt, %add3A_70, %lt3A : i32
      %convert_element_type3A = arith.extui %lt3A_71 : i1 to i32
      %cond3A = arith.constant 0 : i32
      %cond3A_72 = arith.cmpi ne, %convert_element_type3A, %cond3A : i32
      scf.if %cond3A_72 {
        %add3A_86 = arith.constant 2 : i32
        %add3A_87 = arith.addi %mul3A_61, %add3A_86 : i32
        %dma_start3A_88 = arith.constant 0 : i32
        %dma_start3A_89 = tpu.memref_slice %arg7[%add3A_87, %dma_start3A_88] : memref<40x128xi32, #tpu.memory_space<vmem>> -> memref<1x128xi32, #tpu.memory_space<vmem>>
        %dma_start3A_90 = tpu.memref_squeeze %dma_start3A_89 : memref<1x128xi32, #tpu.memory_space<vmem>> -> memref<128xi32, #tpu.memory_space<vmem>>
        %dma_start3A_91 = arith.constant 0 : i32
        %dma_start3A_92 = arith.constant 0 : i32
        %dma_start3A_93 = tpu.memref_slice %arg2[%dma_start3A_91, %dma_start3A_92] : memref<10240x128xf32, #tpu.memory_space<hbm>> -> memref<10240x128xf32, #tpu.memory_space<hbm>>
        tpu.enqueue_indirect_dma source(%dma_start3A_93 : memref<10240x128xf32, #tpu.memory_space<hbm>>) target(%arg9 : memref<128x128xf32, #tpu.memory_space<vmem>>) offsets(%dma_start3A_90 : memref<128xi32, #tpu.memory_space<vmem>>) semaphore(%arg12 : memref<!tpu.dma_semaphore, #tpu.memory_space<semaphore_mem>>)
      } else {
      }
      %dma_wait3A_73 = arith.constant 0 : i32
      %dma_wait3A_74 = tpu.memref_slice %arg7[%add3A_63, %dma_wait3A_73] : memref<40x128xi32, #tpu.memory_space<vmem>> -> memref<1x128xi32, #tpu.memory_space<vmem>>
      %dma_wait3A_75 = tpu.memref_squeeze %dma_wait3A_74 : memref<1x128xi32, #tpu.memory_space<vmem>> -> memref<128xi32, #tpu.memory_space<vmem>>
      %dma_wait3A_76 = arith.constant 0 : i32
      %dma_wait3A_77 = arith.constant 0 : i32
      %dma_wait3A_78 = tpu.memref_slice %arg2[%dma_wait3A_76, %dma_wait3A_77] : memref<10240x128xf32, #tpu.memory_space<hbm>> -> memref<10240x128xf32, #tpu.memory_space<hbm>>
      tpu.wait_indirect_dma semaphore(%arg13 : memref<!tpu.dma_semaphore, #tpu.memory_space<semaphore_mem>>) src(%dma_wait3A_78 : memref<10240x128xf32, #tpu.memory_space<hbm>>) dst(%arg10 : memref<128x128xf32, #tpu.memory_space<vmem>>)
      "tpu.region"() ({
        %run_scoped3A = tpu.sem_alloc : memref<!tpu.dma_semaphore, #tpu.memory_space<semaphore_mem>>
        %dma_start3A_86 = arith.constant 0 : i32
        %dma_start3A_87 = tpu.memref_slice %arg8[%add3A_63, %dma_start3A_86] : memref<40x128xi32, #tpu.memory_space<vmem>> -> memref<1x128xi32, #tpu.memory_space<vmem>>
        %dma_start3A_88 = tpu.memref_squeeze %dma_start3A_87 : memref<1x128xi32, #tpu.memory_space<vmem>> -> memref<128xi32, #tpu.memory_space<vmem>>
        %dma_start3A_89 = arith.constant 0 : i32
        %dma_start3A_90 = arith.constant 0 : i32
        %dma_start3A_91 = tpu.memref_slice %arg11[%dma_start3A_89, %dma_start3A_90] : memref<10240x128xf32, #tpu.memory_space<vmem_shared>> -> memref<10240x128xf32, #tpu.memory_space<vmem_shared>>
        tpu.enqueue_indirect_dma source(%arg10 : memref<128x128xf32, #tpu.memory_space<vmem>>) target(%dma_start3A_91 : memref<10240x128xf32, #tpu.memory_space<vmem_shared>>) offsets(%dma_start3A_88 : memref<128xi32, #tpu.memory_space<vmem>>) semaphore(%run_scoped3A : memref<!tpu.dma_semaphore, #tpu.memory_space<semaphore_mem>>) {add = true}
        %dma_wait3A_92 = arith.constant 0 : i32
        %dma_wait3A_93 = tpu.memref_slice %arg8[%add3A_63, %dma_wait3A_92] : memref<40x128xi32, #tpu.memory_space<vmem>> -> memref<1x128xi32, #tpu.memory_space<vmem>>
        %dma_wait3A_94 = tpu.memref_squeeze %dma_wait3A_93 : memref<1x128xi32, #tpu.memory_space<vmem>> -> memref<128xi32, #tpu.memory_space<vmem>>
        %dma_wait3A_95 = arith.constant 0 : i32
        %dma_wait3A_96 = arith.constant 0 : i32
        %dma_wait3A_97 = tpu.memref_slice %arg11[%dma_wait3A_95, %dma_wait3A_96] : memref<10240x128xf32, #tpu.memory_space<vmem_shared>> -> memref<10240x128xf32, #tpu.memory_space<vmem_shared>>
        tpu.wait_indirect_dma semaphore(%run_scoped3A : memref<!tpu.dma_semaphore, #tpu.memory_space<semaphore_mem>>) src(%arg10 : memref<128x128xf32, #tpu.memory_space<vmem>>) dst(%dma_wait3A_97 : memref<10240x128xf32, #tpu.memory_space<vmem_shared>>)
        tpu.yield
      }) : () -> ()
      %add3A_79 = arith.constant 2 : i32
      %add3A_80 = arith.addi %add3A_63, %add3A_79 : i32
      %lt3A_81 = arith.constant 40 : i32
      %lt3A_82 = arith.cmpi slt, %add3A_80, %lt3A_81 : i32
      %convert_element_type3A_83 = arith.extui %lt3A_82 : i1 to i32
      %cond3A_84 = arith.constant 0 : i32
      %cond3A_85 = arith.cmpi ne, %convert_element_type3A_83, %cond3A_84 : i32
      scf.if %cond3A_85 {
        %add3A_86 = arith.constant 2 : i32
        %add3A_87 = arith.addi %add3A_63, %add3A_86 : i32
        %dma_start3A_88 = arith.constant 0 : i32
        %dma_start3A_89 = tpu.memref_slice %arg7[%add3A_87, %dma_start3A_88] : memref<40x128xi32, #tpu.memory_space<vmem>> -> memref<1x128xi32, #tpu.memory_space<vmem>>
        %dma_start3A_90 = tpu.memref_squeeze %dma_start3A_89 : memref<1x128xi32, #tpu.memory_space<vmem>> -> memref<128xi32, #tpu.memory_space<vmem>>
        %dma_start3A_91 = arith.constant 0 : i32
        %dma_start3A_92 = arith.constant 0 : i32
        %dma_start3A_93 = tpu.memref_slice %arg2[%dma_start3A_91, %dma_start3A_92] : memref<10240x128xf32, #tpu.memory_space<hbm>> -> memref<10240x128xf32, #tpu.memory_space<hbm>>
        tpu.enqueue_indirect_dma source(%dma_start3A_93 : memref<10240x128xf32, #tpu.memory_space<hbm>>) target(%arg10 : memref<128x128xf32, #tpu.memory_space<vmem>>) offsets(%dma_start3A_90 : memref<128xi32, #tpu.memory_space<vmem>>) semaphore(%arg13 : memref<!tpu.dma_semaphore, #tpu.memory_space<semaphore_mem>>)
      } else {
      }
    }
    %scan3A_26 = arith.constant 20 : i32
    %mul3A_27 = arith.constant 80 : i32
    %mul3A_28 = arith.muli %add3A, %mul3A_27 : i32
    %add3A_29 = arith.constant 40 : i32
    %add3A_30 = arith.addi %mul3A_28, %add3A_29 : i32
    "tpu.region"() ({
      %run_scoped3A = tpu.sem_alloc : memref<!tpu.dma_semaphore, #tpu.memory_space<semaphore_mem>>
      %dma_start3A_59 = arith.constant 0 : i32
      %dma_start3A_60 = tpu.memref_slice %arg3[%add3A_30, %dma_start3A_59] : memref<2560x128xi32, #tpu.memory_space<hbm>> -> memref<40x128xi32, #tpu.memory_space<hbm>>
      %dma_start3A_61 = arith.constant 0 : i32
      %dma_start3A_62 = tpu.memref_slice %arg3[%add3A_30, %dma_start3A_61] : memref<2560x128xi32, #tpu.memory_space<hbm>> -> memref<40x128xi32, #tpu.memory_space<hbm>>
      tpu.enqueue_dma source(%dma_start3A_62 : memref<40x128xi32, #tpu.memory_space<hbm>>) target(%arg7 : memref<40x128xi32, #tpu.memory_space<vmem>>) target_semaphore(%run_scoped3A : memref<!tpu.dma_semaphore, #tpu.memory_space<semaphore_mem>>)
      %dma_wait3A = arith.constant 0 : i32
      %dma_wait3A_63 = tpu.memref_slice %arg3[%add3A_30, %dma_wait3A] : memref<2560x128xi32, #tpu.memory_space<hbm>> -> memref<40x128xi32, #tpu.memory_space<hbm>>
      %dma_wait3A_64 = arith.constant 0 : i32
      %dma_wait3A_65 = tpu.memref_slice %arg3[%add3A_30, %dma_wait3A_64] : memref<2560x128xi32, #tpu.memory_space<hbm>> -> memref<40x128xi32, #tpu.memory_space<hbm>>
      tpu.wait_dma2 semaphore(%run_scoped3A : memref<!tpu.dma_semaphore, #tpu.memory_space<semaphore_mem>>) src(%dma_wait3A_65 : memref<40x128xi32, #tpu.memory_space<hbm>>) dst(%arg7 : memref<40x128xi32, #tpu.memory_space<vmem>>)
      tpu.yield
    }) : () -> ()
    "tpu.region"() ({
      %run_scoped3A = tpu.sem_alloc : memref<!tpu.dma_semaphore, #tpu.memory_space<semaphore_mem>>
      %dma_start3A_59 = arith.constant 0 : i32
      %dma_start3A_60 = tpu.memref_slice %arg4[%add3A_30, %dma_start3A_59] : memref<2560x128xi32, #tpu.memory_space<hbm>> -> memref<40x128xi32, #tpu.memory_space<hbm>>
      %dma_start3A_61 = arith.constant 0 : i32
      %dma_start3A_62 = tpu.memref_slice %arg4[%add3A_30, %dma_start3A_61] : memref<2560x128xi32, #tpu.memory_space<hbm>> -> memref<40x128xi32, #tpu.memory_space<hbm>>
      tpu.enqueue_dma source(%dma_start3A_62 : memref<40x128xi32, #tpu.memory_space<hbm>>) target(%arg8 : memref<40x128xi32, #tpu.memory_space<vmem>>) target_semaphore(%run_scoped3A : memref<!tpu.dma_semaphore, #tpu.memory_space<semaphore_mem>>)
      %dma_wait3A = arith.constant 0 : i32
      %dma_wait3A_63 = tpu.memref_slice %arg4[%add3A_30, %dma_wait3A] : memref<2560x128xi32, #tpu.memory_space<hbm>> -> memref<40x128xi32, #tpu.memory_space<hbm>>
      %dma_wait3A_64 = arith.constant 0 : i32
      %dma_wait3A_65 = tpu.memref_slice %arg4[%add3A_30, %dma_wait3A_64] : memref<2560x128xi32, #tpu.memory_space<hbm>> -> memref<40x128xi32, #tpu.memory_space<hbm>>
      tpu.wait_dma2 semaphore(%run_scoped3A : memref<!tpu.dma_semaphore, #tpu.memory_space<semaphore_mem>>) src(%dma_wait3A_65 : memref<40x128xi32, #tpu.memory_space<hbm>>) dst(%arg8 : memref<40x128xi32, #tpu.memory_space<vmem>>)
      tpu.yield
    }) : () -> ()
    %dma_start3A_31 = arith.constant 0 : i32
    %dma_start3A_32 = arith.constant 0 : i32
    %dma_start3A_33 = tpu.memref_slice %arg7[%dma_start3A_31, %dma_start3A_32] : memref<40x128xi32, #tpu.memory_space<vmem>> -> memref<1x128xi32, #tpu.memory_space<vmem>>
    %dma_start3A_34 = tpu.memref_squeeze %dma_start3A_33 : memref<1x128xi32, #tpu.memory_space<vmem>> -> memref<128xi32, #tpu.memory_space<vmem>>
    %dma_start3A_35 = arith.constant 0 : i32
    %dma_start3A_36 = arith.constant 0 : i32
    %dma_start3A_37 = tpu.memref_slice %arg2[%dma_start3A_35, %dma_start3A_36] : memref<10240x128xf32, #tpu.memory_space<hbm>> -> memref<10240x128xf32, #tpu.memory_space<hbm>>
    tpu.enqueue_indirect_dma source(%dma_start3A_37 : memref<10240x128xf32, #tpu.memory_space<hbm>>) target(%arg9 : memref<128x128xf32, #tpu.memory_space<vmem>>) offsets(%dma_start3A_34 : memref<128xi32, #tpu.memory_space<vmem>>) semaphore(%arg12 : memref<!tpu.dma_semaphore, #tpu.memory_space<semaphore_mem>>)
    %dma_start3A_38 = arith.constant 1 : i32
    %dma_start3A_39 = arith.constant 0 : i32
    %dma_start3A_40 = tpu.memref_slice %arg7[%dma_start3A_38, %dma_start3A_39] : memref<40x128xi32, #tpu.memory_space<vmem>> -> memref<1x128xi32, #tpu.memory_space<vmem>>
    %dma_start3A_41 = tpu.memref_squeeze %dma_start3A_40 : memref<1x128xi32, #tpu.memory_space<vmem>> -> memref<128xi32, #tpu.memory_space<vmem>>
    %dma_start3A_42 = arith.constant 0 : i32
    %dma_start3A_43 = arith.constant 0 : i32
    %dma_start3A_44 = tpu.memref_slice %arg2[%dma_start3A_42, %dma_start3A_43] : memref<10240x128xf32, #tpu.memory_space<hbm>> -> memref<10240x128xf32, #tpu.memory_space<hbm>>
    tpu.enqueue_indirect_dma source(%dma_start3A_44 : memref<10240x128xf32, #tpu.memory_space<hbm>>) target(%arg10 : memref<128x128xf32, #tpu.memory_space<vmem>>) offsets(%dma_start3A_41 : memref<128xi32, #tpu.memory_space<vmem>>) semaphore(%arg13 : memref<!tpu.dma_semaphore, #tpu.memory_space<semaphore_mem>>)
    %scan3A_45 = arith.constant 0 : i32
    %scan3A_46 = arith.constant 0 : i32
    %scan3A_47 = arith.constant 20 : i32
    %scan3A_48 = arith.addi %scan3A_46, %scan3A_47 : i32
    %scan3A_49 = arith.constant 1 : i32
    scf.for %scan3A_59 = %scan3A_46 to %scan3A_48 step %scan3A_49  : i32 {
      %mul3A_60 = arith.constant 2 : i32
      %mul3A_61 = arith.muli %mul3A_60, %scan3A_59 : i32
      %add3A_62 = arith.constant 1 : i32
      %add3A_63 = arith.addi %mul3A_61, %add3A_62 : i32
      %dma_wait3A = arith.constant 0 : i32
      %dma_wait3A_64 = tpu.memref_slice %arg7[%mul3A_61, %dma_wait3A] : memref<40x128xi32, #tpu.memory_space<vmem>> -> memref<1x128xi32, #tpu.memory_space<vmem>>
      %dma_wait3A_65 = tpu.memref_squeeze %dma_wait3A_64 : memref<1x128xi32, #tpu.memory_space<vmem>> -> memref<128xi32, #tpu.memory_space<vmem>>
      %dma_wait3A_66 = arith.constant 0 : i32
      %dma_wait3A_67 = arith.constant 0 : i32
      %dma_wait3A_68 = tpu.memref_slice %arg2[%dma_wait3A_66, %dma_wait3A_67] : memref<10240x128xf32, #tpu.memory_space<hbm>> -> memref<10240x128xf32, #tpu.memory_space<hbm>>
      tpu.wait_indirect_dma semaphore(%arg12 : memref<!tpu.dma_semaphore, #tpu.memory_space<semaphore_mem>>) src(%dma_wait3A_68 : memref<10240x128xf32, #tpu.memory_space<hbm>>) dst(%arg9 : memref<128x128xf32, #tpu.memory_space<vmem>>)
      "tpu.region"() ({
        %run_scoped3A = tpu.sem_alloc : memref<!tpu.dma_semaphore, #tpu.memory_space<semaphore_mem>>
        %dma_start3A_86 = arith.constant 0 : i32
        %dma_start3A_87 = tpu.memref_slice %arg8[%mul3A_61, %dma_start3A_86] : memref<40x128xi32, #tpu.memory_space<vmem>> -> memref<1x128xi32, #tpu.memory_space<vmem>>
        %dma_start3A_88 = tpu.memref_squeeze %dma_start3A_87 : memref<1x128xi32, #tpu.memory_space<vmem>> -> memref<128xi32, #tpu.memory_space<vmem>>
        %dma_start3A_89 = arith.constant 0 : i32
        %dma_start3A_90 = arith.constant 0 : i32
        %dma_start3A_91 = tpu.memref_slice %arg11[%dma_start3A_89, %dma_start3A_90] : memref<10240x128xf32, #tpu.memory_space<vmem_shared>> -> memref<10240x128xf32, #tpu.memory_space<vmem_shared>>
        tpu.enqueue_indirect_dma source(%arg9 : memref<128x128xf32, #tpu.memory_space<vmem>>) target(%dma_start3A_91 : memref<10240x128xf32, #tpu.memory_space<vmem_shared>>) offsets(%dma_start3A_88 : memref<128xi32, #tpu.memory_space<vmem>>) semaphore(%run_scoped3A : memref<!tpu.dma_semaphore, #tpu.memory_space<semaphore_mem>>) {add = true}
        %dma_wait3A_92 = arith.constant 0 : i32
        %dma_wait3A_93 = tpu.memref_slice %arg8[%mul3A_61, %dma_wait3A_92] : memref<40x128xi32, #tpu.memory_space<vmem>> -> memref<1x128xi32, #tpu.memory_space<vmem>>
        %dma_wait3A_94 = tpu.memref_squeeze %dma_wait3A_93 : memref<1x128xi32, #tpu.memory_space<vmem>> -> memref<128xi32, #tpu.memory_space<vmem>>
        %dma_wait3A_95 = arith.constant 0 : i32
        %dma_wait3A_96 = arith.constant 0 : i32
        %dma_wait3A_97 = tpu.memref_slice %arg11[%dma_wait3A_95, %dma_wait3A_96] : memref<10240x128xf32, #tpu.memory_space<vmem_shared>> -> memref<10240x128xf32, #tpu.memory_space<vmem_shared>>
        tpu.wait_indirect_dma semaphore(%run_scoped3A : memref<!tpu.dma_semaphore, #tpu.memory_space<semaphore_mem>>) src(%arg9 : memref<128x128xf32, #tpu.memory_space<vmem>>) dst(%dma_wait3A_97 : memref<10240x128xf32, #tpu.memory_space<vmem_shared>>)
        tpu.yield
      }) : () -> ()
      %add3A_69 = arith.constant 2 : i32
      %add3A_70 = arith.addi %mul3A_61, %add3A_69 : i32
      %lt3A = arith.constant 40 : i32
      %lt3A_71 = arith.cmpi slt, %add3A_70, %lt3A : i32
      %convert_element_type3A = arith.extui %lt3A_71 : i1 to i32
      %cond3A = arith.constant 0 : i32
      %cond3A_72 = arith.cmpi ne, %convert_element_type3A, %cond3A : i32
      scf.if %cond3A_72 {
        %add3A_86 = arith.constant 2 : i32
        %add3A_87 = arith.addi %mul3A_61, %add3A_86 : i32
        %dma_start3A_88 = arith.constant 0 : i32
        %dma_start3A_89 = tpu.memref_slice %arg7[%add3A_87, %dma_start3A_88] : memref<40x128xi32, #tpu.memory_space<vmem>> -> memref<1x128xi32, #tpu.memory_space<vmem>>
        %dma_start3A_90 = tpu.memref_squeeze %dma_start3A_89 : memref<1x128xi32, #tpu.memory_space<vmem>> -> memref<128xi32, #tpu.memory_space<vmem>>
        %dma_start3A_91 = arith.constant 0 : i32
        %dma_start3A_92 = arith.constant 0 : i32
        %dma_start3A_93 = tpu.memref_slice %arg2[%dma_start3A_91, %dma_start3A_92] : memref<10240x128xf32, #tpu.memory_space<hbm>> -> memref<10240x128xf32, #tpu.memory_space<hbm>>
        tpu.enqueue_indirect_dma source(%dma_start3A_93 : memref<10240x128xf32, #tpu.memory_space<hbm>>) target(%arg9 : memref<128x128xf32, #tpu.memory_space<vmem>>) offsets(%dma_start3A_90 : memref<128xi32, #tpu.memory_space<vmem>>) semaphore(%arg12 : memref<!tpu.dma_semaphore, #tpu.memory_space<semaphore_mem>>)
      } else {
      }
      %dma_wait3A_73 = arith.constant 0 : i32
      %dma_wait3A_74 = tpu.memref_slice %arg7[%add3A_63, %dma_wait3A_73] : memref<40x128xi32, #tpu.memory_space<vmem>> -> memref<1x128xi32, #tpu.memory_space<vmem>>
      %dma_wait3A_75 = tpu.memref_squeeze %dma_wait3A_74 : memref<1x128xi32, #tpu.memory_space<vmem>> -> memref<128xi32, #tpu.memory_space<vmem>>
      %dma_wait3A_76 = arith.constant 0 : i32
      %dma_wait3A_77 = arith.constant 0 : i32
      %dma_wait3A_78 = tpu.memref_slice %arg2[%dma_wait3A_76, %dma_wait3A_77] : memref<10240x128xf32, #tpu.memory_space<hbm>> -> memref<10240x128xf32, #tpu.memory_space<hbm>>
      tpu.wait_indirect_dma semaphore(%arg13 : memref<!tpu.dma_semaphore, #tpu.memory_space<semaphore_mem>>) src(%dma_wait3A_78 : memref<10240x128xf32, #tpu.memory_space<hbm>>) dst(%arg10 : memref<128x128xf32, #tpu.memory_space<vmem>>)
      "tpu.region"() ({
        %run_scoped3A = tpu.sem_alloc : memref<!tpu.dma_semaphore, #tpu.memory_space<semaphore_mem>>
        %dma_start3A_86 = arith.constant 0 : i32
        %dma_start3A_87 = tpu.memref_slice %arg8[%add3A_63, %dma_start3A_86] : memref<40x128xi32, #tpu.memory_space<vmem>> -> memref<1x128xi32, #tpu.memory_space<vmem>>
        %dma_start3A_88 = tpu.memref_squeeze %dma_start3A_87 : memref<1x128xi32, #tpu.memory_space<vmem>> -> memref<128xi32, #tpu.memory_space<vmem>>
        %dma_start3A_89 = arith.constant 0 : i32
        %dma_start3A_90 = arith.constant 0 : i32
        %dma_start3A_91 = tpu.memref_slice %arg11[%dma_start3A_89, %dma_start3A_90] : memref<10240x128xf32, #tpu.memory_space<vmem_shared>> -> memref<10240x128xf32, #tpu.memory_space<vmem_shared>>
        tpu.enqueue_indirect_dma source(%arg10 : memref<128x128xf32, #tpu.memory_space<vmem>>) target(%dma_start3A_91 : memref<10240x128xf32, #tpu.memory_space<vmem_shared>>) offsets(%dma_start3A_88 : memref<128xi32, #tpu.memory_space<vmem>>) semaphore(%run_scoped3A : memref<!tpu.dma_semaphore, #tpu.memory_space<semaphore_mem>>) {add = true}
        %dma_wait3A_92 = arith.constant 0 : i32
        %dma_wait3A_93 = tpu.memref_slice %arg8[%add3A_63, %dma_wait3A_92] : memref<40x128xi32, #tpu.memory_space<vmem>> -> memref<1x128xi32, #tpu.memory_space<vmem>>
        %dma_wait3A_94 = tpu.memref_squeeze %dma_wait3A_93 : memref<1x128xi32, #tpu.memory_space<vmem>> -> memref<128xi32, #tpu.memory_space<vmem>>
        %dma_wait3A_95 = arith.constant 0 : i32
        %dma_wait3A_96 = arith.constant 0 : i32
        %dma_wait3A_97 = tpu.memref_slice %arg11[%dma_wait3A_95, %dma_wait3A_96] : memref<10240x128xf32, #tpu.memory_space<vmem_shared>> -> memref<10240x128xf32, #tpu.memory_space<vmem_shared>>
        tpu.wait_indirect_dma semaphore(%run_scoped3A : memref<!tpu.dma_semaphore, #tpu.memory_space<semaphore_mem>>) src(%arg10 : memref<128x128xf32, #tpu.memory_space<vmem>>) dst(%dma_wait3A_97 : memref<10240x128xf32, #tpu.memory_space<vmem_shared>>)
        tpu.yield
      }) : () -> ()
      %add3A_79 = arith.constant 2 : i32
      %add3A_80 = arith.addi %add3A_63, %add3A_79 : i32
      %lt3A_81 = arith.constant 40 : i32
      %lt3A_82 = arith.cmpi slt, %add3A_80, %lt3A_81 : i32
      %convert_element_type3A_83 = arith.extui %lt3A_82 : i1 to i32
      %cond3A_84 = arith.constant 0 : i32
      %cond3A_85 = arith.cmpi ne, %convert_element_type3A_83, %cond3A_84 : i32
      scf.if %cond3A_85 {
        %add3A_86 = arith.constant 2 : i32
        %add3A_87 = arith.addi %add3A_63, %add3A_86 : i32
        %dma_start3A_88 = arith.constant 0 : i32
        %dma_start3A_89 = tpu.memref_slice %arg7[%add3A_87, %dma_start3A_88] : memref<40x128xi32, #tpu.memory_space<vmem>> -> memref<1x128xi32, #tpu.memory_space<vmem>>
        %dma_start3A_90 = tpu.memref_squeeze %dma_start3A_89 : memref<1x128xi32, #tpu.memory_space<vmem>> -> memref<128xi32, #tpu.memory_space<vmem>>
        %dma_start3A_91 = arith.constant 0 : i32
        %dma_start3A_92 = arith.constant 0 : i32
        %dma_start3A_93 = tpu.memref_slice %arg2[%dma_start3A_91, %dma_start3A_92] : memref<10240x128xf32, #tpu.memory_space<hbm>> -> memref<10240x128xf32, #tpu.memory_space<hbm>>
        tpu.enqueue_indirect_dma source(%dma_start3A_93 : memref<10240x128xf32, #tpu.memory_space<hbm>>) target(%arg10 : memref<128x128xf32, #tpu.memory_space<vmem>>) offsets(%dma_start3A_90 : memref<128xi32, #tpu.memory_space<vmem>>) semaphore(%arg13 : memref<!tpu.dma_semaphore, #tpu.memory_space<semaphore_mem>>)
      } else {
      }
    }
    %scan3A_50 = arith.constant 20 : i32
    %barrier3A_51 = arith.constant 0 : index
    tpu.barrier barrier_id(%barrier3A_51)
    %mul3A_52 = arith.constant 640 : i32
    %mul3A_53 = arith.muli %arg1, %mul3A_52 : i32
    %mul3A_54 = arith.constant 10240 : i32
    %mul3A_55 = arith.muli %arg0, %mul3A_54 : i32
    %mul3A_56 = arith.constant 640 : i32
    %mul3A_57 = arith.muli %arg1, %mul3A_56 : i32
    %add3A_58 = arith.addi %mul3A_55, %mul3A_57 : i32
    "tpu.region"() ({
      %run_scoped3A = tpu.sem_alloc : memref<!tpu.dma_semaphore, #tpu.memory_space<semaphore_mem>>
      %dma_start3A_59 = arith.constant 0 : i32
      %dma_start3A_60 = tpu.memref_slice %arg6[%add3A_58, %dma_start3A_59] : memref<20480x128xf32, #tpu.memory_space<hbm>> -> memref<640x128xf32, #tpu.memory_space<hbm>>
      %dma_start3A_61 = arith.constant 0 : i32
      %dma_start3A_62 = tpu.memref_slice %arg11[%mul3A_53, %dma_start3A_61] : memref<10240x128xf32, #tpu.memory_space<vmem_shared>> -> memref<640x128xf32, #tpu.memory_space<vmem_shared>>
      tpu.enqueue_dma source(%dma_start3A_62 : memref<640x128xf32, #tpu.memory_space<vmem_shared>>) target(%dma_start3A_60 : memref<640x128xf32, #tpu.memory_space<hbm>>) target_semaphore(%run_scoped3A : memref<!tpu.dma_semaphore, #tpu.memory_space<semaphore_mem>>)
      %dma_wait3A = arith.constant 0 : i32
      %dma_wait3A_63 = tpu.memref_slice %arg6[%add3A_58, %dma_wait3A] : memref<20480x128xf32, #tpu.memory_space<hbm>> -> memref<640x128xf32, #tpu.memory_space<hbm>>
      %dma_wait3A_64 = arith.constant 0 : i32
      %dma_wait3A_65 = tpu.memref_slice %arg11[%mul3A_53, %dma_wait3A_64] : memref<10240x128xf32, #tpu.memory_space<vmem_shared>> -> memref<640x128xf32, #tpu.memory_space<vmem_shared>>
      tpu.wait_dma2 semaphore(%run_scoped3A : memref<!tpu.dma_semaphore, #tpu.memory_space<semaphore_mem>>) src(%dma_wait3A_65 : memref<640x128xf32, #tpu.memory_space<vmem_shared>>) dst(%dma_wait3A_63 : memref<640x128xf32, #tpu.memory_space<hbm>>)
      tpu.yield
    }) : () -> ()
    return
  }
}

#map = affine_map<(d0, d1) -> (0, 0)>
module attributes {stable_mosaic.version = 14 : i64} {
  func.func @run(%arg0: i32, %arg1: i32, %arg2: memref<10240x128xf32, #tpu.memory_space<hbm>>, %arg3: memref<2560x128xi32, #tpu.memory_space<hbm>>, %arg4: memref<2560x128xi32, #tpu.memory_space<hbm>>, %arg5: memref<10240x128xf32, #tpu.memory_space<hbm>>, %arg6: memref<20480x128xf32, #tpu.memory_space<hbm>>, %arg7: memref<40x128xi32, #tpu.memory_space<vmem>>, %arg8: memref<40x128xi32, #tpu.memory_space<vmem>>, %arg9: memref<128x128xf32, #tpu.memory_space<vmem>>, %arg10: memref<128x128xf32, #tpu.memory_space<vmem>>, %arg11: memref<10240x128xf32, #tpu.memory_space<vmem_shared>>, %arg12: memref<!tpu.dma_semaphore, #tpu.memory_space<semaphore_mem>>, %arg13: memref<!tpu.dma_semaphore, #tpu.memory_space<semaphore_mem>>) attributes {dimension_semantics = [#tpu.dimension_semantics<core_parallel>, #tpu.dimension_semantics<subcore_parallel>], iteration_bounds = array<i64: 2, 16>, scalar_prefetch = 0 : i64, scratch_operands = 7 : i64, tpu.core_type = #tpu.core_type<sc_vector_subcore>, window_params = [{transform_indices = #map}, {transform_indices = #map}, {transform_indices = #map}, {transform_indices = #map}, {transform_indices = #map}]} {
    %mul3A = arith.constant 2 : i32
    %mul3A_0 = arith.muli %arg1, %mul3A : i32
    %add3A = arith.addi %mul3A_0, %arg0 : i32
    %mul3A_1 = arith.constant 640 : i32
    %mul3A_2 = arith.muli %arg1, %mul3A_1 : i32
    %mul3A_3 = arith.constant 640 : i32
    %mul3A_4 = arith.muli %arg1, %mul3A_3 : i32
    "tpu.region"() ({
      %run_scoped3A = tpu.sem_alloc : memref<!tpu.dma_semaphore, #tpu.memory_space<semaphore_mem>>
      %dma_start3A_59 = arith.constant 0 : i32
      %dma_start3A_60 = tpu.memref_slice %arg11[%mul3A_4, %dma_start3A_59] : memref<10240x128xf32, #tpu.memory_space<vmem_shared>> -> memref<640x128xf32, #tpu.memory_space<vmem_shared>>
      %dma_start3A_61 = arith.constant 0 : i32
      %dma_start3A_62 = tpu.memref_slice %arg5[%mul3A_2, %dma_start3A_61] : memref<10240x128xf32, #tpu.memory_space<hbm>> -> memref<640x128xf32, #tpu.memory_space<hbm>>
      tpu.enqueue_dma source(%dma_start3A_62 : memref<640x128xf32, #tpu.memory_space<hbm>>) target(%dma_start3A_60 : memref<640x128xf32, #tpu.memory_space<vmem_shared>>) target_semaphore(%run_scoped3A : memref<!tpu.dma_semaphore, #tpu.memory_space<semaphore_mem>>)
      %dma_wait3A = arith.constant 0 : i32
      %dma_wait3A_63 = tpu.memref_slice %arg11[%mul3A_4, %dma_wait3A] : memref<10240x128xf32, #tpu.memory_space<vmem_shared>> -> memref<640x128xf32, #tpu.memory_space<vmem_shared>>
      %dma_wait3A_64 = arith.constant 0 : i32
      %dma_wait3A_65 = tpu.memref_slice %arg5[%mul3A_2, %dma_wait3A_64] : memref<10240x128xf32, #tpu.memory_space<hbm>> -> memref<640x128xf32, #tpu.memory_space<hbm>>
      tpu.wait_dma2 semaphore(%run_scoped3A : memref<!tpu.dma_semaphore, #tpu.memory_space<semaphore_mem>>) src(%dma_wait3A_65 : memref<640x128xf32, #tpu.memory_space<hbm>>) dst(%dma_wait3A_63 : memref<640x128xf32, #tpu.memory_space<vmem_shared>>)
      tpu.yield
    }) : () -> ()
    %barrier3A = arith.constant 0 : index
    tpu.barrier barrier_id(%barrier3A)
    %mul3A_5 = arith.constant 80 : i32
    %mul3A_6 = arith.muli %add3A, %mul3A_5 : i32
    %add3A_7 = arith.constant 0 : i32
    %add3A_8 = arith.addi %mul3A_6, %add3A_7 : i32
    "tpu.region"() ({
      %run_scoped3A = tpu.sem_alloc : memref<!tpu.dma_semaphore, #tpu.memory_space<semaphore_mem>>
      %dma_start3A_59 = arith.constant 0 : i32
      %dma_start3A_60 = tpu.memref_slice %arg3[%add3A_8, %dma_start3A_59] : memref<2560x128xi32, #tpu.memory_space<hbm>> -> memref<40x128xi32, #tpu.memory_space<hbm>>
      %dma_start3A_61 = arith.constant 0 : i32
      %dma_start3A_62 = tpu.memref_slice %arg3[%add3A_8, %dma_start3A_61] : memref<2560x128xi32, #tpu.memory_space<hbm>> -> memref<40x128xi32, #tpu.memory_space<hbm>>
      tpu.enqueue_dma source(%dma_start3A_62 : memref<40x128xi32, #tpu.memory_space<hbm>>) target(%arg7 : memref<40x128xi32, #tpu.memory_space<vmem>>) target_semaphore(%run_scoped3A : memref<!tpu.dma_semaphore, #tpu.memory_space<semaphore_mem>>)
      %dma_wait3A = arith.constant 0 : i32
      %dma_wait3A_63 = tpu.memref_slice %arg3[%add3A_8, %dma_wait3A] : memref<2560x128xi32, #tpu.memory_space<hbm>> -> memref<40x128xi32, #tpu.memory_space<hbm>>
      %dma_wait3A_64 = arith.constant 0 : i32
      %dma_wait3A_65 = tpu.memref_slice %arg3[%add3A_8, %dma_wait3A_64] : memref<2560x128xi32, #tpu.memory_space<hbm>> -> memref<40x128xi32, #tpu.memory_space<hbm>>
      tpu.wait_dma2 semaphore(%run_scoped3A : memref<!tpu.dma_semaphore, #tpu.memory_space<semaphore_mem>>) src(%dma_wait3A_65 : memref<40x128xi32, #tpu.memory_space<hbm>>) dst(%arg7 : memref<40x128xi32, #tpu.memory_space<vmem>>)
      tpu.yield
    }) : () -> ()
    "tpu.region"() ({
      %run_scoped3A = tpu.sem_alloc : memref<!tpu.dma_semaphore, #tpu.memory_space<semaphore_mem>>
      %dma_start3A_59 = arith.constant 0 : i32
      %dma_start3A_60 = tpu.memref_slice %arg4[%add3A_8, %dma_start3A_59] : memref<2560x128xi32, #tpu.memory_space<hbm>> -> memref<40x128xi32, #tpu.memory_space<hbm>>
      %dma_start3A_61 = arith.constant 0 : i32
      %dma_start3A_62 = tpu.memref_slice %arg4[%add3A_8, %dma_start3A_61] : memref<2560x128xi32, #tpu.memory_space<hbm>> -> memref<40x128xi32, #tpu.memory_space<hbm>>
      tpu.enqueue_dma source(%dma_start3A_62 : memref<40x128xi32, #tpu.memory_space<hbm>>) target(%arg8 : memref<40x128xi32, #tpu.memory_space<vmem>>) target_semaphore(%run_scoped3A : memref<!tpu.dma_semaphore, #tpu.memory_space<semaphore_mem>>)
      %dma_wait3A = arith.constant 0 : i32
      %dma_wait3A_63 = tpu.memref_slice %arg4[%add3A_8, %dma_wait3A] : memref<2560x128xi32, #tpu.memory_space<hbm>> -> memref<40x128xi32, #tpu.memory_space<hbm>>
      %dma_wait3A_64 = arith.constant 0 : i32
      %dma_wait3A_65 = tpu.memref_slice %arg4[%add3A_8, %dma_wait3A_64] : memref<2560x128xi32, #tpu.memory_space<hbm>> -> memref<40x128xi32, #tpu.memory_space<hbm>>
      tpu.wait_dma2 semaphore(%run_scoped3A : memref<!tpu.dma_semaphore, #tpu.memory_space<semaphore_mem>>) src(%dma_wait3A_65 : memref<40x128xi32, #tpu.memory_space<hbm>>) dst(%arg8 : memref<40x128xi32, #tpu.memory_space<vmem>>)
      tpu.yield
    }) : () -> ()
    %dma_start3A = arith.constant 0 : i32
    %dma_start3A_9 = arith.constant 0 : i32
    %dma_start3A_10 = tpu.memref_slice %arg7[%dma_start3A, %dma_start3A_9] : memref<40x128xi32, #tpu.memory_space<vmem>> -> memref<1x128xi32, #tpu.memory_space<vmem>>
    %dma_start3A_11 = tpu.memref_squeeze %dma_start3A_10 : memref<1x128xi32, #tpu.memory_space<vmem>> -> memref<128xi32, #tpu.memory_space<vmem>>
    %dma_start3A_12 = arith.constant 0 : i32
    %dma_start3A_13 = arith.constant 0 : i32
    %dma_start3A_14 = tpu.memref_slice %arg2[%dma_start3A_12, %dma_start3A_13] : memref<10240x128xf32, #tpu.memory_space<hbm>> -> memref<10240x128xf32, #tpu.memory_space<hbm>>
    tpu.enqueue_indirect_dma source(%dma_start3A_14 : memref<10240x128xf32, #tpu.memory_space<hbm>>) target(%arg9 : memref<128x128xf32, #tpu.memory_space<vmem>>) offsets(%dma_start3A_11 : memref<128xi32, #tpu.memory_space<vmem>>) semaphore(%arg12 : memref<!tpu.dma_semaphore, #tpu.memory_space<semaphore_mem>>)
    %dma_start3A_15 = arith.constant 1 : i32
    %dma_start3A_16 = arith.constant 0 : i32
    %dma_start3A_17 = tpu.memref_slice %arg7[%dma_start3A_15, %dma_start3A_16] : memref<40x128xi32, #tpu.memory_space<vmem>> -> memref<1x128xi32, #tpu.memory_space<vmem>>
    %dma_start3A_18 = tpu.memref_squeeze %dma_start3A_17 : memref<1x128xi32, #tpu.memory_space<vmem>> -> memref<128xi32, #tpu.memory_space<vmem>>
    %dma_start3A_19 = arith.constant 0 : i32
    %dma_start3A_20 = arith.constant 0 : i32
    %dma_start3A_21 = tpu.memref_slice %arg2[%dma_start3A_19, %dma_start3A_20] : memref<10240x128xf32, #tpu.memory_space<hbm>> -> memref<10240x128xf32, #tpu.memory_space<hbm>>
    tpu.enqueue_indirect_dma source(%dma_start3A_21 : memref<10240x128xf32, #tpu.memory_space<hbm>>) target(%arg10 : memref<128x128xf32, #tpu.memory_space<vmem>>) offsets(%dma_start3A_18 : memref<128xi32, #tpu.memory_space<vmem>>) semaphore(%arg13 : memref<!tpu.dma_semaphore, #tpu.memory_space<semaphore_mem>>)
    %scan3A = arith.constant 0 : i32
    %scan3A_22 = arith.constant 0 : i32
    %scan3A_23 = arith.constant 20 : i32
    %scan3A_24 = arith.addi %scan3A_22, %scan3A_23 : i32
    %scan3A_25 = arith.constant 1 : i32
    scf.for %scan3A_59 = %scan3A_22 to %scan3A_24 step %scan3A_25  : i32 {
      %mul3A_60 = arith.constant 2 : i32
      %mul3A_61 = arith.muli %mul3A_60, %scan3A_59 : i32
      %add3A_62 = arith.constant 1 : i32
      %add3A_63 = arith.addi %mul3A_61, %add3A_62 : i32
      %dma_wait3A = arith.constant 0 : i32
      %dma_wait3A_64 = tpu.memref_slice %arg7[%mul3A_61, %dma_wait3A] : memref<40x128xi32, #tpu.memory_space<vmem>> -> memref<1x128xi32, #tpu.memory_space<vmem>>
      %dma_wait3A_65 = tpu.memref_squeeze %dma_wait3A_64 : memref<1x128xi32, #tpu.memory_space<vmem>> -> memref<128xi32, #tpu.memory_space<vmem>>
      %dma_wait3A_66 = arith.constant 0 : i32
      %dma_wait3A_67 = arith.constant 0 : i32
      %dma_wait3A_68 = tpu.memref_slice %arg2[%dma_wait3A_66, %dma_wait3A_67] : memref<10240x128xf32, #tpu.memory_space<hbm>> -> memref<10240x128xf32, #tpu.memory_space<hbm>>
      tpu.wait_indirect_dma semaphore(%arg12 : memref<!tpu.dma_semaphore, #tpu.memory_space<semaphore_mem>>) src(%dma_wait3A_68 : memref<10240x128xf32, #tpu.memory_space<hbm>>) dst(%arg9 : memref<128x128xf32, #tpu.memory_space<vmem>>)
      "tpu.region"() ({
        %run_scoped3A = tpu.sem_alloc : memref<!tpu.dma_semaphore, #tpu.memory_space<semaphore_mem>>
        %dma_start3A_86 = arith.constant 0 : i32
        %dma_start3A_87 = tpu.memref_slice %arg8[%mul3A_61, %dma_start3A_86] : memref<40x128xi32, #tpu.memory_space<vmem>> -> memref<1x128xi32, #tpu.memory_space<vmem>>
        %dma_start3A_88 = tpu.memref_squeeze %dma_start3A_87 : memref<1x128xi32, #tpu.memory_space<vmem>> -> memref<128xi32, #tpu.memory_space<vmem>>
        %dma_start3A_89 = arith.constant 0 : i32
        %dma_start3A_90 = arith.constant 0 : i32
        %dma_start3A_91 = tpu.memref_slice %arg11[%dma_start3A_89, %dma_start3A_90] : memref<10240x128xf32, #tpu.memory_space<vmem_shared>> -> memref<10240x128xf32, #tpu.memory_space<vmem_shared>>
        tpu.enqueue_indirect_dma source(%arg9 : memref<128x128xf32, #tpu.memory_space<vmem>>) target(%dma_start3A_91 : memref<10240x128xf32, #tpu.memory_space<vmem_shared>>) offsets(%dma_start3A_88 : memref<128xi32, #tpu.memory_space<vmem>>) semaphore(%run_scoped3A : memref<!tpu.dma_semaphore, #tpu.memory_space<semaphore_mem>>) {add = true}
        %dma_wait3A_92 = arith.constant 0 : i32
        %dma_wait3A_93 = tpu.memref_slice %arg8[%mul3A_61, %dma_wait3A_92] : memref<40x128xi32, #tpu.memory_space<vmem>> -> memref<1x128xi32, #tpu.memory_space<vmem>>
        %dma_wait3A_94 = tpu.memref_squeeze %dma_wait3A_93 : memref<1x128xi32, #tpu.memory_space<vmem>> -> memref<128xi32, #tpu.memory_space<vmem>>
        %dma_wait3A_95 = arith.constant 0 : i32
        %dma_wait3A_96 = arith.constant 0 : i32
        %dma_wait3A_97 = tpu.memref_slice %arg11[%dma_wait3A_95, %dma_wait3A_96] : memref<10240x128xf32, #tpu.memory_space<vmem_shared>> -> memref<10240x128xf32, #tpu.memory_space<vmem_shared>>
        tpu.wait_indirect_dma semaphore(%run_scoped3A : memref<!tpu.dma_semaphore, #tpu.memory_space<semaphore_mem>>) src(%arg9 : memref<128x128xf32, #tpu.memory_space<vmem>>) dst(%dma_wait3A_97 : memref<10240x128xf32, #tpu.memory_space<vmem_shared>>)
        tpu.yield
      }) : () -> ()
      %add3A_69 = arith.constant 2 : i32
      %add3A_70 = arith.addi %mul3A_61, %add3A_69 : i32
      %lt3A = arith.constant 40 : i32
      %lt3A_71 = arith.cmpi slt, %add3A_70, %lt3A : i32
      %convert_element_type3A = arith.extui %lt3A_71 : i1 to i32
      %cond3A = arith.constant 0 : i32
      %cond3A_72 = arith.cmpi ne, %convert_element_type3A, %cond3A : i32
      scf.if %cond3A_72 {
        %add3A_86 = arith.constant 2 : i32
        %add3A_87 = arith.addi %mul3A_61, %add3A_86 : i32
        %dma_start3A_88 = arith.constant 0 : i32
        %dma_start3A_89 = tpu.memref_slice %arg7[%add3A_87, %dma_start3A_88] : memref<40x128xi32, #tpu.memory_space<vmem>> -> memref<1x128xi32, #tpu.memory_space<vmem>>
        %dma_start3A_90 = tpu.memref_squeeze %dma_start3A_89 : memref<1x128xi32, #tpu.memory_space<vmem>> -> memref<128xi32, #tpu.memory_space<vmem>>
        %dma_start3A_91 = arith.constant 0 : i32
        %dma_start3A_92 = arith.constant 0 : i32
        %dma_start3A_93 = tpu.memref_slice %arg2[%dma_start3A_91, %dma_start3A_92] : memref<10240x128xf32, #tpu.memory_space<hbm>> -> memref<10240x128xf32, #tpu.memory_space<hbm>>
        tpu.enqueue_indirect_dma source(%dma_start3A_93 : memref<10240x128xf32, #tpu.memory_space<hbm>>) target(%arg9 : memref<128x128xf32, #tpu.memory_space<vmem>>) offsets(%dma_start3A_90 : memref<128xi32, #tpu.memory_space<vmem>>) semaphore(%arg12 : memref<!tpu.dma_semaphore, #tpu.memory_space<semaphore_mem>>)
      } else {
      }
      %dma_wait3A_73 = arith.constant 0 : i32
      %dma_wait3A_74 = tpu.memref_slice %arg7[%add3A_63, %dma_wait3A_73] : memref<40x128xi32, #tpu.memory_space<vmem>> -> memref<1x128xi32, #tpu.memory_space<vmem>>
      %dma_wait3A_75 = tpu.memref_squeeze %dma_wait3A_74 : memref<1x128xi32, #tpu.memory_space<vmem>> -> memref<128xi32, #tpu.memory_space<vmem>>
      %dma_wait3A_76 = arith.constant 0 : i32
      %dma_wait3A_77 = arith.constant 0 : i32
      %dma_wait3A_78 = tpu.memref_slice %arg2[%dma_wait3A_76, %dma_wait3A_77] : memref<10240x128xf32, #tpu.memory_space<hbm>> -> memref<10240x128xf32, #tpu.memory_space<hbm>>
      tpu.wait_indirect_dma semaphore(%arg13 : memref<!tpu.dma_semaphore, #tpu.memory_space<semaphore_mem>>) src(%dma_wait3A_78 : memref<10240x128xf32, #tpu.memory_space<hbm>>) dst(%arg10 : memref<128x128xf32, #tpu.memory_space<vmem>>)
      "tpu.region"() ({
        %run_scoped3A = tpu.sem_alloc : memref<!tpu.dma_semaphore, #tpu.memory_space<semaphore_mem>>
        %dma_start3A_86 = arith.constant 0 : i32
        %dma_start3A_87 = tpu.memref_slice %arg8[%add3A_63, %dma_start3A_86] : memref<40x128xi32, #tpu.memory_space<vmem>> -> memref<1x128xi32, #tpu.memory_space<vmem>>
        %dma_start3A_88 = tpu.memref_squeeze %dma_start3A_87 : memref<1x128xi32, #tpu.memory_space<vmem>> -> memref<128xi32, #tpu.memory_space<vmem>>
        %dma_start3A_89 = arith.constant 0 : i32
        %dma_start3A_90 = arith.constant 0 : i32
        %dma_start3A_91 = tpu.memref_slice %arg11[%dma_start3A_89, %dma_start3A_90] : memref<10240x128xf32, #tpu.memory_space<vmem_shared>> -> memref<10240x128xf32, #tpu.memory_space<vmem_shared>>
        tpu.enqueue_indirect_dma source(%arg10 : memref<128x128xf32, #tpu.memory_space<vmem>>) target(%dma_start3A_91 : memref<10240x128xf32, #tpu.memory_space<vmem_shared>>) offsets(%dma_start3A_88 : memref<128xi32, #tpu.memory_space<vmem>>) semaphore(%run_scoped3A : memref<!tpu.dma_semaphore, #tpu.memory_space<semaphore_mem>>) {add = true}
        %dma_wait3A_92 = arith.constant 0 : i32
        %dma_wait3A_93 = tpu.memref_slice %arg8[%add3A_63, %dma_wait3A_92] : memref<40x128xi32, #tpu.memory_space<vmem>> -> memref<1x128xi32, #tpu.memory_space<vmem>>
        %dma_wait3A_94 = tpu.memref_squeeze %dma_wait3A_93 : memref<1x128xi32, #tpu.memory_space<vmem>> -> memref<128xi32, #tpu.memory_space<vmem>>
        %dma_wait3A_95 = arith.constant 0 : i32
        %dma_wait3A_96 = arith.constant 0 : i32
        %dma_wait3A_97 = tpu.memref_slice %arg11[%dma_wait3A_95, %dma_wait3A_96] : memref<10240x128xf32, #tpu.memory_space<vmem_shared>> -> memref<10240x128xf32, #tpu.memory_space<vmem_shared>>
        tpu.wait_indirect_dma semaphore(%run_scoped3A : memref<!tpu.dma_semaphore, #tpu.memory_space<semaphore_mem>>) src(%arg10 : memref<128x128xf32, #tpu.memory_space<vmem>>) dst(%dma_wait3A_97 : memref<10240x128xf32, #tpu.memory_space<vmem_shared>>)
        tpu.yield
      }) : () -> ()
      %add3A_79 = arith.constant 2 : i32
      %add3A_80 = arith.addi %add3A_63, %add3A_79 : i32
      %lt3A_81 = arith.constant 40 : i32
      %lt3A_82 = arith.cmpi slt, %add3A_80, %lt3A_81 : i32
      %convert_element_type3A_83 = arith.extui %lt3A_82 : i1 to i32
      %cond3A_84 = arith.constant 0 : i32
      %cond3A_85 = arith.cmpi ne, %convert_element_type3A_83, %cond3A_84 : i32
      scf.if %cond3A_85 {
        %add3A_86 = arith.constant 2 : i32
        %add3A_87 = arith.addi %add3A_63, %add3A_86 : i32
        %dma_start3A_88 = arith.constant 0 : i32
        %dma_start3A_89 = tpu.memref_slice %arg7[%add3A_87, %dma_start3A_88] : memref<40x128xi32, #tpu.memory_space<vmem>> -> memref<1x128xi32, #tpu.memory_space<vmem>>
        %dma_start3A_90 = tpu.memref_squeeze %dma_start3A_89 : memref<1x128xi32, #tpu.memory_space<vmem>> -> memref<128xi32, #tpu.memory_space<vmem>>
        %dma_start3A_91 = arith.constant 0 : i32
        %dma_start3A_92 = arith.constant 0 : i32
        %dma_start3A_93 = tpu.memref_slice %arg2[%dma_start3A_91, %dma_start3A_92] : memref<10240x128xf32, #tpu.memory_space<hbm>> -> memref<10240x128xf32, #tpu.memory_space<hbm>>
        tpu.enqueue_indirect_dma source(%dma_start3A_93 : memref<10240x128xf32, #tpu.memory_space<hbm>>) target(%arg10 : memref<128x128xf32, #tpu.memory_space<vmem>>) offsets(%dma_start3A_90 : memref<128xi32, #tpu.memory_space<vmem>>) semaphore(%arg13 : memref<!tpu.dma_semaphore, #tpu.memory_space<semaphore_mem>>)
      } else {
      }
    }
    %scan3A_26 = arith.constant 20 : i32
    %mul3A_27 = arith.constant 80 : i32
    %mul3A_28 = arith.muli %add3A, %mul3A_27 : i32
    %add3A_29 = arith.constant 40 : i32
    %add3A_30 = arith.addi %mul3A_28, %add3A_29 : i32
    "tpu.region"() ({
      %run_scoped3A = tpu.sem_alloc : memref<!tpu.dma_semaphore, #tpu.memory_space<semaphore_mem>>
      %dma_start3A_59 = arith.constant 0 : i32
      %dma_start3A_60 = tpu.memref_slice %arg3[%add3A_30, %dma_start3A_59] : memref<2560x128xi32, #tpu.memory_space<hbm>> -> memref<40x128xi32, #tpu.memory_space<hbm>>
      %dma_start3A_61 = arith.constant 0 : i32
      %dma_start3A_62 = tpu.memref_slice %arg3[%add3A_30, %dma_start3A_61] : memref<2560x128xi32, #tpu.memory_space<hbm>> -> memref<40x128xi32, #tpu.memory_space<hbm>>
      tpu.enqueue_dma source(%dma_start3A_62 : memref<40x128xi32, #tpu.memory_space<hbm>>) target(%arg7 : memref<40x128xi32, #tpu.memory_space<vmem>>) target_semaphore(%run_scoped3A : memref<!tpu.dma_semaphore, #tpu.memory_space<semaphore_mem>>)
      %dma_wait3A = arith.constant 0 : i32
      %dma_wait3A_63 = tpu.memref_slice %arg3[%add3A_30, %dma_wait3A] : memref<2560x128xi32, #tpu.memory_space<hbm>> -> memref<40x128xi32, #tpu.memory_space<hbm>>
      %dma_wait3A_64 = arith.constant 0 : i32
      %dma_wait3A_65 = tpu.memref_slice %arg3[%add3A_30, %dma_wait3A_64] : memref<2560x128xi32, #tpu.memory_space<hbm>> -> memref<40x128xi32, #tpu.memory_space<hbm>>
      tpu.wait_dma2 semaphore(%run_scoped3A : memref<!tpu.dma_semaphore, #tpu.memory_space<semaphore_mem>>) src(%dma_wait3A_65 : memref<40x128xi32, #tpu.memory_space<hbm>>) dst(%arg7 : memref<40x128xi32, #tpu.memory_space<vmem>>)
      tpu.yield
    }) : () -> ()
    "tpu.region"() ({
      %run_scoped3A = tpu.sem_alloc : memref<!tpu.dma_semaphore, #tpu.memory_space<semaphore_mem>>
      %dma_start3A_59 = arith.constant 0 : i32
      %dma_start3A_60 = tpu.memref_slice %arg4[%add3A_30, %dma_start3A_59] : memref<2560x128xi32, #tpu.memory_space<hbm>> -> memref<40x128xi32, #tpu.memory_space<hbm>>
      %dma_start3A_61 = arith.constant 0 : i32
      %dma_start3A_62 = tpu.memref_slice %arg4[%add3A_30, %dma_start3A_61] : memref<2560x128xi32, #tpu.memory_space<hbm>> -> memref<40x128xi32, #tpu.memory_space<hbm>>
      tpu.enqueue_dma source(%dma_start3A_62 : memref<40x128xi32, #tpu.memory_space<hbm>>) target(%arg8 : memref<40x128xi32, #tpu.memory_space<vmem>>) target_semaphore(%run_scoped3A : memref<!tpu.dma_semaphore, #tpu.memory_space<semaphore_mem>>)
      %dma_wait3A = arith.constant 0 : i32
      %dma_wait3A_63 = tpu.memref_slice %arg4[%add3A_30, %dma_wait3A] : memref<2560x128xi32, #tpu.memory_space<hbm>> -> memref<40x128xi32, #tpu.memory_space<hbm>>
      %dma_wait3A_64 = arith.constant 0 : i32
      %dma_wait3A_65 = tpu.memref_slice %arg4[%add3A_30, %dma_wait3A_64] : memref<2560x128xi32, #tpu.memory_space<hbm>> -> memref<40x128xi32, #tpu.memory_space<hbm>>
      tpu.wait_dma2 semaphore(%run_scoped3A : memref<!tpu.dma_semaphore, #tpu.memory_space<semaphore_mem>>) src(%dma_wait3A_65 : memref<40x128xi32, #tpu.memory_space<hbm>>) dst(%arg8 : memref<40x128xi32, #tpu.memory_space<vmem>>)
      tpu.yield
    }) : () -> ()
    %dma_start3A_31 = arith.constant 0 : i32
    %dma_start3A_32 = arith.constant 0 : i32
    %dma_start3A_33 = tpu.memref_slice %arg7[%dma_start3A_31, %dma_start3A_32] : memref<40x128xi32, #tpu.memory_space<vmem>> -> memref<1x128xi32, #tpu.memory_space<vmem>>
    %dma_start3A_34 = tpu.memref_squeeze %dma_start3A_33 : memref<1x128xi32, #tpu.memory_space<vmem>> -> memref<128xi32, #tpu.memory_space<vmem>>
    %dma_start3A_35 = arith.constant 0 : i32
    %dma_start3A_36 = arith.constant 0 : i32
    %dma_start3A_37 = tpu.memref_slice %arg2[%dma_start3A_35, %dma_start3A_36] : memref<10240x128xf32, #tpu.memory_space<hbm>> -> memref<10240x128xf32, #tpu.memory_space<hbm>>
    tpu.enqueue_indirect_dma source(%dma_start3A_37 : memref<10240x128xf32, #tpu.memory_space<hbm>>) target(%arg9 : memref<128x128xf32, #tpu.memory_space<vmem>>) offsets(%dma_start3A_34 : memref<128xi32, #tpu.memory_space<vmem>>) semaphore(%arg12 : memref<!tpu.dma_semaphore, #tpu.memory_space<semaphore_mem>>)
    %dma_start3A_38 = arith.constant 1 : i32
    %dma_start3A_39 = arith.constant 0 : i32
    %dma_start3A_40 = tpu.memref_slice %arg7[%dma_start3A_38, %dma_start3A_39] : memref<40x128xi32, #tpu.memory_space<vmem>> -> memref<1x128xi32, #tpu.memory_space<vmem>>
    %dma_start3A_41 = tpu.memref_squeeze %dma_start3A_40 : memref<1x128xi32, #tpu.memory_space<vmem>> -> memref<128xi32, #tpu.memory_space<vmem>>
    %dma_start3A_42 = arith.constant 0 : i32
    %dma_start3A_43 = arith.constant 0 : i32
    %dma_start3A_44 = tpu.memref_slice %arg2[%dma_start3A_42, %dma_start3A_43] : memref<10240x128xf32, #tpu.memory_space<hbm>> -> memref<10240x128xf32, #tpu.memory_space<hbm>>
    tpu.enqueue_indirect_dma source(%dma_start3A_44 : memref<10240x128xf32, #tpu.memory_space<hbm>>) target(%arg10 : memref<128x128xf32, #tpu.memory_space<vmem>>) offsets(%dma_start3A_41 : memref<128xi32, #tpu.memory_space<vmem>>) semaphore(%arg13 : memref<!tpu.dma_semaphore, #tpu.memory_space<semaphore_mem>>)
    %scan3A_45 = arith.constant 0 : i32
    %scan3A_46 = arith.constant 0 : i32
    %scan3A_47 = arith.constant 20 : i32
    %scan3A_48 = arith.addi %scan3A_46, %scan3A_47 : i32
    %scan3A_49 = arith.constant 1 : i32
    scf.for %scan3A_59 = %scan3A_46 to %scan3A_48 step %scan3A_49  : i32 {
      %mul3A_60 = arith.constant 2 : i32
      %mul3A_61 = arith.muli %mul3A_60, %scan3A_59 : i32
      %add3A_62 = arith.constant 1 : i32
      %add3A_63 = arith.addi %mul3A_61, %add3A_62 : i32
      %dma_wait3A = arith.constant 0 : i32
      %dma_wait3A_64 = tpu.memref_slice %arg7[%mul3A_61, %dma_wait3A] : memref<40x128xi32, #tpu.memory_space<vmem>> -> memref<1x128xi32, #tpu.memory_space<vmem>>
      %dma_wait3A_65 = tpu.memref_squeeze %dma_wait3A_64 : memref<1x128xi32, #tpu.memory_space<vmem>> -> memref<128xi32, #tpu.memory_space<vmem>>
      %dma_wait3A_66 = arith.constant 0 : i32
      %dma_wait3A_67 = arith.constant 0 : i32
      %dma_wait3A_68 = tpu.memref_slice %arg2[%dma_wait3A_66, %dma_wait3A_67] : memref<10240x128xf32, #tpu.memory_space<hbm>> -> memref<10240x128xf32, #tpu.memory_space<hbm>>
      tpu.wait_indirect_dma semaphore(%arg12 : memref<!tpu.dma_semaphore, #tpu.memory_space<semaphore_mem>>) src(%dma_wait3A_68 : memref<10240x128xf32, #tpu.memory_space<hbm>>) dst(%arg9 : memref<128x128xf32, #tpu.memory_space<vmem>>)
      "tpu.region"() ({
        %run_scoped3A = tpu.sem_alloc : memref<!tpu.dma_semaphore, #tpu.memory_space<semaphore_mem>>
        %dma_start3A_86 = arith.constant 0 : i32
        %dma_start3A_87 = tpu.memref_slice %arg8[%mul3A_61, %dma_start3A_86] : memref<40x128xi32, #tpu.memory_space<vmem>> -> memref<1x128xi32, #tpu.memory_space<vmem>>
        %dma_start3A_88 = tpu.memref_squeeze %dma_start3A_87 : memref<1x128xi32, #tpu.memory_space<vmem>> -> memref<128xi32, #tpu.memory_space<vmem>>
        %dma_start3A_89 = arith.constant 0 : i32
        %dma_start3A_90 = arith.constant 0 : i32
        %dma_start3A_91 = tpu.memref_slice %arg11[%dma_start3A_89, %dma_start3A_90] : memref<10240x128xf32, #tpu.memory_space<vmem_shared>> -> memref<10240x128xf32, #tpu.memory_space<vmem_shared>>
        tpu.enqueue_indirect_dma source(%arg9 : memref<128x128xf32, #tpu.memory_space<vmem>>) target(%dma_start3A_91 : memref<10240x128xf32, #tpu.memory_space<vmem_shared>>) offsets(%dma_start3A_88 : memref<128xi32, #tpu.memory_space<vmem>>) semaphore(%run_scoped3A : memref<!tpu.dma_semaphore, #tpu.memory_space<semaphore_mem>>) {add = true}
        %dma_wait3A_92 = arith.constant 0 : i32
        %dma_wait3A_93 = tpu.memref_slice %arg8[%mul3A_61, %dma_wait3A_92] : memref<40x128xi32, #tpu.memory_space<vmem>> -> memref<1x128xi32, #tpu.memory_space<vmem>>
        %dma_wait3A_94 = tpu.memref_squeeze %dma_wait3A_93 : memref<1x128xi32, #tpu.memory_space<vmem>> -> memref<128xi32, #tpu.memory_space<vmem>>
        %dma_wait3A_95 = arith.constant 0 : i32
        %dma_wait3A_96 = arith.constant 0 : i32
        %dma_wait3A_97 = tpu.memref_slice %arg11[%dma_wait3A_95, %dma_wait3A_96] : memref<10240x128xf32, #tpu.memory_space<vmem_shared>> -> memref<10240x128xf32, #tpu.memory_space<vmem_shared>>
        tpu.wait_indirect_dma semaphore(%run_scoped3A : memref<!tpu.dma_semaphore, #tpu.memory_space<semaphore_mem>>) src(%arg9 : memref<128x128xf32, #tpu.memory_space<vmem>>) dst(%dma_wait3A_97 : memref<10240x128xf32, #tpu.memory_space<vmem_shared>>)
        tpu.yield
      }) : () -> ()
      %add3A_69 = arith.constant 2 : i32
      %add3A_70 = arith.addi %mul3A_61, %add3A_69 : i32
      %lt3A = arith.constant 40 : i32
      %lt3A_71 = arith.cmpi slt, %add3A_70, %lt3A : i32
      %convert_element_type3A = arith.extui %lt3A_71 : i1 to i32
      %cond3A = arith.constant 0 : i32
      %cond3A_72 = arith.cmpi ne, %convert_element_type3A, %cond3A : i32
      scf.if %cond3A_72 {
        %add3A_86 = arith.constant 2 : i32
        %add3A_87 = arith.addi %mul3A_61, %add3A_86 : i32
        %dma_start3A_88 = arith.constant 0 : i32
        %dma_start3A_89 = tpu.memref_slice %arg7[%add3A_87, %dma_start3A_88] : memref<40x128xi32, #tpu.memory_space<vmem>> -> memref<1x128xi32, #tpu.memory_space<vmem>>
        %dma_start3A_90 = tpu.memref_squeeze %dma_start3A_89 : memref<1x128xi32, #tpu.memory_space<vmem>> -> memref<128xi32, #tpu.memory_space<vmem>>
        %dma_start3A_91 = arith.constant 0 : i32
        %dma_start3A_92 = arith.constant 0 : i32
        %dma_start3A_93 = tpu.memref_slice %arg2[%dma_start3A_91, %dma_start3A_92] : memref<10240x128xf32, #tpu.memory_space<hbm>> -> memref<10240x128xf32, #tpu.memory_space<hbm>>
        tpu.enqueue_indirect_dma source(%dma_start3A_93 : memref<10240x128xf32, #tpu.memory_space<hbm>>) target(%arg9 : memref<128x128xf32, #tpu.memory_space<vmem>>) offsets(%dma_start3A_90 : memref<128xi32, #tpu.memory_space<vmem>>) semaphore(%arg12 : memref<!tpu.dma_semaphore, #tpu.memory_space<semaphore_mem>>)
      } else {
      }
      %dma_wait3A_73 = arith.constant 0 : i32
      %dma_wait3A_74 = tpu.memref_slice %arg7[%add3A_63, %dma_wait3A_73] : memref<40x128xi32, #tpu.memory_space<vmem>> -> memref<1x128xi32, #tpu.memory_space<vmem>>
      %dma_wait3A_75 = tpu.memref_squeeze %dma_wait3A_74 : memref<1x128xi32, #tpu.memory_space<vmem>> -> memref<128xi32, #tpu.memory_space<vmem>>
      %dma_wait3A_76 = arith.constant 0 : i32
      %dma_wait3A_77 = arith.constant 0 : i32
      %dma_wait3A_78 = tpu.memref_slice %arg2[%dma_wait3A_76, %dma_wait3A_77] : memref<10240x128xf32, #tpu.memory_space<hbm>> -> memref<10240x128xf32, #tpu.memory_space<hbm>>
      tpu.wait_indirect_dma semaphore(%arg13 : memref<!tpu.dma_semaphore, #tpu.memory_space<semaphore_mem>>) src(%dma_wait3A_78 : memref<10240x128xf32, #tpu.memory_space<hbm>>) dst(%arg10 : memref<128x128xf32, #tpu.memory_space<vmem>>)
      "tpu.region"() ({
        %run_scoped3A = tpu.sem_alloc : memref<!tpu.dma_semaphore, #tpu.memory_space<semaphore_mem>>
        %dma_start3A_86 = arith.constant 0 : i32
        %dma_start3A_87 = tpu.memref_slice %arg8[%add3A_63, %dma_start3A_86] : memref<40x128xi32, #tpu.memory_space<vmem>> -> memref<1x128xi32, #tpu.memory_space<vmem>>
        %dma_start3A_88 = tpu.memref_squeeze %dma_start3A_87 : memref<1x128xi32, #tpu.memory_space<vmem>> -> memref<128xi32, #tpu.memory_space<vmem>>
        %dma_start3A_89 = arith.constant 0 : i32
        %dma_start3A_90 = arith.constant 0 : i32
        %dma_start3A_91 = tpu.memref_slice %arg11[%dma_start3A_89, %dma_start3A_90] : memref<10240x128xf32, #tpu.memory_space<vmem_shared>> -> memref<10240x128xf32, #tpu.memory_space<vmem_shared>>
        tpu.enqueue_indirect_dma source(%arg10 : memref<128x128xf32, #tpu.memory_space<vmem>>) target(%dma_start3A_91 : memref<10240x128xf32, #tpu.memory_space<vmem_shared>>) offsets(%dma_start3A_88 : memref<128xi32, #tpu.memory_space<vmem>>) semaphore(%run_scoped3A : memref<!tpu.dma_semaphore, #tpu.memory_space<semaphore_mem>>) {add = true}
        %dma_wait3A_92 = arith.constant 0 : i32
        %dma_wait3A_93 = tpu.memref_slice %arg8[%add3A_63, %dma_wait3A_92] : memref<40x128xi32, #tpu.memory_space<vmem>> -> memref<1x128xi32, #tpu.memory_space<vmem>>
        %dma_wait3A_94 = tpu.memref_squeeze %dma_wait3A_93 : memref<1x128xi32, #tpu.memory_space<vmem>> -> memref<128xi32, #tpu.memory_space<vmem>>
        %dma_wait3A_95 = arith.constant 0 : i32
        %dma_wait3A_96 = arith.constant 0 : i32
        %dma_wait3A_97 = tpu.memref_slice %arg11[%dma_wait3A_95, %dma_wait3A_96] : memref<10240x128xf32, #tpu.memory_space<vmem_shared>> -> memref<10240x128xf32, #tpu.memory_space<vmem_shared>>
        tpu.wait_indirect_dma semaphore(%run_scoped3A : memref<!tpu.dma_semaphore, #tpu.memory_space<semaphore_mem>>) src(%arg10 : memref<128x128xf32, #tpu.memory_space<vmem>>) dst(%dma_wait3A_97 : memref<10240x128xf32, #tpu.memory_space<vmem_shared>>)
        tpu.yield
      }) : () -> ()
      %add3A_79 = arith.constant 2 : i32
      %add3A_80 = arith.addi %add3A_63, %add3A_79 : i32
      %lt3A_81 = arith.constant 40 : i32
      %lt3A_82 = arith.cmpi slt, %add3A_80, %lt3A_81 : i32
      %convert_element_type3A_83 = arith.extui %lt3A_82 : i1 to i32
      %cond3A_84 = arith.constant 0 : i32
      %cond3A_85 = arith.cmpi ne, %convert_element_type3A_83, %cond3A_84 : i32
      scf.if %cond3A_85 {
        %add3A_86 = arith.constant 2 : i32
        %add3A_87 = arith.addi %add3A_63, %add3A_86 : i32
        %dma_start3A_88 = arith.constant 0 : i32
        %dma_start3A_89 = tpu.memref_slice %arg7[%add3A_87, %dma_start3A_88] : memref<40x128xi32, #tpu.memory_space<vmem>> -> memref<1x128xi32, #tpu.memory_space<vmem>>
        %dma_start3A_90 = tpu.memref_squeeze %dma_start3A_89 : memref<1x128xi32, #tpu.memory_space<vmem>> -> memref<128xi32, #tpu.memory_space<vmem>>
        %dma_start3A_91 = arith.constant 0 : i32
        %dma_start3A_92 = arith.constant 0 : i32
        %dma_start3A_93 = tpu.memref_slice %arg2[%dma_start3A_91, %dma_start3A_92] : memref<10240x128xf32, #tpu.memory_space<hbm>> -> memref<10240x128xf32, #tpu.memory_space<hbm>>
        tpu.enqueue_indirect_dma source(%dma_start3A_93 : memref<10240x128xf32, #tpu.memory_space<hbm>>) target(%arg10 : memref<128x128xf32, #tpu.memory_space<vmem>>) offsets(%dma_start3A_90 : memref<128xi32, #tpu.memory_space<vmem>>) semaphore(%arg13 : memref<!tpu.dma_semaphore, #tpu.memory_space<semaphore_mem>>)
      } else {
      }
    }
    %scan3A_50 = arith.constant 20 : i32
    %barrier3A_51 = arith.constant 0 : index
    tpu.barrier barrier_id(%barrier3A_51)
    %mul3A_52 = arith.constant 640 : i32
    %mul3A_53 = arith.muli %arg1, %mul3A_52 : i32
    %mul3A_54 = arith.constant 10240 : i32
    %mul3A_55 = arith.muli %arg0, %mul3A_54 : i32
    %mul3A_56 = arith.constant 640 : i32
    %mul3A_57 = arith.muli %arg1, %mul3A_56 : i32
    %add3A_58 = arith.addi %mul3A_55, %mul3A_57 : i32
    "tpu.region"() ({
      %run_scoped3A = tpu.sem_alloc : memref<!tpu.dma_semaphore, #tpu.memory_space<semaphore_mem>>
      %dma_start3A_59 = arith.constant 0 : i32
      %dma_start3A_60 = tpu.memref_slice %arg6[%add3A_58, %dma_start3A_59] : memref<20480x128xf32, #tpu.memory_space<hbm>> -> memref<640x128xf32, #tpu.memory_space<hbm>>
      %dma_start3A_61 = arith.constant 0 : i32
      %dma_start3A_62 = tpu.memref_slice %arg11[%mul3A_53, %dma_start3A_61] : memref<10240x128xf32, #tpu.memory_space<vmem_shared>> -> memref<640x128xf32, #tpu.memory_space<vmem_shared>>
      tpu.enqueue_dma source(%dma_start3A_62 : memref<640x128xf32, #tpu.memory_space<vmem_shared>>) target(%dma_start3A_60 : memref<640x128xf32, #tpu.memory_space<hbm>>) target_semaphore(%run_scoped3A : memref<!tpu.dma_semaphore, #tpu.memory_space<semaphore_mem>>)
      %dma_wait3A = arith.constant 0 : i32
      %dma_wait3A_63 = tpu.memref_slice %arg6[%add3A_58, %dma_wait3A] : memref<20480x128xf32, #tpu.memory_space<hbm>> -> memref<640x128xf32, #tpu.memory_space<hbm>>
      %dma_wait3A_64 = arith.constant 0 : i32
      %dma_wait3A_65 = tpu.memref_slice %arg11[%mul3A_53, %dma_wait3A_64] : memref<10240x128xf32, #tpu.memory_space<vmem_shared>> -> memref<640x128xf32, #tpu.memory_space<vmem_shared>>
      tpu.wait_dma2 semaphore(%run_scoped3A : memref<!tpu.dma_semaphore, #tpu.memory_space<semaphore_mem>>) src(%dma_wait3A_65 : memref<640x128xf32, #tpu.memory_space<vmem_shared>>) dst(%dma_wait3A_63 : memref<640x128xf32, #tpu.memory_space<hbm>>)
      tpu.yield
    }) : () -> ()
    return
  }
}

#map = affine_map<(d0, d1) -> (0, 0)>
module attributes {stable_mosaic.version = 14 : i64} {
  func.func @run(%arg0: i32, %arg1: i32, %arg2: memref<10240x128xf32, #tpu.memory_space<hbm>>, %arg3: memref<2560x128xi32, #tpu.memory_space<hbm>>, %arg4: memref<2560x128xi32, #tpu.memory_space<hbm>>, %arg5: memref<10240x128xf32, #tpu.memory_space<hbm>>, %arg6: memref<20480x128xf32, #tpu.memory_space<hbm>>, %arg7: memref<40x128xi32, #tpu.memory_space<vmem>>, %arg8: memref<40x128xi32, #tpu.memory_space<vmem>>, %arg9: memref<128x128xf32, #tpu.memory_space<vmem>>, %arg10: memref<128x128xf32, #tpu.memory_space<vmem>>, %arg11: memref<10240x128xf32, #tpu.memory_space<vmem_shared>>, %arg12: memref<!tpu.dma_semaphore, #tpu.memory_space<semaphore_mem>>, %arg13: memref<!tpu.dma_semaphore, #tpu.memory_space<semaphore_mem>>) attributes {dimension_semantics = [#tpu.dimension_semantics<core_parallel>, #tpu.dimension_semantics<subcore_parallel>], iteration_bounds = array<i64: 2, 16>, scalar_prefetch = 0 : i64, scratch_operands = 7 : i64, tpu.core_type = #tpu.core_type<sc_vector_subcore>, window_params = [{transform_indices = #map}, {transform_indices = #map}, {transform_indices = #map}, {transform_indices = #map}, {transform_indices = #map}]} {
    %mul3A = arith.constant 2 : i32
    %mul3A_0 = arith.muli %arg1, %mul3A : i32
    %add3A = arith.addi %mul3A_0, %arg0 : i32
    %mul3A_1 = arith.constant 640 : i32
    %mul3A_2 = arith.muli %arg1, %mul3A_1 : i32
    %mul3A_3 = arith.constant 640 : i32
    %mul3A_4 = arith.muli %arg1, %mul3A_3 : i32
    "tpu.region"() ({
      %run_scoped3A = tpu.sem_alloc : memref<!tpu.dma_semaphore, #tpu.memory_space<semaphore_mem>>
      %dma_start3A_59 = arith.constant 0 : i32
      %dma_start3A_60 = tpu.memref_slice %arg11[%mul3A_4, %dma_start3A_59] : memref<10240x128xf32, #tpu.memory_space<vmem_shared>> -> memref<640x128xf32, #tpu.memory_space<vmem_shared>>
      %dma_start3A_61 = arith.constant 0 : i32
      %dma_start3A_62 = tpu.memref_slice %arg5[%mul3A_2, %dma_start3A_61] : memref<10240x128xf32, #tpu.memory_space<hbm>> -> memref<640x128xf32, #tpu.memory_space<hbm>>
      tpu.enqueue_dma source(%dma_start3A_62 : memref<640x128xf32, #tpu.memory_space<hbm>>) target(%dma_start3A_60 : memref<640x128xf32, #tpu.memory_space<vmem_shared>>) target_semaphore(%run_scoped3A : memref<!tpu.dma_semaphore, #tpu.memory_space<semaphore_mem>>)
      %dma_wait3A = arith.constant 0 : i32
      %dma_wait3A_63 = tpu.memref_slice %arg11[%mul3A_4, %dma_wait3A] : memref<10240x128xf32, #tpu.memory_space<vmem_shared>> -> memref<640x128xf32, #tpu.memory_space<vmem_shared>>
      %dma_wait3A_64 = arith.constant 0 : i32
      %dma_wait3A_65 = tpu.memref_slice %arg5[%mul3A_2, %dma_wait3A_64] : memref<10240x128xf32, #tpu.memory_space<hbm>> -> memref<640x128xf32, #tpu.memory_space<hbm>>
      tpu.wait_dma2 semaphore(%run_scoped3A : memref<!tpu.dma_semaphore, #tpu.memory_space<semaphore_mem>>) src(%dma_wait3A_65 : memref<640x128xf32, #tpu.memory_space<hbm>>) dst(%dma_wait3A_63 : memref<640x128xf32, #tpu.memory_space<vmem_shared>>)
      tpu.yield
    }) : () -> ()
    %barrier3A = arith.constant 0 : index
    tpu.barrier barrier_id(%barrier3A)
    %mul3A_5 = arith.constant 80 : i32
    %mul3A_6 = arith.muli %add3A, %mul3A_5 : i32
    %add3A_7 = arith.constant 0 : i32
    %add3A_8 = arith.addi %mul3A_6, %add3A_7 : i32
    "tpu.region"() ({
      %run_scoped3A = tpu.sem_alloc : memref<!tpu.dma_semaphore, #tpu.memory_space<semaphore_mem>>
      %dma_start3A_59 = arith.constant 0 : i32
      %dma_start3A_60 = tpu.memref_slice %arg3[%add3A_8, %dma_start3A_59] : memref<2560x128xi32, #tpu.memory_space<hbm>> -> memref<40x128xi32, #tpu.memory_space<hbm>>
      %dma_start3A_61 = arith.constant 0 : i32
      %dma_start3A_62 = tpu.memref_slice %arg3[%add3A_8, %dma_start3A_61] : memref<2560x128xi32, #tpu.memory_space<hbm>> -> memref<40x128xi32, #tpu.memory_space<hbm>>
      tpu.enqueue_dma source(%dma_start3A_62 : memref<40x128xi32, #tpu.memory_space<hbm>>) target(%arg7 : memref<40x128xi32, #tpu.memory_space<vmem>>) target_semaphore(%run_scoped3A : memref<!tpu.dma_semaphore, #tpu.memory_space<semaphore_mem>>)
      %dma_wait3A = arith.constant 0 : i32
      %dma_wait3A_63 = tpu.memref_slice %arg3[%add3A_8, %dma_wait3A] : memref<2560x128xi32, #tpu.memory_space<hbm>> -> memref<40x128xi32, #tpu.memory_space<hbm>>
      %dma_wait3A_64 = arith.constant 0 : i32
      %dma_wait3A_65 = tpu.memref_slice %arg3[%add3A_8, %dma_wait3A_64] : memref<2560x128xi32, #tpu.memory_space<hbm>> -> memref<40x128xi32, #tpu.memory_space<hbm>>
      tpu.wait_dma2 semaphore(%run_scoped3A : memref<!tpu.dma_semaphore, #tpu.memory_space<semaphore_mem>>) src(%dma_wait3A_65 : memref<40x128xi32, #tpu.memory_space<hbm>>) dst(%arg7 : memref<40x128xi32, #tpu.memory_space<vmem>>)
      tpu.yield
    }) : () -> ()
    "tpu.region"() ({
      %run_scoped3A = tpu.sem_alloc : memref<!tpu.dma_semaphore, #tpu.memory_space<semaphore_mem>>
      %dma_start3A_59 = arith.constant 0 : i32
      %dma_start3A_60 = tpu.memref_slice %arg4[%add3A_8, %dma_start3A_59] : memref<2560x128xi32, #tpu.memory_space<hbm>> -> memref<40x128xi32, #tpu.memory_space<hbm>>
      %dma_start3A_61 = arith.constant 0 : i32
      %dma_start3A_62 = tpu.memref_slice %arg4[%add3A_8, %dma_start3A_61] : memref<2560x128xi32, #tpu.memory_space<hbm>> -> memref<40x128xi32, #tpu.memory_space<hbm>>
      tpu.enqueue_dma source(%dma_start3A_62 : memref<40x128xi32, #tpu.memory_space<hbm>>) target(%arg8 : memref<40x128xi32, #tpu.memory_space<vmem>>) target_semaphore(%run_scoped3A : memref<!tpu.dma_semaphore, #tpu.memory_space<semaphore_mem>>)
      %dma_wait3A = arith.constant 0 : i32
      %dma_wait3A_63 = tpu.memref_slice %arg4[%add3A_8, %dma_wait3A] : memref<2560x128xi32, #tpu.memory_space<hbm>> -> memref<40x128xi32, #tpu.memory_space<hbm>>
      %dma_wait3A_64 = arith.constant 0 : i32
      %dma_wait3A_65 = tpu.memref_slice %arg4[%add3A_8, %dma_wait3A_64] : memref<2560x128xi32, #tpu.memory_space<hbm>> -> memref<40x128xi32, #tpu.memory_space<hbm>>
      tpu.wait_dma2 semaphore(%run_scoped3A : memref<!tpu.dma_semaphore, #tpu.memory_space<semaphore_mem>>) src(%dma_wait3A_65 : memref<40x128xi32, #tpu.memory_space<hbm>>) dst(%arg8 : memref<40x128xi32, #tpu.memory_space<vmem>>)
      tpu.yield
    }) : () -> ()
    %dma_start3A = arith.constant 0 : i32
    %dma_start3A_9 = arith.constant 0 : i32
    %dma_start3A_10 = tpu.memref_slice %arg7[%dma_start3A, %dma_start3A_9] : memref<40x128xi32, #tpu.memory_space<vmem>> -> memref<1x128xi32, #tpu.memory_space<vmem>>
    %dma_start3A_11 = tpu.memref_squeeze %dma_start3A_10 : memref<1x128xi32, #tpu.memory_space<vmem>> -> memref<128xi32, #tpu.memory_space<vmem>>
    %dma_start3A_12 = arith.constant 0 : i32
    %dma_start3A_13 = arith.constant 0 : i32
    %dma_start3A_14 = tpu.memref_slice %arg2[%dma_start3A_12, %dma_start3A_13] : memref<10240x128xf32, #tpu.memory_space<hbm>> -> memref<10240x128xf32, #tpu.memory_space<hbm>>
    tpu.enqueue_indirect_dma source(%dma_start3A_14 : memref<10240x128xf32, #tpu.memory_space<hbm>>) target(%arg9 : memref<128x128xf32, #tpu.memory_space<vmem>>) offsets(%dma_start3A_11 : memref<128xi32, #tpu.memory_space<vmem>>) semaphore(%arg12 : memref<!tpu.dma_semaphore, #tpu.memory_space<semaphore_mem>>)
    %dma_start3A_15 = arith.constant 1 : i32
    %dma_start3A_16 = arith.constant 0 : i32
    %dma_start3A_17 = tpu.memref_slice %arg7[%dma_start3A_15, %dma_start3A_16] : memref<40x128xi32, #tpu.memory_space<vmem>> -> memref<1x128xi32, #tpu.memory_space<vmem>>
    %dma_start3A_18 = tpu.memref_squeeze %dma_start3A_17 : memref<1x128xi32, #tpu.memory_space<vmem>> -> memref<128xi32, #tpu.memory_space<vmem>>
    %dma_start3A_19 = arith.constant 0 : i32
    %dma_start3A_20 = arith.constant 0 : i32
    %dma_start3A_21 = tpu.memref_slice %arg2[%dma_start3A_19, %dma_start3A_20] : memref<10240x128xf32, #tpu.memory_space<hbm>> -> memref<10240x128xf32, #tpu.memory_space<hbm>>
    tpu.enqueue_indirect_dma source(%dma_start3A_21 : memref<10240x128xf32, #tpu.memory_space<hbm>>) target(%arg10 : memref<128x128xf32, #tpu.memory_space<vmem>>) offsets(%dma_start3A_18 : memref<128xi32, #tpu.memory_space<vmem>>) semaphore(%arg13 : memref<!tpu.dma_semaphore, #tpu.memory_space<semaphore_mem>>)
    %scan3A = arith.constant 0 : i32
    %scan3A_22 = arith.constant 0 : i32
    %scan3A_23 = arith.constant 20 : i32
    %scan3A_24 = arith.addi %scan3A_22, %scan3A_23 : i32
    %scan3A_25 = arith.constant 1 : i32
    scf.for %scan3A_59 = %scan3A_22 to %scan3A_24 step %scan3A_25  : i32 {
      %mul3A_60 = arith.constant 2 : i32
      %mul3A_61 = arith.muli %mul3A_60, %scan3A_59 : i32
      %add3A_62 = arith.constant 1 : i32
      %add3A_63 = arith.addi %mul3A_61, %add3A_62 : i32
      %dma_wait3A = arith.constant 0 : i32
      %dma_wait3A_64 = tpu.memref_slice %arg7[%mul3A_61, %dma_wait3A] : memref<40x128xi32, #tpu.memory_space<vmem>> -> memref<1x128xi32, #tpu.memory_space<vmem>>
      %dma_wait3A_65 = tpu.memref_squeeze %dma_wait3A_64 : memref<1x128xi32, #tpu.memory_space<vmem>> -> memref<128xi32, #tpu.memory_space<vmem>>
      %dma_wait3A_66 = arith.constant 0 : i32
      %dma_wait3A_67 = arith.constant 0 : i32
      %dma_wait3A_68 = tpu.memref_slice %arg2[%dma_wait3A_66, %dma_wait3A_67] : memref<10240x128xf32, #tpu.memory_space<hbm>> -> memref<10240x128xf32, #tpu.memory_space<hbm>>
      tpu.wait_indirect_dma semaphore(%arg12 : memref<!tpu.dma_semaphore, #tpu.memory_space<semaphore_mem>>) src(%dma_wait3A_68 : memref<10240x128xf32, #tpu.memory_space<hbm>>) dst(%arg9 : memref<128x128xf32, #tpu.memory_space<vmem>>)
      "tpu.region"() ({
        %run_scoped3A = tpu.sem_alloc : memref<!tpu.dma_semaphore, #tpu.memory_space<semaphore_mem>>
        %dma_start3A_86 = arith.constant 0 : i32
        %dma_start3A_87 = tpu.memref_slice %arg8[%mul3A_61, %dma_start3A_86] : memref<40x128xi32, #tpu.memory_space<vmem>> -> memref<1x128xi32, #tpu.memory_space<vmem>>
        %dma_start3A_88 = tpu.memref_squeeze %dma_start3A_87 : memref<1x128xi32, #tpu.memory_space<vmem>> -> memref<128xi32, #tpu.memory_space<vmem>>
        %dma_start3A_89 = arith.constant 0 : i32
        %dma_start3A_90 = arith.constant 0 : i32
        %dma_start3A_91 = tpu.memref_slice %arg11[%dma_start3A_89, %dma_start3A_90] : memref<10240x128xf32, #tpu.memory_space<vmem_shared>> -> memref<10240x128xf32, #tpu.memory_space<vmem_shared>>
        tpu.enqueue_indirect_dma source(%arg9 : memref<128x128xf32, #tpu.memory_space<vmem>>) target(%dma_start3A_91 : memref<10240x128xf32, #tpu.memory_space<vmem_shared>>) offsets(%dma_start3A_88 : memref<128xi32, #tpu.memory_space<vmem>>) semaphore(%run_scoped3A : memref<!tpu.dma_semaphore, #tpu.memory_space<semaphore_mem>>) {add = true}
        %dma_wait3A_92 = arith.constant 0 : i32
        %dma_wait3A_93 = tpu.memref_slice %arg8[%mul3A_61, %dma_wait3A_92] : memref<40x128xi32, #tpu.memory_space<vmem>> -> memref<1x128xi32, #tpu.memory_space<vmem>>
        %dma_wait3A_94 = tpu.memref_squeeze %dma_wait3A_93 : memref<1x128xi32, #tpu.memory_space<vmem>> -> memref<128xi32, #tpu.memory_space<vmem>>
        %dma_wait3A_95 = arith.constant 0 : i32
        %dma_wait3A_96 = arith.constant 0 : i32
        %dma_wait3A_97 = tpu.memref_slice %arg11[%dma_wait3A_95, %dma_wait3A_96] : memref<10240x128xf32, #tpu.memory_space<vmem_shared>> -> memref<10240x128xf32, #tpu.memory_space<vmem_shared>>
        tpu.wait_indirect_dma semaphore(%run_scoped3A : memref<!tpu.dma_semaphore, #tpu.memory_space<semaphore_mem>>) src(%arg9 : memref<128x128xf32, #tpu.memory_space<vmem>>) dst(%dma_wait3A_97 : memref<10240x128xf32, #tpu.memory_space<vmem_shared>>)
        tpu.yield
      }) : () -> ()
      %add3A_69 = arith.constant 2 : i32
      %add3A_70 = arith.addi %mul3A_61, %add3A_69 : i32
      %lt3A = arith.constant 40 : i32
      %lt3A_71 = arith.cmpi slt, %add3A_70, %lt3A : i32
      %convert_element_type3A = arith.extui %lt3A_71 : i1 to i32
      %cond3A = arith.constant 0 : i32
      %cond3A_72 = arith.cmpi ne, %convert_element_type3A, %cond3A : i32
      scf.if %cond3A_72 {
        %add3A_86 = arith.constant 2 : i32
        %add3A_87 = arith.addi %mul3A_61, %add3A_86 : i32
        %dma_start3A_88 = arith.constant 0 : i32
        %dma_start3A_89 = tpu.memref_slice %arg7[%add3A_87, %dma_start3A_88] : memref<40x128xi32, #tpu.memory_space<vmem>> -> memref<1x128xi32, #tpu.memory_space<vmem>>
        %dma_start3A_90 = tpu.memref_squeeze %dma_start3A_89 : memref<1x128xi32, #tpu.memory_space<vmem>> -> memref<128xi32, #tpu.memory_space<vmem>>
        %dma_start3A_91 = arith.constant 0 : i32
        %dma_start3A_92 = arith.constant 0 : i32
        %dma_start3A_93 = tpu.memref_slice %arg2[%dma_start3A_91, %dma_start3A_92] : memref<10240x128xf32, #tpu.memory_space<hbm>> -> memref<10240x128xf32, #tpu.memory_space<hbm>>
        tpu.enqueue_indirect_dma source(%dma_start3A_93 : memref<10240x128xf32, #tpu.memory_space<hbm>>) target(%arg9 : memref<128x128xf32, #tpu.memory_space<vmem>>) offsets(%dma_start3A_90 : memref<128xi32, #tpu.memory_space<vmem>>) semaphore(%arg12 : memref<!tpu.dma_semaphore, #tpu.memory_space<semaphore_mem>>)
      } else {
      }
      %dma_wait3A_73 = arith.constant 0 : i32
      %dma_wait3A_74 = tpu.memref_slice %arg7[%add3A_63, %dma_wait3A_73] : memref<40x128xi32, #tpu.memory_space<vmem>> -> memref<1x128xi32, #tpu.memory_space<vmem>>
      %dma_wait3A_75 = tpu.memref_squeeze %dma_wait3A_74 : memref<1x128xi32, #tpu.memory_space<vmem>> -> memref<128xi32, #tpu.memory_space<vmem>>
      %dma_wait3A_76 = arith.constant 0 : i32
      %dma_wait3A_77 = arith.constant 0 : i32
      %dma_wait3A_78 = tpu.memref_slice %arg2[%dma_wait3A_76, %dma_wait3A_77] : memref<10240x128xf32, #tpu.memory_space<hbm>> -> memref<10240x128xf32, #tpu.memory_space<hbm>>
      tpu.wait_indirect_dma semaphore(%arg13 : memref<!tpu.dma_semaphore, #tpu.memory_space<semaphore_mem>>) src(%dma_wait3A_78 : memref<10240x128xf32, #tpu.memory_space<hbm>>) dst(%arg10 : memref<128x128xf32, #tpu.memory_space<vmem>>)
      "tpu.region"() ({
        %run_scoped3A = tpu.sem_alloc : memref<!tpu.dma_semaphore, #tpu.memory_space<semaphore_mem>>
        %dma_start3A_86 = arith.constant 0 : i32
        %dma_start3A_87 = tpu.memref_slice %arg8[%add3A_63, %dma_start3A_86] : memref<40x128xi32, #tpu.memory_space<vmem>> -> memref<1x128xi32, #tpu.memory_space<vmem>>
        %dma_start3A_88 = tpu.memref_squeeze %dma_start3A_87 : memref<1x128xi32, #tpu.memory_space<vmem>> -> memref<128xi32, #tpu.memory_space<vmem>>
        %dma_start3A_89 = arith.constant 0 : i32
        %dma_start3A_90 = arith.constant 0 : i32
        %dma_start3A_91 = tpu.memref_slice %arg11[%dma_start3A_89, %dma_start3A_90] : memref<10240x128xf32, #tpu.memory_space<vmem_shared>> -> memref<10240x128xf32, #tpu.memory_space<vmem_shared>>
        tpu.enqueue_indirect_dma source(%arg10 : memref<128x128xf32, #tpu.memory_space<vmem>>) target(%dma_start3A_91 : memref<10240x128xf32, #tpu.memory_space<vmem_shared>>) offsets(%dma_start3A_88 : memref<128xi32, #tpu.memory_space<vmem>>) semaphore(%run_scoped3A : memref<!tpu.dma_semaphore, #tpu.memory_space<semaphore_mem>>) {add = true}
        %dma_wait3A_92 = arith.constant 0 : i32
        %dma_wait3A_93 = tpu.memref_slice %arg8[%add3A_63, %dma_wait3A_92] : memref<40x128xi32, #tpu.memory_space<vmem>> -> memref<1x128xi32, #tpu.memory_space<vmem>>
        %dma_wait3A_94 = tpu.memref_squeeze %dma_wait3A_93 : memref<1x128xi32, #tpu.memory_space<vmem>> -> memref<128xi32, #tpu.memory_space<vmem>>
        %dma_wait3A_95 = arith.constant 0 : i32
        %dma_wait3A_96 = arith.constant 0 : i32
        %dma_wait3A_97 = tpu.memref_slice %arg11[%dma_wait3A_95, %dma_wait3A_96] : memref<10240x128xf32, #tpu.memory_space<vmem_shared>> -> memref<10240x128xf32, #tpu.memory_space<vmem_shared>>
        tpu.wait_indirect_dma semaphore(%run_scoped3A : memref<!tpu.dma_semaphore, #tpu.memory_space<semaphore_mem>>) src(%arg10 : memref<128x128xf32, #tpu.memory_space<vmem>>) dst(%dma_wait3A_97 : memref<10240x128xf32, #tpu.memory_space<vmem_shared>>)
        tpu.yield
      }) : () -> ()
      %add3A_79 = arith.constant 2 : i32
      %add3A_80 = arith.addi %add3A_63, %add3A_79 : i32
      %lt3A_81 = arith.constant 40 : i32
      %lt3A_82 = arith.cmpi slt, %add3A_80, %lt3A_81 : i32
      %convert_element_type3A_83 = arith.extui %lt3A_82 : i1 to i32
      %cond3A_84 = arith.constant 0 : i32
      %cond3A_85 = arith.cmpi ne, %convert_element_type3A_83, %cond3A_84 : i32
      scf.if %cond3A_85 {
        %add3A_86 = arith.constant 2 : i32
        %add3A_87 = arith.addi %add3A_63, %add3A_86 : i32
        %dma_start3A_88 = arith.constant 0 : i32
        %dma_start3A_89 = tpu.memref_slice %arg7[%add3A_87, %dma_start3A_88] : memref<40x128xi32, #tpu.memory_space<vmem>> -> memref<1x128xi32, #tpu.memory_space<vmem>>
        %dma_start3A_90 = tpu.memref_squeeze %dma_start3A_89 : memref<1x128xi32, #tpu.memory_space<vmem>> -> memref<128xi32, #tpu.memory_space<vmem>>
        %dma_start3A_91 = arith.constant 0 : i32
        %dma_start3A_92 = arith.constant 0 : i32
        %dma_start3A_93 = tpu.memref_slice %arg2[%dma_start3A_91, %dma_start3A_92] : memref<10240x128xf32, #tpu.memory_space<hbm>> -> memref<10240x128xf32, #tpu.memory_space<hbm>>
        tpu.enqueue_indirect_dma source(%dma_start3A_93 : memref<10240x128xf32, #tpu.memory_space<hbm>>) target(%arg10 : memref<128x128xf32, #tpu.memory_space<vmem>>) offsets(%dma_start3A_90 : memref<128xi32, #tpu.memory_space<vmem>>) semaphore(%arg13 : memref<!tpu.dma_semaphore, #tpu.memory_space<semaphore_mem>>)
      } else {
      }
    }
    %scan3A_26 = arith.constant 20 : i32
    %mul3A_27 = arith.constant 80 : i32
    %mul3A_28 = arith.muli %add3A, %mul3A_27 : i32
    %add3A_29 = arith.constant 40 : i32
    %add3A_30 = arith.addi %mul3A_28, %add3A_29 : i32
    "tpu.region"() ({
      %run_scoped3A = tpu.sem_alloc : memref<!tpu.dma_semaphore, #tpu.memory_space<semaphore_mem>>
      %dma_start3A_59 = arith.constant 0 : i32
      %dma_start3A_60 = tpu.memref_slice %arg3[%add3A_30, %dma_start3A_59] : memref<2560x128xi32, #tpu.memory_space<hbm>> -> memref<40x128xi32, #tpu.memory_space<hbm>>
      %dma_start3A_61 = arith.constant 0 : i32
      %dma_start3A_62 = tpu.memref_slice %arg3[%add3A_30, %dma_start3A_61] : memref<2560x128xi32, #tpu.memory_space<hbm>> -> memref<40x128xi32, #tpu.memory_space<hbm>>
      tpu.enqueue_dma source(%dma_start3A_62 : memref<40x128xi32, #tpu.memory_space<hbm>>) target(%arg7 : memref<40x128xi32, #tpu.memory_space<vmem>>) target_semaphore(%run_scoped3A : memref<!tpu.dma_semaphore, #tpu.memory_space<semaphore_mem>>)
      %dma_wait3A = arith.constant 0 : i32
      %dma_wait3A_63 = tpu.memref_slice %arg3[%add3A_30, %dma_wait3A] : memref<2560x128xi32, #tpu.memory_space<hbm>> -> memref<40x128xi32, #tpu.memory_space<hbm>>
      %dma_wait3A_64 = arith.constant 0 : i32
      %dma_wait3A_65 = tpu.memref_slice %arg3[%add3A_30, %dma_wait3A_64] : memref<2560x128xi32, #tpu.memory_space<hbm>> -> memref<40x128xi32, #tpu.memory_space<hbm>>
      tpu.wait_dma2 semaphore(%run_scoped3A : memref<!tpu.dma_semaphore, #tpu.memory_space<semaphore_mem>>) src(%dma_wait3A_65 : memref<40x128xi32, #tpu.memory_space<hbm>>) dst(%arg7 : memref<40x128xi32, #tpu.memory_space<vmem>>)
      tpu.yield
    }) : () -> ()
    "tpu.region"() ({
      %run_scoped3A = tpu.sem_alloc : memref<!tpu.dma_semaphore, #tpu.memory_space<semaphore_mem>>
      %dma_start3A_59 = arith.constant 0 : i32
      %dma_start3A_60 = tpu.memref_slice %arg4[%add3A_30, %dma_start3A_59] : memref<2560x128xi32, #tpu.memory_space<hbm>> -> memref<40x128xi32, #tpu.memory_space<hbm>>
      %dma_start3A_61 = arith.constant 0 : i32
      %dma_start3A_62 = tpu.memref_slice %arg4[%add3A_30, %dma_start3A_61] : memref<2560x128xi32, #tpu.memory_space<hbm>> -> memref<40x128xi32, #tpu.memory_space<hbm>>
      tpu.enqueue_dma source(%dma_start3A_62 : memref<40x128xi32, #tpu.memory_space<hbm>>) target(%arg8 : memref<40x128xi32, #tpu.memory_space<vmem>>) target_semaphore(%run_scoped3A : memref<!tpu.dma_semaphore, #tpu.memory_space<semaphore_mem>>)
      %dma_wait3A = arith.constant 0 : i32
      %dma_wait3A_63 = tpu.memref_slice %arg4[%add3A_30, %dma_wait3A] : memref<2560x128xi32, #tpu.memory_space<hbm>> -> memref<40x128xi32, #tpu.memory_space<hbm>>
      %dma_wait3A_64 = arith.constant 0 : i32
      %dma_wait3A_65 = tpu.memref_slice %arg4[%add3A_30, %dma_wait3A_64] : memref<2560x128xi32, #tpu.memory_space<hbm>> -> memref<40x128xi32, #tpu.memory_space<hbm>>
      tpu.wait_dma2 semaphore(%run_scoped3A : memref<!tpu.dma_semaphore, #tpu.memory_space<semaphore_mem>>) src(%dma_wait3A_65 : memref<40x128xi32, #tpu.memory_space<hbm>>) dst(%arg8 : memref<40x128xi32, #tpu.memory_space<vmem>>)
      tpu.yield
    }) : () -> ()
    %dma_start3A_31 = arith.constant 0 : i32
    %dma_start3A_32 = arith.constant 0 : i32
    %dma_start3A_33 = tpu.memref_slice %arg7[%dma_start3A_31, %dma_start3A_32] : memref<40x128xi32, #tpu.memory_space<vmem>> -> memref<1x128xi32, #tpu.memory_space<vmem>>
    %dma_start3A_34 = tpu.memref_squeeze %dma_start3A_33 : memref<1x128xi32, #tpu.memory_space<vmem>> -> memref<128xi32, #tpu.memory_space<vmem>>
    %dma_start3A_35 = arith.constant 0 : i32
    %dma_start3A_36 = arith.constant 0 : i32
    %dma_start3A_37 = tpu.memref_slice %arg2[%dma_start3A_35, %dma_start3A_36] : memref<10240x128xf32, #tpu.memory_space<hbm>> -> memref<10240x128xf32, #tpu.memory_space<hbm>>
    tpu.enqueue_indirect_dma source(%dma_start3A_37 : memref<10240x128xf32, #tpu.memory_space<hbm>>) target(%arg9 : memref<128x128xf32, #tpu.memory_space<vmem>>) offsets(%dma_start3A_34 : memref<128xi32, #tpu.memory_space<vmem>>) semaphore(%arg12 : memref<!tpu.dma_semaphore, #tpu.memory_space<semaphore_mem>>)
    %dma_start3A_38 = arith.constant 1 : i32
    %dma_start3A_39 = arith.constant 0 : i32
    %dma_start3A_40 = tpu.memref_slice %arg7[%dma_start3A_38, %dma_start3A_39] : memref<40x128xi32, #tpu.memory_space<vmem>> -> memref<1x128xi32, #tpu.memory_space<vmem>>
    %dma_start3A_41 = tpu.memref_squeeze %dma_start3A_40 : memref<1x128xi32, #tpu.memory_space<vmem>> -> memref<128xi32, #tpu.memory_space<vmem>>
    %dma_start3A_42 = arith.constant 0 : i32
    %dma_start3A_43 = arith.constant 0 : i32
    %dma_start3A_44 = tpu.memref_slice %arg2[%dma_start3A_42, %dma_start3A_43] : memref<10240x128xf32, #tpu.memory_space<hbm>> -> memref<10240x128xf32, #tpu.memory_space<hbm>>
    tpu.enqueue_indirect_dma source(%dma_start3A_44 : memref<10240x128xf32, #tpu.memory_space<hbm>>) target(%arg10 : memref<128x128xf32, #tpu.memory_space<vmem>>) offsets(%dma_start3A_41 : memref<128xi32, #tpu.memory_space<vmem>>) semaphore(%arg13 : memref<!tpu.dma_semaphore, #tpu.memory_space<semaphore_mem>>)
    %scan3A_45 = arith.constant 0 : i32
    %scan3A_46 = arith.constant 0 : i32
    %scan3A_47 = arith.constant 20 : i32
    %scan3A_48 = arith.addi %scan3A_46, %scan3A_47 : i32
    %scan3A_49 = arith.constant 1 : i32
    scf.for %scan3A_59 = %scan3A_46 to %scan3A_48 step %scan3A_49  : i32 {
      %mul3A_60 = arith.constant 2 : i32
      %mul3A_61 = arith.muli %mul3A_60, %scan3A_59 : i32
      %add3A_62 = arith.constant 1 : i32
      %add3A_63 = arith.addi %mul3A_61, %add3A_62 : i32
      %dma_wait3A = arith.constant 0 : i32
      %dma_wait3A_64 = tpu.memref_slice %arg7[%mul3A_61, %dma_wait3A] : memref<40x128xi32, #tpu.memory_space<vmem>> -> memref<1x128xi32, #tpu.memory_space<vmem>>
      %dma_wait3A_65 = tpu.memref_squeeze %dma_wait3A_64 : memref<1x128xi32, #tpu.memory_space<vmem>> -> memref<128xi32, #tpu.memory_space<vmem>>
      %dma_wait3A_66 = arith.constant 0 : i32
      %dma_wait3A_67 = arith.constant 0 : i32
      %dma_wait3A_68 = tpu.memref_slice %arg2[%dma_wait3A_66, %dma_wait3A_67] : memref<10240x128xf32, #tpu.memory_space<hbm>> -> memref<10240x128xf32, #tpu.memory_space<hbm>>
      tpu.wait_indirect_dma semaphore(%arg12 : memref<!tpu.dma_semaphore, #tpu.memory_space<semaphore_mem>>) src(%dma_wait3A_68 : memref<10240x128xf32, #tpu.memory_space<hbm>>) dst(%arg9 : memref<128x128xf32, #tpu.memory_space<vmem>>)
      "tpu.region"() ({
        %run_scoped3A = tpu.sem_alloc : memref<!tpu.dma_semaphore, #tpu.memory_space<semaphore_mem>>
        %dma_start3A_86 = arith.constant 0 : i32
        %dma_start3A_87 = tpu.memref_slice %arg8[%mul3A_61, %dma_start3A_86] : memref<40x128xi32, #tpu.memory_space<vmem>> -> memref<1x128xi32, #tpu.memory_space<vmem>>
        %dma_start3A_88 = tpu.memref_squeeze %dma_start3A_87 : memref<1x128xi32, #tpu.memory_space<vmem>> -> memref<128xi32, #tpu.memory_space<vmem>>
        %dma_start3A_89 = arith.constant 0 : i32
        %dma_start3A_90 = arith.constant 0 : i32
        %dma_start3A_91 = tpu.memref_slice %arg11[%dma_start3A_89, %dma_start3A_90] : memref<10240x128xf32, #tpu.memory_space<vmem_shared>> -> memref<10240x128xf32, #tpu.memory_space<vmem_shared>>
        tpu.enqueue_indirect_dma source(%arg9 : memref<128x128xf32, #tpu.memory_space<vmem>>) target(%dma_start3A_91 : memref<10240x128xf32, #tpu.memory_space<vmem_shared>>) offsets(%dma_start3A_88 : memref<128xi32, #tpu.memory_space<vmem>>) semaphore(%run_scoped3A : memref<!tpu.dma_semaphore, #tpu.memory_space<semaphore_mem>>) {add = true}
        %dma_wait3A_92 = arith.constant 0 : i32
        %dma_wait3A_93 = tpu.memref_slice %arg8[%mul3A_61, %dma_wait3A_92] : memref<40x128xi32, #tpu.memory_space<vmem>> -> memref<1x128xi32, #tpu.memory_space<vmem>>
        %dma_wait3A_94 = tpu.memref_squeeze %dma_wait3A_93 : memref<1x128xi32, #tpu.memory_space<vmem>> -> memref<128xi32, #tpu.memory_space<vmem>>
        %dma_wait3A_95 = arith.constant 0 : i32
        %dma_wait3A_96 = arith.constant 0 : i32
        %dma_wait3A_97 = tpu.memref_slice %arg11[%dma_wait3A_95, %dma_wait3A_96] : memref<10240x128xf32, #tpu.memory_space<vmem_shared>> -> memref<10240x128xf32, #tpu.memory_space<vmem_shared>>
        tpu.wait_indirect_dma semaphore(%run_scoped3A : memref<!tpu.dma_semaphore, #tpu.memory_space<semaphore_mem>>) src(%arg9 : memref<128x128xf32, #tpu.memory_space<vmem>>) dst(%dma_wait3A_97 : memref<10240x128xf32, #tpu.memory_space<vmem_shared>>)
        tpu.yield
      }) : () -> ()
      %add3A_69 = arith.constant 2 : i32
      %add3A_70 = arith.addi %mul3A_61, %add3A_69 : i32
      %lt3A = arith.constant 40 : i32
      %lt3A_71 = arith.cmpi slt, %add3A_70, %lt3A : i32
      %convert_element_type3A = arith.extui %lt3A_71 : i1 to i32
      %cond3A = arith.constant 0 : i32
      %cond3A_72 = arith.cmpi ne, %convert_element_type3A, %cond3A : i32
      scf.if %cond3A_72 {
        %add3A_86 = arith.constant 2 : i32
        %add3A_87 = arith.addi %mul3A_61, %add3A_86 : i32
        %dma_start3A_88 = arith.constant 0 : i32
        %dma_start3A_89 = tpu.memref_slice %arg7[%add3A_87, %dma_start3A_88] : memref<40x128xi32, #tpu.memory_space<vmem>> -> memref<1x128xi32, #tpu.memory_space<vmem>>
        %dma_start3A_90 = tpu.memref_squeeze %dma_start3A_89 : memref<1x128xi32, #tpu.memory_space<vmem>> -> memref<128xi32, #tpu.memory_space<vmem>>
        %dma_start3A_91 = arith.constant 0 : i32
        %dma_start3A_92 = arith.constant 0 : i32
        %dma_start3A_93 = tpu.memref_slice %arg2[%dma_start3A_91, %dma_start3A_92] : memref<10240x128xf32, #tpu.memory_space<hbm>> -> memref<10240x128xf32, #tpu.memory_space<hbm>>
        tpu.enqueue_indirect_dma source(%dma_start3A_93 : memref<10240x128xf32, #tpu.memory_space<hbm>>) target(%arg9 : memref<128x128xf32, #tpu.memory_space<vmem>>) offsets(%dma_start3A_90 : memref<128xi32, #tpu.memory_space<vmem>>) semaphore(%arg12 : memref<!tpu.dma_semaphore, #tpu.memory_space<semaphore_mem>>)
      } else {
      }
      %dma_wait3A_73 = arith.constant 0 : i32
      %dma_wait3A_74 = tpu.memref_slice %arg7[%add3A_63, %dma_wait3A_73] : memref<40x128xi32, #tpu.memory_space<vmem>> -> memref<1x128xi32, #tpu.memory_space<vmem>>
      %dma_wait3A_75 = tpu.memref_squeeze %dma_wait3A_74 : memref<1x128xi32, #tpu.memory_space<vmem>> -> memref<128xi32, #tpu.memory_space<vmem>>
      %dma_wait3A_76 = arith.constant 0 : i32
      %dma_wait3A_77 = arith.constant 0 : i32
      %dma_wait3A_78 = tpu.memref_slice %arg2[%dma_wait3A_76, %dma_wait3A_77] : memref<10240x128xf32, #tpu.memory_space<hbm>> -> memref<10240x128xf32, #tpu.memory_space<hbm>>
      tpu.wait_indirect_dma semaphore(%arg13 : memref<!tpu.dma_semaphore, #tpu.memory_space<semaphore_mem>>) src(%dma_wait3A_78 : memref<10240x128xf32, #tpu.memory_space<hbm>>) dst(%arg10 : memref<128x128xf32, #tpu.memory_space<vmem>>)
      "tpu.region"() ({
        %run_scoped3A = tpu.sem_alloc : memref<!tpu.dma_semaphore, #tpu.memory_space<semaphore_mem>>
        %dma_start3A_86 = arith.constant 0 : i32
        %dma_start3A_87 = tpu.memref_slice %arg8[%add3A_63, %dma_start3A_86] : memref<40x128xi32, #tpu.memory_space<vmem>> -> memref<1x128xi32, #tpu.memory_space<vmem>>
        %dma_start3A_88 = tpu.memref_squeeze %dma_start3A_87 : memref<1x128xi32, #tpu.memory_space<vmem>> -> memref<128xi32, #tpu.memory_space<vmem>>
        %dma_start3A_89 = arith.constant 0 : i32
        %dma_start3A_90 = arith.constant 0 : i32
        %dma_start3A_91 = tpu.memref_slice %arg11[%dma_start3A_89, %dma_start3A_90] : memref<10240x128xf32, #tpu.memory_space<vmem_shared>> -> memref<10240x128xf32, #tpu.memory_space<vmem_shared>>
        tpu.enqueue_indirect_dma source(%arg10 : memref<128x128xf32, #tpu.memory_space<vmem>>) target(%dma_start3A_91 : memref<10240x128xf32, #tpu.memory_space<vmem_shared>>) offsets(%dma_start3A_88 : memref<128xi32, #tpu.memory_space<vmem>>) semaphore(%run_scoped3A : memref<!tpu.dma_semaphore, #tpu.memory_space<semaphore_mem>>) {add = true}
        %dma_wait3A_92 = arith.constant 0 : i32
        %dma_wait3A_93 = tpu.memref_slice %arg8[%add3A_63, %dma_wait3A_92] : memref<40x128xi32, #tpu.memory_space<vmem>> -> memref<1x128xi32, #tpu.memory_space<vmem>>
        %dma_wait3A_94 = tpu.memref_squeeze %dma_wait3A_93 : memref<1x128xi32, #tpu.memory_space<vmem>> -> memref<128xi32, #tpu.memory_space<vmem>>
        %dma_wait3A_95 = arith.constant 0 : i32
        %dma_wait3A_96 = arith.constant 0 : i32
        %dma_wait3A_97 = tpu.memref_slice %arg11[%dma_wait3A_95, %dma_wait3A_96] : memref<10240x128xf32, #tpu.memory_space<vmem_shared>> -> memref<10240x128xf32, #tpu.memory_space<vmem_shared>>
        tpu.wait_indirect_dma semaphore(%run_scoped3A : memref<!tpu.dma_semaphore, #tpu.memory_space<semaphore_mem>>) src(%arg10 : memref<128x128xf32, #tpu.memory_space<vmem>>) dst(%dma_wait3A_97 : memref<10240x128xf32, #tpu.memory_space<vmem_shared>>)
        tpu.yield
      }) : () -> ()
      %add3A_79 = arith.constant 2 : i32
      %add3A_80 = arith.addi %add3A_63, %add3A_79 : i32
      %lt3A_81 = arith.constant 40 : i32
      %lt3A_82 = arith.cmpi slt, %add3A_80, %lt3A_81 : i32
      %convert_element_type3A_83 = arith.extui %lt3A_82 : i1 to i32
      %cond3A_84 = arith.constant 0 : i32
      %cond3A_85 = arith.cmpi ne, %convert_element_type3A_83, %cond3A_84 : i32
      scf.if %cond3A_85 {
        %add3A_86 = arith.constant 2 : i32
        %add3A_87 = arith.addi %add3A_63, %add3A_86 : i32
        %dma_start3A_88 = arith.constant 0 : i32
        %dma_start3A_89 = tpu.memref_slice %arg7[%add3A_87, %dma_start3A_88] : memref<40x128xi32, #tpu.memory_space<vmem>> -> memref<1x128xi32, #tpu.memory_space<vmem>>
        %dma_start3A_90 = tpu.memref_squeeze %dma_start3A_89 : memref<1x128xi32, #tpu.memory_space<vmem>> -> memref<128xi32, #tpu.memory_space<vmem>>
        %dma_start3A_91 = arith.constant 0 : i32
        %dma_start3A_92 = arith.constant 0 : i32
        %dma_start3A_93 = tpu.memref_slice %arg2[%dma_start3A_91, %dma_start3A_92] : memref<10240x128xf32, #tpu.memory_space<hbm>> -> memref<10240x128xf32, #tpu.memory_space<hbm>>
        tpu.enqueue_indirect_dma source(%dma_start3A_93 : memref<10240x128xf32, #tpu.memory_space<hbm>>) target(%arg10 : memref<128x128xf32, #tpu.memory_space<vmem>>) offsets(%dma_start3A_90 : memref<128xi32, #tpu.memory_space<vmem>>) semaphore(%arg13 : memref<!tpu.dma_semaphore, #tpu.memory_space<semaphore_mem>>)
      } else {
      }
    }
    %scan3A_50 = arith.constant 20 : i32
    %barrier3A_51 = arith.constant 0 : index
    tpu.barrier barrier_id(%barrier3A_51)
    %mul3A_52 = arith.constant 640 : i32
    %mul3A_53 = arith.muli %arg1, %mul3A_52 : i32
    %mul3A_54 = arith.constant 10240 : i32
    %mul3A_55 = arith.muli %arg0, %mul3A_54 : i32
    %mul3A_56 = arith.constant 640 : i32
    %mul3A_57 = arith.muli %arg1, %mul3A_56 : i32
    %add3A_58 = arith.addi %mul3A_55, %mul3A_57 : i32
    "tpu.region"() ({
      %run_scoped3A = tpu.sem_alloc : memref<!tpu.dma_semaphore, #tpu.memory_space<semaphore_mem>>
      %dma_start3A_59 = arith.constant 0 : i32
      %dma_start3A_60 = tpu.memref_slice %arg6[%add3A_58, %dma_start3A_59] : memref<20480x128xf32, #tpu.memory_space<hbm>> -> memref<640x128xf32, #tpu.memory_space<hbm>>
      %dma_start3A_61 = arith.constant 0 : i32
      %dma_start3A_62 = tpu.memref_slice %arg11[%mul3A_53, %dma_start3A_61] : memref<10240x128xf32, #tpu.memory_space<vmem_shared>> -> memref<640x128xf32, #tpu.memory_space<vmem_shared>>
      tpu.enqueue_dma source(%dma_start3A_62 : memref<640x128xf32, #tpu.memory_space<vmem_shared>>) target(%dma_start3A_60 : memref<640x128xf32, #tpu.memory_space<hbm>>) target_semaphore(%run_scoped3A : memref<!tpu.dma_semaphore, #tpu.memory_space<semaphore_mem>>)
      %dma_wait3A = arith.constant 0 : i32
      %dma_wait3A_63 = tpu.memref_slice %arg6[%add3A_58, %dma_wait3A] : memref<20480x128xf32, #tpu.memory_space<hbm>> -> memref<640x128xf32, #tpu.memory_space<hbm>>
      %dma_wait3A_64 = arith.constant 0 : i32
      %dma_wait3A_65 = tpu.memref_slice %arg11[%mul3A_53, %dma_wait3A_64] : memref<10240x128xf32, #tpu.memory_space<vmem_shared>> -> memref<640x128xf32, #tpu.memory_space<vmem_shared>>
      tpu.wait_dma2 semaphore(%run_scoped3A : memref<!tpu.dma_semaphore, #tpu.memory_space<semaphore_mem>>) src(%dma_wait3A_65 : memref<640x128xf32, #tpu.memory_space<vmem_shared>>) dst(%dma_wait3A_63 : memref<640x128xf32, #tpu.memory_space<hbm>>)
      tpu.yield
    }) : () -> ()
    return
  }
}

module attributes {stable_mosaic.version = 14 : i64} {
  func.func @body(%arg0: i32, %arg1: memref<1024x1xf32, #tpu.memory_space<vmem>>, %arg2: memref<1024x1xf32, #tpu.memory_space<vmem>>, %arg3: memref<1024x128xf32, #tpu.memory_space<vmem>>, %arg4: memref<128x128xf32, #tpu.memory_space<vmem>>, %arg5: memref<1024x128xf32, #tpu.memory_space<vmem>>, %arg6: memref<1024x1xf32, #tpu.memory_space<vmem>>) attributes {dimension_semantics = [#tpu.dimension_semantics<arbitrary>], iteration_bounds = array<i64: 10>, scalar_prefetch = 0 : i64, scratch_operands = 0 : i64, tpu.core_type = #tpu.core_type<tc>, window_params = [{transform_indices = @transform_0, window_bounds = array<i64: 1024, 1>}, {transform_indices = @transform_1, window_bounds = array<i64: 1024, 1>}, {transform_indices = @transform_2, window_bounds = array<i64: 1024, 128>}, {pipeline_mode = #tpu.pipeline_mode<synchronous>, transform_indices = @transform_3, window_bounds = array<i64: 128, 128>}, {transform_indices = @transform_4, window_bounds = array<i64: 1024, 128>}, {transform_indices = @transform_5, window_bounds = array<i64: 1024, 1>}]} {
    %get3A = arith.constant 0 : index
    %get3A_0 = arith.constant 0 : index
    %get3A_1 = vector.load %arg1[%get3A, %get3A_0] : memref<1024x1xf32, #tpu.memory_space<vmem>>, vector<1024x1xf32>
    %get3A_2 = arith.constant 0 : index
    %get3A_3 = arith.constant 0 : index
    %get3A_4 = vector.load %arg2[%get3A_2, %get3A_3] : memref<1024x1xf32, #tpu.memory_space<vmem>>, vector<1024x1xf32>
    %add3A = arith.addf %get3A_1, %get3A_4 : vector<1024x1xf32>
    %add3A_5 = arith.constant 1.000000e+00 : f32
    %add3A_6 = vector.broadcast %add3A_5 : f32 to vector<1024x1xf32>
    %add3A_7 = arith.addf %add3A, %add3A_6 : vector<1024x1xf32>
    %rsqrt3A = math.rsqrt %add3A_7 : vector<1024x1xf32>
    %swap3A = arith.constant 0 : index
    %swap3A_8 = arith.constant 0 : index
    %swap3A_9 = vector.load %arg6[%swap3A, %swap3A_8] : memref<1024x1xf32, #tpu.memory_space<vmem>>, vector<1024x1xf32>
    tpu.vector_store %arg6[%swap3A, %swap3A_8], %rsqrt3A {strides = array<i32>} : memref<1024x1xf32, #tpu.memory_space<vmem>>, vector<1024x1xf32>,
    %get3A_10 = arith.constant 0 : index
    %get3A_11 = arith.constant 0 : index
    %get3A_12 = vector.load %arg3[%get3A_10, %get3A_11] : memref<1024x128xf32, #tpu.memory_space<vmem>>, vector<1024x128xf32>
    %get3A_13 = arith.constant 0 : index
    %get3A_14 = arith.constant 0 : index
    %get3A_15 = vector.load %arg4[%get3A_13, %get3A_14] : memref<128x128xf32, #tpu.memory_space<vmem>>, vector<128x128xf32>
    %dot_general3A = arith.constant dense<0.000000e+00> : vector<1024x128xf32>
    %dot_general3A_16 = tpu.matmul %get3A_12, %get3A_15, %dot_general3A {dimension_numbers = #tpu.dot_dimension_numbers<[1], [0], [0], [1], [0, 0, 1, 1], [], []>, transpose_lhs_hint = false} : vector<1024x128xf32>, vector<128x128xf32>, vector<1024x128xf32> -> vector<1024x128xf32>
    %mul3A = vector.broadcast %rsqrt3A : vector<1024x1xf32> to vector<1024x128xf32>
    %mul3A_17 = arith.mulf %mul3A, %dot_general3A_16 : vector<1024x128xf32>
    %swap3A_18 = arith.constant 0 : index
    %swap3A_19 = arith.constant 0 : index
    %swap3A_20 = vector.load %arg5[%swap3A_18, %swap3A_19] : memref<1024x128xf32, #tpu.memory_space<vmem>>, vector<1024x128xf32>
    tpu.vector_store %arg5[%swap3A_18, %swap3A_19], %mul3A_17 {strides = array<i32>} : memref<1024x128xf32, #tpu.memory_space<vmem>>, vector<1024x128xf32>,
    return
  }
  func.func @transform_0(%arg0: i32) -> (i32, i32) {
    %c0_i32 = arith.constant 0 : i32
    %c0_i32_0 = arith.constant 0 : i32
    return %arg0, %c0_i32 : i32, i32
  }
  func.func @transform_1(%arg0: i32) -> (i32, i32) {
    %c0_i32 = arith.constant 0 : i32
    %c0_i32_0 = arith.constant 0 : i32
    return %arg0, %c0_i32 : i32, i32
  }
  func.func @transform_2(%arg0: i32) -> (i32, i32) {
    %c0_i32 = arith.constant 0 : i32
    %c0_i32_0 = arith.constant 0 : i32
    return %arg0, %c0_i32 : i32, i32
  }
  func.func @transform_3(%arg0: i32) -> (i32, i32) {
    %c0_i32 = arith.constant 0 : i32
    %c0_i32_0 = arith.constant 0 : i32
    %c0_i32_1 = arith.constant 0 : i32
    return %c0_i32, %c0_i32_0 : i32, i32
  }
  func.func @transform_4(%arg0: i32) -> (i32, i32) {
    %c0_i32 = arith.constant 0 : i32
    %c0_i32_0 = arith.constant 0 : i32
    return %arg0, %c0_i32 : i32, i32
  }
  func.func @transform_5(%arg0: i32) -> (i32, i32) {
    %c0_i32 = arith.constant 0 : i32
    %c0_i32_0 = arith.constant 0 : i32
    return %arg0, %c0_i32 : i32, i32
  }
}

module attributes {stable_mosaic.version = 14 : i64} {
  func.func @body(%arg0: i32, %arg1: memref<1024x128xf32, #tpu.memory_space<vmem>>, %arg2: memref<1024x128xf32, #tpu.memory_space<vmem>>, %arg3: memref<1024x128xf32, #tpu.memory_space<vmem>>, %arg4: memref<1024x1xf32, #tpu.memory_space<vmem>>, %arg5: memref<1x128xf32, #tpu.memory_space<vmem>>, %arg6: memref<128x128xf32, #tpu.memory_space<vmem>>, %arg7: memref<1024x128xf32, #tpu.memory_space<vmem>>) attributes {dimension_semantics = [#tpu.dimension_semantics<arbitrary>], iteration_bounds = array<i64: 10>, scalar_prefetch = 0 : i64, scratch_operands = 0 : i64, tpu.core_type = #tpu.core_type<tc>, window_params = [{transform_indices = @transform_0, window_bounds = array<i64: 1024, 128>}, {transform_indices = @transform_1, window_bounds = array<i64: 1024, 128>}, {transform_indices = @transform_2, window_bounds = array<i64: 1024, 128>}, {transform_indices = @transform_3, window_bounds = array<i64: 1024, 1>}, {pipeline_mode = #tpu.pipeline_mode<synchronous>, transform_indices = @transform_4, window_bounds = array<i64: 1, 128>}, {pipeline_mode = #tpu.pipeline_mode<synchronous>, transform_indices = @transform_5, window_bounds = array<i64: 128, 128>}, {transform_indices = @transform_6, window_bounds = array<i64: 1024, 128>}]} {
    %get3A = arith.constant 0 : index
    %get3A_0 = arith.constant 0 : index
    %get3A_1 = vector.load %arg4[%get3A, %get3A_0] : memref<1024x1xf32, #tpu.memory_space<vmem>>, vector<1024x1xf32>
    %get3A_2 = arith.constant 0 : index
    %get3A_3 = arith.constant 0 : index
    %get3A_4 = vector.load %arg1[%get3A_2, %get3A_3] : memref<1024x128xf32, #tpu.memory_space<vmem>>, vector<1024x128xf32>
    %get3A_5 = arith.constant 0 : index
    %get3A_6 = arith.constant 0 : index
    %get3A_7 = vector.load %arg2[%get3A_5, %get3A_6] : memref<1024x128xf32, #tpu.memory_space<vmem>>, vector<1024x128xf32>
    %add3A = arith.addf %get3A_4, %get3A_7 : vector<1024x128xf32>
    %get3A_8 = arith.constant 0 : index
    %get3A_9 = arith.constant 0 : index
    %get3A_10 = vector.load %arg3[%get3A_8, %get3A_9] : memref<1024x128xf32, #tpu.memory_space<vmem>>, vector<1024x128xf32>
    %add3A_11 = arith.addf %add3A, %get3A_10 : vector<1024x128xf32>
    %mul3A = vector.broadcast %get3A_1 : vector<1024x1xf32> to vector<1024x128xf32>
    %mul3A_12 = arith.mulf %mul3A, %add3A_11 : vector<1024x128xf32>
    %get3A_13 = arith.constant 0 : index
    %get3A_14 = arith.constant 0 : index
    %get3A_15 = vector.load %arg5[%get3A_13, %get3A_14] : memref<1x128xf32, #tpu.memory_space<vmem>>, vector<1x128xf32>
    %add3A_16 = vector.broadcast %get3A_15 : vector<1x128xf32> to vector<1024x128xf32>
    %add3A_17 = arith.addf %mul3A_12, %add3A_16 : vector<1024x128xf32>
    %max3A = arith.constant 0.000000e+00 : f32
    %max3A_18 = vector.broadcast %max3A : f32 to vector<1024x128xf32>
    %max3A_19 = arith.maximumf %add3A_17, %max3A_18 : vector<1024x128xf32>
    %get3A_20 = arith.constant 0 : index
    %get3A_21 = arith.constant 0 : index
    %get3A_22 = vector.load %arg6[%get3A_20, %get3A_21] : memref<128x128xf32, #tpu.memory_space<vmem>>, vector<128x128xf32>
    %dot_general3A = arith.constant dense<0.000000e+00> : vector<1024x128xf32>
    %dot_general3A_23 = tpu.matmul %max3A_19, %get3A_22, %dot_general3A {dimension_numbers = #tpu.dot_dimension_numbers<[1], [0], [0], [1], [0, 0, 1, 1], [], []>, transpose_lhs_hint = false} : vector<1024x128xf32>, vector<128x128xf32>, vector<1024x128xf32> -> vector<1024x128xf32>
    %mul3A_24 = vector.broadcast %get3A_1 : vector<1024x1xf32> to vector<1024x128xf32>
    %mul3A_25 = arith.mulf %mul3A_24, %dot_general3A_23 : vector<1024x128xf32>
    %swap3A = arith.constant 0 : index
    %swap3A_26 = arith.constant 0 : index
    %swap3A_27 = vector.load %arg7[%swap3A, %swap3A_26] : memref<1024x128xf32, #tpu.memory_space<vmem>>, vector<1024x128xf32>
    tpu.vector_store %arg7[%swap3A, %swap3A_26], %mul3A_25 {strides = array<i32>} : memref<1024x128xf32, #tpu.memory_space<vmem>>, vector<1024x128xf32>,
    return
  }
  func.func @transform_0(%arg0: i32) -> (i32, i32) {
    %c0_i32 = arith.constant 0 : i32
    %c0_i32_0 = arith.constant 0 : i32
    return %arg0, %c0_i32 : i32, i32
  }
  func.func @transform_1(%arg0: i32) -> (i32, i32) {
    %c0_i32 = arith.constant 0 : i32
    %c0_i32_0 = arith.constant 0 : i32
    return %arg0, %c0_i32 : i32, i32
  }
  func.func @transform_2(%arg0: i32) -> (i32, i32) {
    %c0_i32 = arith.constant 0 : i32
    %c0_i32_0 = arith.constant 0 : i32
    return %arg0, %c0_i32 : i32, i32
  }
  func.func @transform_3(%arg0: i32) -> (i32, i32) {
    %c0_i32 = arith.constant 0 : i32
    %c0_i32_0 = arith.constant 0 : i32
    return %arg0, %c0_i32 : i32, i32
  }
  func.func @transform_4(%arg0: i32) -> (i32, i32) {
    %c0_i32 = arith.constant 0 : i32
    %c0_i32_0 = arith.constant 0 : i32
    %c0_i32_1 = arith.constant 0 : i32
    return %c0_i32, %c0_i32_0 : i32, i32
  }
  func.func @transform_5(%arg0: i32) -> (i32, i32) {
    %c0_i32 = arith.constant 0 : i32
    %c0_i32_0 = arith.constant 0 : i32
    %c0_i32_1 = arith.constant 0 : i32
    return %c0_i32, %c0_i32_0 : i32, i32
  }
  func.func @transform_6(%arg0: i32) -> (i32, i32) {
    %c0_i32 = arith.constant 0 : i32
    %c0_i32_0 = arith.constant 0 : i32
    return %arg0, %c0_i32 : i32, i32
  }
}

module attributes {stable_mosaic.version = 14 : i64} {
  func.func @body(%arg0: i32, %arg1: memref<512x128xf32, #tpu.memory_space<vmem>>, %arg2: memref<512x128xf32, #tpu.memory_space<vmem>>, %arg3: memref<512x128xf32, #tpu.memory_space<vmem>>, %arg4: memref<512x1xf32, #tpu.memory_space<vmem>>, %arg5: memref<1x128xf32, #tpu.memory_space<vmem>>, %arg6: memref<1x1x512xi32, #tpu.memory_space<vmem>>, %arg7: memref<520x128xf32, #tpu.memory_space<vmem>>, %arg8: memref<520x1xf32, #tpu.memory_space<vmem>>) attributes {dimension_semantics = [#tpu.dimension_semantics<arbitrary>], iteration_bounds = array<i64: 20>, scalar_prefetch = 0 : i64, scratch_operands = 0 : i64, tpu.core_type = #tpu.core_type<tc>, window_params = [{transform_indices = @transform_0, window_bounds = array<i64: 512, 128>}, {transform_indices = @transform_1, window_bounds = array<i64: 512, 128>}, {transform_indices = @transform_2, window_bounds = array<i64: 512, 128>}, {transform_indices = @transform_3, window_bounds = array<i64: 512, 1>}, {pipeline_mode = #tpu.pipeline_mode<synchronous>, transform_indices = @transform_4, window_bounds = array<i64: 1, 128>}, {transform_indices = @transform_5, window_bounds = array<i64: 1, 1, 512>}, {pipeline_mode = #tpu.pipeline_mode<synchronous>, transform_indices = @transform_6, window_bounds = array<i64: 520, 128>}, {pipeline_mode = #tpu.pipeline_mode<synchronous>, transform_indices = @transform_7, window_bounds = array<i64: 520, 1>}]} {
    %get3A = arith.constant 0 : index
    %get3A_0 = arith.constant 0 : index
    %get3A_1 = vector.load %arg4[%get3A, %get3A_0] : memref<512x1xf32, #tpu.memory_space<vmem>>, vector<512x1xf32>
    %get3A_2 = arith.constant 0 : index
    %get3A_3 = arith.constant 0 : index
    %get3A_4 = vector.load %arg1[%get3A_2, %get3A_3] : memref<512x128xf32, #tpu.memory_space<vmem>>, vector<512x128xf32>
    %get3A_5 = arith.constant 0 : index
    %get3A_6 = arith.constant 0 : index
    %get3A_7 = vector.load %arg2[%get3A_5, %get3A_6] : memref<512x128xf32, #tpu.memory_space<vmem>>, vector<512x128xf32>
    %add3A = arith.addf %get3A_4, %get3A_7 : vector<512x128xf32>
    %get3A_8 = arith.constant 0 : index
    %get3A_9 = arith.constant 0 : index
    %get3A_10 = vector.load %arg3[%get3A_8, %get3A_9] : memref<512x128xf32, #tpu.memory_space<vmem>>, vector<512x128xf32>
    %add3A_11 = arith.addf %add3A, %get3A_10 : vector<512x128xf32>
    %mul3A = vector.broadcast %get3A_1 : vector<512x1xf32> to vector<512x128xf32>
    %mul3A_12 = arith.mulf %mul3A, %add3A_11 : vector<512x128xf32>
    %get3A_13 = arith.constant 0 : index
    %get3A_14 = arith.constant 0 : index
    %get3A_15 = vector.load %arg5[%get3A_13, %get3A_14] : memref<1x128xf32, #tpu.memory_space<vmem>>, vector<1x128xf32>
    %add3A_16 = vector.broadcast %get3A_15 : vector<1x128xf32> to vector<512x128xf32>
    %add3A_17 = arith.addf %mul3A_12, %add3A_16 : vector<512x128xf32>
    %get3A_18 = arith.constant 0 : index
    %get3A_19 = arith.constant 0 : index
    %get3A_20 = arith.constant 0 : index
    %get3A_21 = vector.load %arg6[%get3A_18, %get3A_19, %get3A_20] : memref<1x1x512xi32, #tpu.memory_space<vmem>>, vector<1x1x512xi32>
    %get3A_22 = vector.shape_cast %get3A_21 : vector<1x1x512xi32> to vector<512xi32>
    %iota3A = tpu.iota {dimensions = array<i32: 0>} : vector<520x512xi32>
    %broadcast_in_dim3A = vector.shape_cast %get3A_22 : vector<512xi32> to vector<1x512xi32>
    %eq3A = vector.broadcast %broadcast_in_dim3A : vector<1x512xi32> to vector<520x512xi32>
    %eq3A_23 = arith.cmpi eq, %iota3A, %eq3A : vector<520x512xi32>
    %convert_element_type3A = arith.extui %eq3A_23 : vector<520x512xi1> to vector<520x512xi32>
    %convert_element_type3A_24 = arith.sitofp %convert_element_type3A : vector<520x512xi32> to vector<520x512xf32>
    %eq3A_25 = arith.constant 0 : i32
    %eq3A_26 = arith.cmpi eq, %arg0, %eq3A_25 : i32
    %convert_element_type3A_27 = arith.extui %eq3A_26 : i1 to i32
    %cond3A = arith.constant 0 : i32
    %cond3A_28 = arith.cmpi ne, %convert_element_type3A_27, %cond3A : i32
    scf.if %cond3A_28 {
      %broadcast_in_dim3A_45 = arith.constant 0.000000e+00 : f32
      %broadcast_in_dim3A_46 = vector.broadcast %broadcast_in_dim3A_45 : f32 to vector<520x128xf32>
      %swap3A_47 = arith.constant 0 : index
      %swap3A_48 = arith.constant 0 : index
      %swap3A_49 = vector.load %arg7[%swap3A_47, %swap3A_48] : memref<520x128xf32, #tpu.memory_space<vmem>>, vector<520x128xf32>
      tpu.vector_store %arg7[%swap3A_47, %swap3A_48], %broadcast_in_dim3A_46 {strides = array<i32>} : memref<520x128xf32, #tpu.memory_space<vmem>>, vector<520x128xf32>,
      %broadcast_in_dim3A_50 = arith.constant 0.000000e+00 : f32
      %broadcast_in_dim3A_51 = vector.broadcast %broadcast_in_dim3A_50 : f32 to vector<520x1xf32>
      %swap3A_52 = arith.constant 0 : index
      %swap3A_53 = arith.constant 0 : index
      %swap3A_54 = vector.load %arg8[%swap3A_52, %swap3A_53] : memref<520x1xf32, #tpu.memory_space<vmem>>, vector<520x1xf32>
      tpu.vector_store %arg8[%swap3A_52, %swap3A_53], %broadcast_in_dim3A_51 {strides = array<i32>} : memref<520x1xf32, #tpu.memory_space<vmem>>, vector<520x1xf32>,
    } else {
    }
    %get3A_29 = arith.constant 0 : index
    %get3A_30 = arith.constant 0 : index
    %get3A_31 = vector.load %arg7[%get3A_29, %get3A_30] : memref<520x128xf32, #tpu.memory_space<vmem>>, vector<520x128xf32>
    %dot_general3A = arith.constant dense<0.000000e+00> : vector<520x128xf32>
    %dot_general3A_32 = tpu.matmul %convert_element_type3A_24, %add3A_17, %dot_general3A {dimension_numbers = #tpu.dot_dimension_numbers<[1], [0], [0], [1], [0, 0, 1, 1], [], []>, transpose_lhs_hint = false} : vector<520x512xf32>, vector<512x128xf32>, vector<520x128xf32> -> vector<520x128xf32>
    %add3A_33 = arith.addf %get3A_31, %dot_general3A_32 : vector<520x128xf32>
    %swap3A = arith.constant 0 : index
    %swap3A_34 = arith.constant 0 : index
    %swap3A_35 = vector.load %arg7[%swap3A, %swap3A_34] : memref<520x128xf32, #tpu.memory_space<vmem>>, vector<520x128xf32>
    tpu.vector_store %arg7[%swap3A, %swap3A_34], %add3A_33 {strides = array<i32>} : memref<520x128xf32, #tpu.memory_space<vmem>>, vector<520x128xf32>,
    %get3A_36 = arith.constant 0 : index
    %get3A_37 = arith.constant 0 : index
    %get3A_38 = vector.load %arg8[%get3A_36, %get3A_37] : memref<520x1xf32, #tpu.memory_space<vmem>>, vector<520x1xf32>
    %reduce_sum3A = arith.constant dense<0.000000e+00> : vector<520xf32>
    %reduce_sum3A_39 = vector.multi_reduction <add>, %convert_element_type3A_24, %reduce_sum3A [1] : vector<520x512xf32> to vector<520xf32>
    %broadcast_in_dim3A_40 = vector.shape_cast %reduce_sum3A_39 : vector<520xf32> to vector<520x1xf32>
    %add3A_41 = arith.addf %get3A_38, %broadcast_in_dim3A_40 : vector<520x1xf32>
    %swap3A_42 = arith.constant 0 : index
    %swap3A_43 = arith.constant 0 : index
    %swap3A_44 = vector.load %arg8[%swap3A_42, %swap3A_43] : memref<520x1xf32, #tpu.memory_space<vmem>>, vector<520x1xf32>
    tpu.vector_store %arg8[%swap3A_42, %swap3A_43], %add3A_41 {strides = array<i32>} : memref<520x1xf32, #tpu.memory_space<vmem>>, vector<520x1xf32>,
    return
  }
  func.func @transform_0(%arg0: i32) -> (i32, i32) {
    %c0_i32 = arith.constant 0 : i32
    %c0_i32_0 = arith.constant 0 : i32
    return %arg0, %c0_i32 : i32, i32
  }
  func.func @transform_1(%arg0: i32) -> (i32, i32) {
    %c0_i32 = arith.constant 0 : i32
    %c0_i32_0 = arith.constant 0 : i32
    return %arg0, %c0_i32 : i32, i32
  }
  func.func @transform_2(%arg0: i32) -> (i32, i32) {
    %c0_i32 = arith.constant 0 : i32
    %c0_i32_0 = arith.constant 0 : i32
    return %arg0, %c0_i32 : i32, i32
  }
  func.func @transform_3(%arg0: i32) -> (i32, i32) {
    %c0_i32 = arith.constant 0 : i32
    %c0_i32_0 = arith.constant 0 : i32
    return %arg0, %c0_i32 : i32, i32
  }
  func.func @transform_4(%arg0: i32) -> (i32, i32) {
    %c0_i32 = arith.constant 0 : i32
    %c0_i32_0 = arith.constant 0 : i32
    %c0_i32_1 = arith.constant 0 : i32
    return %c0_i32, %c0_i32_0 : i32, i32
  }
  func.func @transform_5(%arg0: i32) -> (i32, i32, i32) {
    %c0_i32 = arith.constant 0 : i32
    %c0_i32_0 = arith.constant 0 : i32
    %c0_i32_1 = arith.constant 0 : i32
    return %arg0, %c0_i32, %c0_i32_0 : i32, i32, i32
  }
  func.func @transform_6(%arg0: i32) -> (i32, i32) {
    %c0_i32 = arith.constant 0 : i32
    %c0_i32_0 = arith.constant 0 : i32
    %c0_i32_1 = arith.constant 0 : i32
    return %c0_i32, %c0_i32_0 : i32, i32
  }
  func.func @transform_7(%arg0: i32) -> (i32, i32) {
    %c0_i32 = arith.constant 0 : i32
    %c0_i32_0 = arith.constant 0 : i32
    %c0_i32_1 = arith.constant 0 : i32
    return %c0_i32, %c0_i32_0 : i32, i32
  }
}

module attributes {stable_mosaic.version = 14 : i64} {
  func.func @body(%arg0: memref<520x128xf32, #tpu.memory_space<vmem>>, %arg1: memref<520x1xf32, #tpu.memory_space<vmem>>, %arg2: memref<128x128xf32, #tpu.memory_space<vmem>>, %arg3: memref<1x128xf32, #tpu.memory_space<vmem>>, %arg4: memref<520x128xf32, #tpu.memory_space<vmem>>) attributes {dimension_semantics = [], scalar_prefetch = 0 : i64, scratch_operands = 0 : i64, tpu.core_type = #tpu.core_type<tc>} {
    %get3A = arith.constant 0 : index
    %get3A_0 = arith.constant 0 : index
    %get3A_1 = vector.load %arg0[%get3A, %get3A_0] : memref<520x128xf32, #tpu.memory_space<vmem>>, vector<520x128xf32>
    %get3A_2 = arith.constant 0 : index
    %get3A_3 = arith.constant 0 : index
    %get3A_4 = vector.load %arg1[%get3A_2, %get3A_3] : memref<520x1xf32, #tpu.memory_space<vmem>>, vector<520x1xf32>
    %max3A = arith.constant 1.000000e+00 : f32
    %max3A_5 = vector.broadcast %max3A : f32 to vector<520x1xf32>
    %max3A_6 = arith.maximumf %get3A_4, %max3A_5 : vector<520x1xf32>
    %div3A = vector.broadcast %max3A_6 : vector<520x1xf32> to vector<520x128xf32>
    %div3A_7 = arith.divf %get3A_1, %div3A : vector<520x128xf32>
    %get3A_8 = arith.constant 0 : index
    %get3A_9 = arith.constant 0 : index
    %get3A_10 = vector.load %arg2[%get3A_8, %get3A_9] : memref<128x128xf32, #tpu.memory_space<vmem>>, vector<128x128xf32>
    %dot_general3A = arith.constant dense<0.000000e+00> : vector<520x128xf32>
    %dot_general3A_11 = tpu.matmul %div3A_7, %get3A_10, %dot_general3A {dimension_numbers = #tpu.dot_dimension_numbers<[1], [0], [0], [1], [0, 0, 1, 1], [], []>, transpose_lhs_hint = false} : vector<520x128xf32>, vector<128x128xf32>, vector<520x128xf32> -> vector<520x128xf32>
    %get3A_12 = arith.constant 0 : index
    %get3A_13 = arith.constant 0 : index
    %get3A_14 = vector.load %arg3[%get3A_12, %get3A_13] : memref<1x128xf32, #tpu.memory_space<vmem>>, vector<1x128xf32>
    %add3A = vector.broadcast %get3A_14 : vector<1x128xf32> to vector<520x128xf32>
    %add3A_15 = arith.addf %dot_general3A_11, %add3A : vector<520x128xf32>
    %swap3A = arith.constant 0 : index
    %swap3A_16 = arith.constant 0 : index
    %swap3A_17 = vector.load %arg4[%swap3A, %swap3A_16] : memref<520x128xf32, #tpu.memory_space<vmem>>, vector<520x128xf32>
    tpu.vector_store %arg4[%swap3A, %swap3A_16], %add3A_15 {strides = array<i32>} : memref<520x128xf32, #tpu.memory_space<vmem>>, vector<520x128xf32>,
    return
  }
}

</mosaic_0001>

<sc_bundles>
// kernel: kernel.13.cloned.1.call-start
scs
__scs_entry_jumppad:
0x0: {  	(pc) =	sbr.rel $0x88, $3  }
0x1: {  	(tag) =	ssettag $0x0;
	lr =	simm.s32 $0x1  }
0x2: {  	[smem:$0x3F94] =	sst lr;
	_ =	strace $0xD0000000  }
0x3: {  	_ = 	snop  }
0x4: {  	_ = 	snop  }
0x5: {  	_ = 	snop  }
0x6: {  	_ = 	snop  }
0x7: {  	_ = 	snop  }
__scs_overlays_trampoline_lowered:
0x8: {  	[smem:$0x3FA3] =	sst s0  }
0x9: {  	[smem:$0x3FA4] =	sst s1  }
0xa: {  	[smem:$0x3FA5] =	sst s2  }
0xb: {  	[smem:$0x3FA6] =	sst s3  }
0xc: {  	[smem:$0x3FA7] =	sst s4  }
0xd: {  	[smem:$0x3FA8] =	sst s5  }
0xe: {  	[smem:$0x3FA9] =	sst s6  }
0xf: {  	[smem:$0x3FAA] =	sst s7  }
0x10: {  	[smem:$0x3FAB] =	sst s8  }
0x11: {  	[smem:$0x3FAC] =	sst s9;
	s0 =	simm.s32 @!p0 $0x0  }
0x12: {  	s1 =	sld [smem:$0x3F92];
	s0 =	simm.s32 @p0 $0x1  }
0x13: {  	[smem:$0x3FAD] =	sst s0;
	s0 =	simm.s32 @!p1 $0x0  }
0x14: {  	s2 =	sld [smem:$0x3F91];
	s0 =	simm.s32 @p1 $0x1  }
0x15: {  	[smem:$0x3FAE] =	sst s0;
	s0 =	simm.s32 @!p2 $0x0  }
0x16: {  	s3 =	sld [smem:$0x3FDB];
	s0 =	simm.s32 @p2 $0x1  }
0x17: {  	s4 =	simm.s32 $0x1BF5;
	[smem:$0x3FB0] =	sst s0  }
0x18: {  	s0 =	sld [smem:$0x3F93];
	_ =	swait.ge [sflag:s4], $0x0  }
0x19: {  	s7 =	sld [smem:$0x3F94]  }
0x1a: {  	s8 =	sadd.s32 $0xFFFFE003, lr  }
0x1b: {  	s9 =	sadd.s32 $0xFFFFFEF7, lr;
	s5 =	simm.s32 $0xFFFFFFFF;
	p2 =	slt.u32 s8, $0xFFFFF086  }
0x1c: {  	p1 =	slt.u32 s9, $0xF7A;
	s5 =	simm.s32 @!p2 $0x0  }
0x1d: {  	s5 =	simm.s32 @p1 $0x1;
	p0 =	seq.s32 s7, s2  }
0x1e: {  	s7 =	smul.u32 @!p0 $0xF7A, s2;
	p2 =	seq.s32 @!p0 s5, $0x0  }
0x1f: {  	s9 =	smul.u32 $0xF7A, s1;
	s8 =	simm.s32 @!p0 $0x1BF5;
	p2 =	por !p2, p0  }
0x20: {  	[sflag:s8] =	ssyncset.s32 @!p0 $0xFFFFF086;
	s6 =	sadd.s32 @!p0 s3, s7;
	s7 =	simm.s32 @!p0 $0x108  }
0x21: {  	s3 =	sadd.s32 s3, s9;
	s6 =	sadd.s32 @!p0 $0x88, s6;
	s7 =	simm.s32 @p2 $0x1082  }
0x22: {  	[simem:s7], [sflag:s8] =	dma.local @!p0 [hbm:s6], $0xF7A  }
0x23: {  	s9 =	sor.u32 $0xD0000000, s2;
	s6 =	simm.s32 $0x108;
	_ =	swait.ge @!p0 [sflag:s8], $0x0  }
0x24: {  	s3 =	sadd.s32 $0x88, s3;
	s6 =	simm.s32 @!p1 $0x1082;
	[sflag:s4] =	ssyncset.s32 $0xFFFFF086  }
0x25: {  	[simem:s6], [sflag:s4] =	dma.local [hbm:s3], $0xF7A  }
0x26: {  	[smem:$0x3F94] =	sst s1;
	(tag) =	ssettag s2;
	_ =	strace s9  }
0x27: {  	s1 =	sld [smem:$0x3FA4]  }
0x28: {  	s2 =	sld [smem:$0x3FA5]  }
0x29: {  	s4 =	sld [smem:$0x3FA7]  }
0x2a: {  	p0 =	seq.s32 s5, $0x0;
	s5 =	sld [smem:$0x3FA8]  }
0x2b: {  	s6 =	sld [smem:$0x3FA9]  }
0x2c: {  	s7 =	sld [smem:$0x3FAA]  }
0x2d: {  	s3 =	simm.s32 $0x108;
	s8 =	sld [smem:$0x3FAB]  }
0x2e: {  	s3 =	simm.s32 @!p0 $0x1082;
	s9 =	sld [smem:$0x3FAC]  }
0x2f: {  	lr =	sadd.s32 s0, s3;
	s0 =	sld [smem:$0x3FA3]  }
0x30: {  	s3 =	sld [smem:$0x3FA6]  }
0x31: {  	[smem:$0x3FAF] =	sst s10  }
0x32: {  	s10 =	sld [smem:$0x3FAD];
	_ =	sdelay $0x3  }
0x33: {  	p0 =	seq.s32 s10, $0x1;
	s10 =	sld [smem:$0x3FAF];
	_ =	sdelay $0x3  }
0x34: {  	[smem:$0x3FAF] =	sst s10  }
0x35: {  	s10 =	sld [smem:$0x3FAE];
	_ =	sdelay $0x3  }
0x36: {  	p1 =	seq.s32 s10, $0x1;
	s10 =	sld [smem:$0x3FAF];
	_ =	sdelay $0x3  }
0x37: {  	[smem:$0x3FAF] =	sst s10  }
0x38: {  	s10 =	sld [smem:$0x3FB0]  }
0x39: {  	_ = 	snop;
	(pc) =	sbr.ind lr, $3  }
0x3a: {  	_ = 	snop  }
0x3b: {  	_ = 	snop  }
0x3c: {  	p2 =	seq.s32 s10, $0x1;
	s10 =	sld [smem:$0x3FAF]  }
0x3d: {  	_ =	shalt  }
0x3e: {  	_ =	shalt  }
0x3f: {  	_ =	shalt  }
0x40: {  	_ =	shalt  }
0x41: {  	_ =	shalt  }
0x42: {  	_ =	shalt  }
0x43: {  	_ =	shalt  }
0x44: {  	_ =	shalt  }
0x45: {  	_ =	shalt  }
0x46: {  	_ =	shalt  }
0x47: {  	_ =	shalt  }
0x48: {  	_ =	shalt  }
0x49: {  	_ =	shalt  }
0x4a: {  	_ =	shalt  }
0x4b: {  	_ =	shalt  }
0x4c: {  	_ =	shalt  }
0x4d: {  	_ =	shalt  }
0x4e: {  	_ =	shalt  }
0x4f: {  	_ =	shalt  }
0x50: {  	_ =	shalt  }
0x51: {  	_ =	shalt  }
0x52: {  	_ =	shalt  }
0x53: {  	_ =	shalt  }
0x54: {  	_ =	shalt  }
0x55: {  	_ =	shalt  }
0x56: {  	_ =	shalt  }
0x57: {  	_ =	shalt  }
0x58: {  	_ =	shalt  }
0x59: {  	_ =	shalt  }
0x5a: {  	_ =	shalt  }
0x5b: {  	_ =	shalt  }
0x5c: {  	_ =	shalt  }
0x5d: {  	_ =	shalt  }
0x5e: {  	_ =	shalt  }
0x5f: {  	_ =	shalt  }
0x60: {  	_ =	shalt  }
0x61: {  	_ =	shalt  }
0x62: {  	_ =	shalt  }
0x63: {  	_ =	shalt  }
0x64: {  	_ =	shalt  }
0x65: {  	_ =	shalt  }
0x66: {  	_ =	shalt  }
0x67: {  	_ =	shalt  }
0x68: {  	_ =	shalt  }
0x69: {  	_ =	shalt  }
0x6a: {  	_ =	shalt  }
0x6b: {  	_ =	shalt  }
0x6c: {  	_ =	shalt  }
0x6d: {  	_ =	shalt  }
0x6e: {  	_ =	shalt  }
0x6f: {  	_ =	shalt  }
0x70: {  	_ =	shalt  }
0x71: {  	_ =	shalt  }
0x72: {  	_ =	shalt  }
0x73: {  	_ =	shalt  }
0x74: {  	_ =	shalt  }
0x75: {  	_ =	shalt  }
0x76: {  	_ =	shalt  }
0x77: {  	_ =	shalt  }
0x78: {  	_ =	shalt  }
0x79: {  	_ =	shalt  }
0x7a: {  	_ =	shalt  }
0x7b: {  	_ =	shalt  }
0x7c: {  	_ =	shalt  }
0x7d: {  	_ =	shalt  }
0x7e: {  	_ =	shalt  }
0x7f: {  	_ =	shalt  }
0x80: {  	_ =	shalt  }
0x81: {  	_ =	shalt  }
0x82: {  	_ =	shalt  }
0x83: {  	_ =	shalt  }
0x84: {  	_ =	shalt  }
0x85: {  	_ =	shalt  }
0x86: {  	_ =	shalt  }
0x87: {  	_ =	shalt  }
.Lfunc_end0:
.L_simem_size_0:
called_computation_lowered:
.L_overlay_start_0:
0x88: {  	s2 =	sld [smem:$0x3FD9]  }
0x89: {  	s3 =	sld [smem:$0x3FFE];
	_ =	sdelay $0x1  }
0x8a: {  	s1 =	srdreg.scid  }
0x8b: {  	s0 =	sand.u32 $0x1, s1  }
0x8c: {  	s16 =	sshll.u32 s0, $0xA;
	s2 =	sadd.s32 s3, s2  }
0x8d: {  	s2 =	sadd.s32 s2, s16  }
0x8e: {  	[smem:$0x3FBB] =	sst s2  }
0x8f: {  	_ = 	snop  }
0x90: {  	(tm) =	ssettm $0x1  }
0x91: {  	s17 =	sld [smem:$0x3FFB];
	_ =	sdelay $0x3  }
0x92: {  	_ =	strace s17  }
0x93: {  	s2 =	sld [smem:$0x3FFC];
	_ =	sdelay $0x3  }
0x94: {  	_ =	strace s2  }
0x95: {  	s2 =	sld [smem:$0x3FFD];
	_ =	sdelay $0x3  }
0x96: {  	_ =	strace s2  }
0x97: {  	_ =	strace $0x8FFFFFFF  }
0x98: {  	s18 =	sld [smem:$0x3FDB];
	_ =	sdelay $0x1  }
0x99: {  	s19 =	simm.s32 $_scs_section_size  }
0x9a: {  	s4 =	simm.s32 $_size__tile_overlayer_lowered;
	s5 =	simm.s32 $_tile_overlayer_lowered  }
0x9b: {  	s22 =	simm.s32 $0x1BFF;
	s21 =	sshll.u32 s5, $0x1;
	s2 =	sadd.s32 s19, s18  }
0x9c: {  	s6 =	simm.s32 $0x0;
	s20 =	sshll.u32 s4, $0x1;
	s4 =	sadd.s32 s21, s2  }
0x9d: {  	[timem:s6], [sflag:s22] =	dma.local [hbm:s4], s20  }
0x9e: {  	_ =	swait.ge [sflag:s22], s20  }
0x9f: {  	s3 =	ssub.s32 $0x0, s20;
	[sflag:s22] =	ssyncset.done $0x0  }
0xa0: {  	[sflag:s22] =	ssyncadd.s32 s3;
	_ =	sdelay $0x1  }
0xa1: {  	s23 =	simm.s32 $0x1B8B  }
0xa2: {  	_ =	swait.ge [sflag:s23], $0x1  }
0xa3: {  	[sflag:s23] =	ssyncset.done $0x0  }
0xa4: {  	s25 =	simm.s32 $0x1B8E;
	s24 =	sld [smem:$0x3FFE];
	[sflag:s23] =	ssyncadd.s32 $0xFFFFFFFF  }
0xa5: {  	s26 =	simm.s32 $execute0_lowered;
	[smem:$0x3FD2] =	sst s25  }
0xa6: {  	s4 =	sshll.u32 s26, $0x1;
	_ =	strace $0x80000046;
	[dreg:$0x1] =	wrdreg $0xFFFFFFFF  }
0xa7: {  	s28 =	simm.s32 $_size_execute0_lowered;
	s2 =	sadd.s32 s2, s4;
	[dreg:$0x0] =	wrdreg $0x0  }
0xa8: {  	s4 =	sshll.u32 s28, $0x1;
	[dreg:$0x2] =	wrdreg s2  }
0xa9: {  	[dreg:$0x3] =	wrdreg s4  }
0xaa: {  	[dreg:$0x4] =	wrdreg $0xC0  }
0xab: {  	_ =	task [dreg:s6], $0x5FFFF  }
0xac: {  	[dreg:$0x1] =	wrdreg $0xFFFFFFFF  }
0xad: {  	[dreg:$0x0] =	wrdreg $0x60  }
0xae: {  	[dreg:$0x2] =	wrdreg s24  }
0xaf: {  	[dreg:$0x3] =	wrdreg $0x28800  }
0xb0: {  	[dreg:$0x4] =	wrdreg $0x9  }
0xb1: {  	_ =	task.clear_ibuf [dreg:s6], $0x5FFFF;
	_ =	strace $0x90000046  }
0xb2: {  	s29 =	simm.s32 $0x9;
	_ =	strace $0x80000048  }
0xb3: {  	_ =	swait.ge [sflag:s29], $0x1  }
0xb4: {  	[sflag:s29] =	ssyncadd.s32 $0xFFFFFFFF  }
0xb5: {  	_ =	strace $0x90000048  }
0xb6: {  	_ =	sfence  }
0xb7: {  	s30 =	sld [smem:$0x0];
	_ =	sdelay $0x2  }
0xb8: {  	s31 =	sshll.u32 s1, $0xD;
	s1 =	sshrl.u32 s1, $0x2  }
0xb9: {  	s3 =	sand.u32 $0x4000, s31;
	s1 =	sadd.s32 s1, s30  }
0xba: {  	s0 =	sor.u32 s3, s0;
	s1 =	sshll.u32 s1, $0x11  }
0xbb: {  	s0 =	sor.u32 s1, s0  }
0xbc: {  	s0 =	sadd.s32 $0x8F2B, s0  }
0xbd: {  	[sflag:s0] =	ssyncadd.remote.s32 $0x1  }
0xbe: {  	_ =	sfence.sel $0xFFFF  }
0xbf: {  	[dreg:$0x0] =	wrdreg $0xFFFFFFFF;
	(pc) =	sbr.abs _section_cstart, $3  }
0xc0: {  	[dreg:$0x1] =	wrdreg $0xFFFFFFFF  }
0xc1: {  	_ =	task.clear_ibuf [dreg:s6], $0x2FFFF;
	_ =	strace $0x9FFFFFFF  }
0xc2: {  	(tm) =	ssettm $0x7FFFFFFF  }
0xc3: {  	_ =	shalt  }
tec
execute0_lowered:
.L_overlay_start_1:
0x0: {  	(tag) =	ssettag $0x1  }
0x1: {  	s1 =	srdreg.scid;
	s5 =	rddreg [dreg:$0x0]  }
0x2: {  	s0 =	stileid.u32;
	s2 =	rddreg [dreg:$0x1];
	s3 =	simm.s32 $0x0  }
0x3: {  	s12 =	simm.s32 $0x2800;
	s13 =	simm.s32 $0x0;
	s4 =	sand.u32 $0x1, s1  }
0x4: {  	s30 =	sshll.u32 s0, $0x1;
	s7 =	smul.u32 $0x280, s0;
	[smem:$0x7FF] =	sst s3  }
0x5: {  	s31 =	sshll.u32 s0, $0x6;
	s1 =	sor.u32 s4, s30;
	s8 =	smul.u32 $0x2800, s4  }
0x6: {  	s4 =	ssub.s32 $0x2, s4;
	s6 =	smul.u32 $0x500, s1;
	s1 =	rddreg [dreg:$0x2]  }
0x7: {  	_ =	strace $0x80000047;
	s9 =	sshrl.u32 s7, $0x3;
	s10 =	sshrl.u32 s4, $0x1  }
0x8: {  	s11 =	sadd.s32 s7, s2;
	s8 =	sadd.s32 s7, s8;
	s9 =	sadd.s32 s9, s5  }
0x9: {  	s10 =	ssub.s32 s4, s10;
	s6 =	sadd.s32 s6, s5;
	s8 =	sshrl.u32 s8, $0x3  }
0xa: {  	s7 =	smax.u32 s10, $0x1;
	s10 =	sshrl.u32 s11, $0x3;
	s11 =	simm.s32 $0x80  }
0xb: {  	s8 =	sadd.s32 s8, s5;
	s4 =	sadd.s32 $0x10600, s6;
	s5 =	sadd.s32 $0x1A600, s9  }
0xc: {  	v0 =	vimm.f32 $1.000000000e+00;
	s9 =	sor.u32 $0x1C01, s31;
	s6 =	sadd.s32 $0x1AC00, s8;
	s8 =	simm.s32 $0x1  }
.LBB2_1:
0xd: {  	[tilespmem:s3], [sflag:$0x1] =	stream.linear.gather [hbm4b:s4+s3], $0x2800, $0x38;
	[tilespmem:$0x2B00] =	vst v63  }
0xe: {  	_ =	swait.ge [sflag:s8], $0x2800  }
0xf: {  	[sflag:s8] =	ssyncset.done $0x0  }
0x10: {  	[sflag:s8] =	ssyncadd.s32 $0xFFFFD800  }
0x11: {  	[tilespmem:$0x2800] =	vst v0  }
0x12: {  	[tilespmem:$0x2810] =	vst v0  }
0x13: {  	[tilespmem:$0x2820] =	vst v0  }
0x14: {  	[tilespmem:$0x2830] =	vst v0  }
0x15: {  	[tilespmem:$0x2840] =	vst v0  }
0x16: {  	[tilespmem:$0x2850] =	vst v0  }
0x17: {  	[tilespmem:$0x2860] =	vst v0  }
0x18: {  	[tilespmem:$0x2870] =	vst v0  }
0x19: {  	[spmem:s10], [sflag:s9] =	dma.local [hbm:s5], $0x50  }
0x1a: {  	_ =	swait.ge [sflag:s8], $0x50  }
0x1b: {  	[sflag:s8] =	ssyncset.done $0x0  }
0x1c: {  	[sflag:s8] =	ssyncadd.s32 $0xFFFFFFB0  }
0x1d: {  	s14 =	simm.s32 $0x0;
	[bflag:$0x0] =	sbarrier.arrive $0xFFFF  }
0x1e: {  	[spmem:s2] =	stream.indirect.scatter.add.f32 [tilespmem:s12], [sflag:$0x1], $0x1, s14, s11, $0xb8;
	[tilespmem:$0x2B00] =	vst v63  }
0x1f: {  	_ =	swait.ge [sflag:s8], $0x80  }
0x20: {  	s14 =	simm.s32 $0x200;
	[sflag:s8] =	ssyncset.done $0x0  }
.LBB2_2:
0x21: {  	s15 =	sshra.s32 s14, $0x2;
	[sflag:s8] =	ssyncadd.s32 $0xFFFFFF80;
	p0 =	sne.s32 s14, $0x9E00  }
0x22: {  	[spmem:s2] =	stream.indirect.scatter.add.f32 [tilespmem:s12], [sflag:$0x1], $0x1, s15, s11, $0xb8;
	[tilespmem:$0x2B00] =	vst v63  }
.Ltmp0:
0x23: {  	_ = 	snop;
	(pc) =	sbr.rel @p0 .LBB2_2-.Ltmp0, $4  }
0x24: {  	_ = 	snop  }
0x25: {  	s14 =	sadd.s32 $0x200, s14  }
0x26: {  	_ =	swait.ge [sflag:s8], $0x80  }
0x27: {  	[sflag:s8] =	ssyncset.done $0x0  }
0x28: {  	s13 =	sadd.s32 $0x1, s13  }
0x29: {  	[sflag:s8] =	ssyncadd.s32 $0xFFFFFF80;
	p0 =	sne.s32 s13, s7  }
.Ltmp1:
0x2a: {  	[bflag:$0x0] =	sbarrier.arrive $0xFFFF;
	(pc) =	sbr.rel @p0 .LBB2_1-.Ltmp1, $4  }
0x2b: {  	[hbm:s6], [sflag:s9] =	dma.local [spmem:s10], $0x50  }
0x2c: {  	_ =	swait.ge [sflag:s8], $0x50  }
0x2d: {  	[sflag:s8] =	ssyncset.done $0x0  }
0x2e: {  	[sflag:s8] =	ssyncadd.s32 $0xFFFFFFB0  }
0x2f: {  	_ =	sfence.sel $0x180000  }
0x30: {  	[bflag:$0x0] =	sbarrier.arrive $0xFFFF  }
0x31: {  	p0 =	sne.s32 s0, $0x0;
	_ =	strace $0x90000047  }
0x32: {  	s0 =	sadd.s32 @!p0 $0x100000, s1;
	[bflag:$0x2] =	sbarrier.arrive $0xFFFF  }
0x33: {  	[sflag:s0] =	ssyncadd.tile.s32 @!p0 $0x1;
	_ =	shalt  }
.Lfunc_end2:
_tile_overlayer_lowered:
.L_overlay_start_2:
0x34: {  	(tag) =	ssettag $0x2  }
0x35: {  	s0 =	rddreg [dreg:$0x0];
	s2 =	stileid.u32  }
0x36: {  	s1 =	rddreg [dreg:$0x1];
	p0 =	sne.s32 s2, $0x0  }
0x37: {  	s3 =	rddreg [dreg:$0x2];
	[bflag:$0x3] =	sbarrier.arrive $0xFFFF;
	s2 =	simm.s32 @!p0 $0x1C01  }
0x38: {  	[timem:s3], [sflag:s2] =	dma.local @!p0 [hbm:s0], s1  }
0x39: {  	s0 =	simm.s32 @!p0 $0x1  }
0x3a: {  	_ =	swait.ge @!p0 [sflag:s0], s1  }
0x3b: {  	s1 =	ssub.s32 @!p0 $0x0, s1;
	[sflag:s0] =	ssyncset.done @!p0 $0x0  }
0x3c: {  	[sflag:s0] =	ssyncadd.s32 @!p0 s1  }
0x3d: {  	[bflag:$0x3] =	sbarrier.arrive $0xFFFF  }
0x3e: {  	_ =	shalt  }

// kernel: kernel.16.cloned.1.call-start
scs
__scs_entry_jumppad:
0x0: {  	(pc) =	sbr.rel $0x88, $3  }
0x1: {  	(tag) =	ssettag $0x0;
	lr =	simm.s32 $0x1  }
0x2: {  	[smem:$0x3F94] =	sst lr;
	_ =	strace $0xD0000000  }
0x3: {  	_ = 	snop  }
0x4: {  	_ = 	snop  }
0x5: {  	_ = 	snop  }
0x6: {  	_ = 	snop  }
0x7: {  	_ = 	snop  }
__scs_overlays_trampoline_lowered:
0x8: {  	[smem:$0x3FA3] =	sst s0  }
0x9: {  	[smem:$0x3FA4] =	sst s1  }
0xa: {  	[smem:$0x3FA5] =	sst s2  }
0xb: {  	[smem:$0x3FA6] =	sst s3  }
0xc: {  	[smem:$0x3FA7] =	sst s4  }
0xd: {  	[smem:$0x3FA8] =	sst s5  }
0xe: {  	[smem:$0x3FA9] =	sst s6  }
0xf: {  	[smem:$0x3FAA] =	sst s7  }
0x10: {  	[smem:$0x3FAB] =	sst s8  }
0x11: {  	[smem:$0x3FAC] =	sst s9;
	s0 =	simm.s32 @!p0 $0x0  }
0x12: {  	s1 =	sld [smem:$0x3F92];
	s0 =	simm.s32 @p0 $0x1  }
0x13: {  	[smem:$0x3FAD] =	sst s0;
	s0 =	simm.s32 @!p1 $0x0  }
0x14: {  	s2 =	sld [smem:$0x3F91];
	s0 =	simm.s32 @p1 $0x1  }
0x15: {  	[smem:$0x3FAE] =	sst s0;
	s0 =	simm.s32 @!p2 $0x0  }
0x16: {  	s3 =	sld [smem:$0x3FDB];
	s0 =	simm.s32 @p2 $0x1  }
0x17: {  	s4 =	simm.s32 $0x1BF5;
	[smem:$0x3FB0] =	sst s0  }
0x18: {  	s0 =	sld [smem:$0x3F93];
	_ =	swait.ge [sflag:s4], $0x0  }
0x19: {  	s7 =	sld [smem:$0x3F94]  }
0x1a: {  	s8 =	sadd.s32 $0xFFFFE003, lr  }
0x1b: {  	s9 =	sadd.s32 $0xFFFFFEF7, lr;
	s5 =	simm.s32 $0xFFFFFFFF;
	p2 =	slt.u32 s8, $0xFFFFF086  }
0x1c: {  	p1 =	slt.u32 s9, $0xF7A;
	s5 =	simm.s32 @!p2 $0x0  }
0x1d: {  	s5 =	simm.s32 @p1 $0x1;
	p0 =	seq.s32 s7, s2  }
0x1e: {  	s7 =	smul.u32 @!p0 $0xF7A, s2;
	p2 =	seq.s32 @!p0 s5, $0x0  }
0x1f: {  	s9 =	smul.u32 $0xF7A, s1;
	s8 =	simm.s32 @!p0 $0x1BF5;
	p2 =	por !p2, p0  }
0x20: {  	[sflag:s8] =	ssyncset.s32 @!p0 $0xFFFFF086;
	s6 =	sadd.s32 @!p0 s3, s7;
	s7 =	simm.s32 @!p0 $0x108  }
0x21: {  	s3 =	sadd.s32 s3, s9;
	s6 =	sadd.s32 @!p0 $0x88, s6;
	s7 =	simm.s32 @p2 $0x1082  }
0x22: {  	[simem:s7], [sflag:s8] =	dma.local @!p0 [hbm:s6], $0xF7A  }
0x23: {  	s9 =	sor.u32 $0xD0000000, s2;
	s6 =	simm.s32 $0x108;
	_ =	swait.ge @!p0 [sflag:s8], $0x0  }
0x24: {  	s3 =	sadd.s32 $0x88, s3;
	s6 =	simm.s32 @!p1 $0x1082;
	[sflag:s4] =	ssyncset.s32 $0xFFFFF086  }
0x25: {  	[simem:s6], [sflag:s4] =	dma.local [hbm:s3], $0xF7A  }
0x26: {  	[smem:$0x3F94] =	sst s1;
	(tag) =	ssettag s2;
	_ =	strace s9  }
0x27: {  	s1 =	sld [smem:$0x3FA4]  }
0x28: {  	s2 =	sld [smem:$0x3FA5]  }
0x29: {  	s4 =	sld [smem:$0x3FA7]  }
0x2a: {  	p0 =	seq.s32 s5, $0x0;
	s5 =	sld [smem:$0x3FA8]  }
0x2b: {  	s6 =	sld [smem:$0x3FA9]  }
0x2c: {  	s7 =	sld [smem:$0x3FAA]  }
0x2d: {  	s3 =	simm.s32 $0x108;
	s8 =	sld [smem:$0x3FAB]  }
0x2e: {  	s3 =	simm.s32 @!p0 $0x1082;
	s9 =	sld [smem:$0x3FAC]  }
0x2f: {  	lr =	sadd.s32 s0, s3;
	s0 =	sld [smem:$0x3FA3]  }
0x30: {  	s3 =	sld [smem:$0x3FA6]  }
0x31: {  	[smem:$0x3FAF] =	sst s10  }
0x32: {  	s10 =	sld [smem:$0x3FAD];
	_ =	sdelay $0x3  }
0x33: {  	p0 =	seq.s32 s10, $0x1;
	s10 =	sld [smem:$0x3FAF];
	_ =	sdelay $0x3  }
0x34: {  	[smem:$0x3FAF] =	sst s10  }
0x35: {  	s10 =	sld [smem:$0x3FAE];
	_ =	sdelay $0x3  }
0x36: {  	p1 =	seq.s32 s10, $0x1;
	s10 =	sld [smem:$0x3FAF];
	_ =	sdelay $0x3  }
0x37: {  	[smem:$0x3FAF] =	sst s10  }
0x38: {  	s10 =	sld [smem:$0x3FB0]  }
0x39: {  	_ = 	snop;
	(pc) =	sbr.ind lr, $3  }
0x3a: {  	_ = 	snop  }
0x3b: {  	_ = 	snop  }
0x3c: {  	p2 =	seq.s32 s10, $0x1;
	s10 =	sld [smem:$0x3FAF]  }
0x3d: {  	_ =	shalt  }
0x3e: {  	_ =	shalt  }
0x3f: {  	_ =	shalt  }
0x40: {  	_ =	shalt  }
0x41: {  	_ =	shalt  }
0x42: {  	_ =	shalt  }
0x43: {  	_ =	shalt  }
0x44: {  	_ =	shalt  }
0x45: {  	_ =	shalt  }
0x46: {  	_ =	shalt  }
0x47: {  	_ =	shalt  }
0x48: {  	_ =	shalt  }
0x49: {  	_ =	shalt  }
0x4a: {  	_ =	shalt  }
0x4b: {  	_ =	shalt  }
0x4c: {  	_ =	shalt  }
0x4d: {  	_ =	shalt  }
0x4e: {  	_ =	shalt  }
0x4f: {  	_ =	shalt  }
0x50: {  	_ =	shalt  }
0x51: {  	_ =	shalt  }
0x52: {  	_ =	shalt  }
0x53: {  	_ =	shalt  }
0x54: {  	_ =	shalt  }
0x55: {  	_ =	shalt  }
0x56: {  	_ =	shalt  }
0x57: {  	_ =	shalt  }
0x58: {  	_ =	shalt  }
0x59: {  	_ =	shalt  }
0x5a: {  	_ =	shalt  }
0x5b: {  	_ =	shalt  }
0x5c: {  	_ =	shalt  }
0x5d: {  	_ =	shalt  }
0x5e: {  	_ =	shalt  }
0x5f: {  	_ =	shalt  }
0x60: {  	_ =	shalt  }
0x61: {  	_ =	shalt  }
0x62: {  	_ =	shalt  }
0x63: {  	_ =	shalt  }
0x64: {  	_ =	shalt  }
0x65: {  	_ =	shalt  }
0x66: {  	_ =	shalt  }
0x67: {  	_ =	shalt  }
0x68: {  	_ =	shalt  }
0x69: {  	_ =	shalt  }
0x6a: {  	_ =	shalt  }
0x6b: {  	_ =	shalt  }
0x6c: {  	_ =	shalt  }
0x6d: {  	_ =	shalt  }
0x6e: {  	_ =	shalt  }
0x6f: {  	_ =	shalt  }
0x70: {  	_ =	shalt  }
0x71: {  	_ =	shalt  }
0x72: {  	_ =	shalt  }
0x73: {  	_ =	shalt  }
0x74: {  	_ =	shalt  }
0x75: {  	_ =	shalt  }
0x76: {  	_ =	shalt  }
0x77: {  	_ =	shalt  }
0x78: {  	_ =	shalt  }
0x79: {  	_ =	shalt  }
0x7a: {  	_ =	shalt  }
0x7b: {  	_ =	shalt  }
0x7c: {  	_ =	shalt  }
0x7d: {  	_ =	shalt  }
0x7e: {  	_ =	shalt  }
0x7f: {  	_ =	shalt  }
0x80: {  	_ =	shalt  }
0x81: {  	_ =	shalt  }
0x82: {  	_ =	shalt  }
0x83: {  	_ =	shalt  }
0x84: {  	_ =	shalt  }
0x85: {  	_ =	shalt  }
0x86: {  	_ =	shalt  }
0x87: {  	_ =	shalt  }
.Lfunc_end0:
.L_simem_size_0:
called_computation.1_lowered:
.L_overlay_start_0:
0x88: {  	s2 =	sld [smem:$0x3FD9]  }
0x89: {  	s3 =	sld [smem:$0x3FFE];
	_ =	sdelay $0x1  }
0x8a: {  	s1 =	srdreg.scid  }
0x8b: {  	s0 =	sand.u32 $0x1, s1  }
0x8c: {  	s16 =	sshll.u32 s0, $0xA;
	s2 =	sadd.s32 s3, s2  }
0x8d: {  	s2 =	sadd.s32 s2, s16  }
0x8e: {  	[smem:$0x3FBB] =	sst s2  }
0x8f: {  	_ = 	snop  }
0x90: {  	(tm) =	ssettm $0x1  }
0x91: {  	s17 =	sld [smem:$0x3FFB];
	_ =	sdelay $0x3  }
0x92: {  	_ =	strace s17  }
0x93: {  	s2 =	sld [smem:$0x3FFC];
	_ =	sdelay $0x3  }
0x94: {  	_ =	strace s2  }
0x95: {  	s2 =	sld [smem:$0x3FFD];
	_ =	sdelay $0x3  }
0x96: {  	_ =	strace s2  }
0x97: {  	_ =	strace $0x8FFFFFFF  }
0x98: {  	s18 =	sld [smem:$0x3FDB];
	_ =	sdelay $0x1  }
0x99: {  	s19 =	simm.s32 $_scs_section_size  }
0x9a: {  	s4 =	simm.s32 $_size__tile_overlayer_lowered;
	s5 =	simm.s32 $_tile_overlayer_lowered  }
0x9b: {  	s22 =	simm.s32 $0x1BFF;
	s21 =	sshll.u32 s5, $0x1;
	s2 =	sadd.s32 s19, s18  }
0x9c: {  	s6 =	simm.s32 $0x0;
	s20 =	sshll.u32 s4, $0x1;
	s4 =	sadd.s32 s21, s2  }
0x9d: {  	[timem:s6], [sflag:s22] =	dma.local [hbm:s4], s20  }
0x9e: {  	_ =	swait.ge [sflag:s22], s20  }
0x9f: {  	s3 =	ssub.s32 $0x0, s20;
	[sflag:s22] =	ssyncset.done $0x0  }
0xa0: {  	[sflag:s22] =	ssyncadd.s32 s3;
	_ =	sdelay $0x1  }
0xa1: {  	s23 =	simm.s32 $0x1B8B  }
0xa2: {  	_ =	swait.ge [sflag:s23], $0x1  }
0xa3: {  	[sflag:s23] =	ssyncset.done $0x0  }
0xa4: {  	s25 =	simm.s32 $0x1B8E;
	s24 =	sld [smem:$0x3FFE];
	[sflag:s23] =	ssyncadd.s32 $0xFFFFFFFF  }
0xa5: {  	s26 =	simm.s32 $execute0_lowered;
	[smem:$0x3FD2] =	sst s25  }
0xa6: {  	s4 =	sshll.u32 s26, $0x1;
	_ =	strace $0x80000049;
	[dreg:$0x1] =	wrdreg $0xFFFFFFFF  }
0xa7: {  	s28 =	simm.s32 $_size_execute0_lowered;
	s2 =	sadd.s32 s2, s4;
	[dreg:$0x0] =	wrdreg $0x0  }
0xa8: {  	s4 =	sshll.u32 s28, $0x1;
	[dreg:$0x2] =	wrdreg s2  }
0xa9: {  	[dreg:$0x3] =	wrdreg s4  }
0xaa: {  	[dreg:$0x4] =	wrdreg $0xC0  }
0xab: {  	_ =	task [dreg:s6], $0x5FFFF  }
0xac: {  	[dreg:$0x1] =	wrdreg $0xFFFFFFFF  }
0xad: {  	[dreg:$0x0] =	wrdreg $0x60  }
0xae: {  	[dreg:$0x2] =	wrdreg s24  }
0xaf: {  	[dreg:$0x3] =	wrdreg $0xA8000  }
0xb0: {  	[dreg:$0x4] =	wrdreg $0x9  }
0xb1: {  	_ =	task.clear_ibuf [dreg:s6], $0x5FFFF;
	_ =	strace $0x90000049  }
0xb2: {  	s29 =	simm.s32 $0x9;
	_ =	strace $0x8000004B  }
0xb3: {  	_ =	swait.ge [sflag:s29], $0x1  }
0xb4: {  	[sflag:s29] =	ssyncadd.s32 $0xFFFFFFFF  }
0xb5: {  	_ =	strace $0x9000004B  }
0xb6: {  	_ =	sfence  }
0xb7: {  	s30 =	sld [smem:$0x0];
	_ =	sdelay $0x2  }
0xb8: {  	s31 =	sshll.u32 s1, $0xD;
	s1 =	sshrl.u32 s1, $0x2  }
0xb9: {  	s3 =	sand.u32 $0x4000, s31;
	s1 =	sadd.s32 s1, s30  }
0xba: {  	s0 =	sor.u32 s3, s0;
	s1 =	sshll.u32 s1, $0x11  }
0xbb: {  	s0 =	sor.u32 s1, s0  }
0xbc: {  	s0 =	sadd.s32 $0x8F2B, s0  }
0xbd: {  	[sflag:s0] =	ssyncadd.remote.s32 $0x1  }
0xbe: {  	_ =	sfence.sel $0xFFFF  }
0xbf: {  	[dreg:$0x0] =	wrdreg $0xFFFFFFFF;
	(pc) =	sbr.abs _section_cstart, $3  }
0xc0: {  	[dreg:$0x1] =	wrdreg $0xFFFFFFFF  }
0xc1: {  	_ =	task.clear_ibuf [dreg:s6], $0x2FFFF;
	_ =	strace $0x9FFFFFFF  }
0xc2: {  	(tm) =	ssettm $0x7FFFFFFF  }
0xc3: {  	_ =	shalt  }
tec
execute0_lowered:
.L_overlay_start_1:
0x0: {  	(tag) =	ssettag $0x1  }
0x1: {  	s5 =	rddreg [dreg:$0x0]  }
0x2: {  	s2 =	rddreg [dreg:$0x1]  }
0x3: {  	s0 =	rddreg [dreg:$0x2];
	s1 =	stileid.u32  }
0x4: {  	s4 =	srdreg.scid;
	s3 =	simm.s32 $0x0;
	s16 =	simm.s32 $0x80  }
0x5: {  	s17 =	simm.s32 $0x2800;
	s18 =	simm.s32 $0x6800;
	s19 =	simm.s32 $0x1  }
0x6: {  	s20 =	simm.s32 $0x2;
	s21 =	simm.s32 $0x2700;
	s22 =	simm.s32 $0x2780  }
0x7: {  	s23 =	simm.s32 $0x0;
	s6 =	smul.u32 $0x2800, s1;
	s7 =	sand.u32 $0x1, s4  }
0x8: {  	[smem:$0x7FF] =	sst s3;
	s4 =	sadd.s32 $0x1A600, s5;
	s9 =	sadd.s32 $0x6600, s5  }
0x9: {  	s10 =	sadd.s32 $0x10600, s5;
	s12 =	sshll.u32 s1, $0x1;
	s13 =	smul.u32 $0x50000, s1  }
0xa: {  	s30 =	sshll.u32 s1, $0x6;
	s8 =	smul.u32 $0x28000, s7;
	_ =	strace $0x8000004A  }
0xb: {  	s24 =	ssub.s32 $0x2, s7;
	s26 =	sor.u32 s7, s12;
	s11 =	sadd.s32 s6, s5  }
0xc: {  	s25 =	sshrl.u32 s24, $0x1;
	s29 =	sshrl.u32 s13, $0x2;
	s7 =	smul.u32 $0x2800, s26  }
0xd: {  	s15 =	smul.u32 $0x500, s26;
	s6 =	sadd.s32 s6, s8;
	s28 =	ssub.s32 s24, s25  }
0xe: {  	s13 =	sadd.s32 s29, s2;
	s14 =	sadd.s32 s6, s5;
	s5 =	sadd.s32 $0x6A600, s11  }
0xf: {  	s6 =	sor.u32 $0x1C03, s30;
	s31 =	sshrl.u32 s7, $0x3;
	s7 =	sadd.s32 s9, s15  }
0x10: {  	s8 =	sadd.s32 s10, s15;
	s12 =	smax.u32 s28, $0x1;
	s11 =	sadd.s32 $0x280, s31  }
0x11: {  	s13 =	sshrl.u32 s13, $0x3;
	s15 =	simm.s32 $0x1400;
	s9 =	sadd.s32 s9, s11  }
0x12: {  	s10 =	sadd.s32 s10, s11;
	s11 =	sadd.s32 $0x92600, s14;
	s14 =	simm.s32 $0x3  }
.LBB2_1:
0x13: {  	[spmem:s13], [sflag:s6] =	dma.local [hbm:s5], $0x2800  }
0x14: {  	_ =	swait.ge [sflag:s14], $0x2800  }
0x15: {  	[sflag:s14] =	ssyncset.done $0x0  }
0x16: {  	[sflag:s14] =	ssyncadd.s32 $0xFFFFD800  }
0x17: {  	[bflag:$0x0] =	sbarrier.arrive $0xFFFF  }
0x18: {  	[tilespmem:s3], [sflag:$0x3] =	stream.linear.gather [hbm4b:s7+s3], $0x1400, $0x38;
	[tilespmem:$0x1E800] =	vst v63  }
0x19: {  	_ =	swait.ge [sflag:s14], $0x1400  }
0x1a: {  	[sflag:s14] =	ssyncset.done $0x0  }
0x1b: {  	[sflag:s14] =	ssyncadd.s32 $0xFFFFEC00  }
0x1c: {  	[tilespmem:s15], [sflag:$0x3] =	stream.linear.gather [hbm4b:s8+s3], $0x1400, $0x38;
	[tilespmem:$0x1E800] =	vst v63  }
0x1d: {  	_ =	swait.ge [sflag:s14], $0x1400  }
0x1e: {  	[sflag:s14] =	ssyncset.done $0x0  }
0x1f: {  	[sflag:s14] =	ssyncadd.s32 $0xFFFFEC00  }
0x20: {  	[tilespmem:s17], [sflag:$0x1] =	stream.indirect.gather [hbm4b:s4+s16], $0x80, s3, s16, $0xb8;
	[tilespmem:$0x1E800] =	vst v63  }
0x21: {  	_ = 	snop  }
0x22: {  	[tilespmem:s18], [sflag:$0x2] =	stream.indirect.gather [hbm4b:s4+s16], $0x80, s16, s16, $0xb8;
	[tilespmem:$0x1E800] =	vst v63  }
0x23: {  	_ =	swait.ge [sflag:s19], $0x4000  }
0x24: {  	[sflag:s19] =	ssyncset.done $0x0  }
0x25: {  	s24 =	simm.s32 $0x1400;
	[sflag:s19] =	ssyncadd.s32 $0xFFFFC000  }
0x26: {  	[spmem:s2] =	stream.indirect.scatter.add.f32 [tilespmem:s17], [sflag:$0x3], $0x80, s24, s16, $0xb8;
	[tilespmem:$0x1E800] =	vst v63  }
0x27: {  	_ =	swait.ge [sflag:s14], $0x4000  }
0x28: {  	[sflag:s14] =	ssyncset.done $0x0  }
0x29: {  	s30 =	simm.s32 $0x100;
	[sflag:s14] =	ssyncadd.s32 $0xFFFFC000  }
0x2a: {  	[tilespmem:s17], [sflag:$0x1] =	stream.indirect.gather [hbm4b:s4+s16], $0x80, s30, s16, $0xb8;
	[tilespmem:$0x1E800] =	vst v63  }
0x2b: {  	_ =	swait.ge [sflag:s20], $0x4000  }
0x2c: {  	[sflag:s20] =	ssyncset.done $0x0  }
0x2d: {  	s31 =	simm.s32 $0x1480;
	[sflag:s20] =	ssyncadd.s32 $0xFFFFC000  }
0x2e: {  	[spmem:s2] =	stream.indirect.scatter.add.f32 [tilespmem:s18], [sflag:$0x3], $0x80, s31, s16, $0xb8;
	[tilespmem:$0x1E800] =	vst v63  }
0x2f: {  	_ =	swait.ge [sflag:s14], $0x4000  }
0x30: {  	[sflag:s14] =	ssyncset.done $0x0  }
0x31: {  	s25 =	simm.s32 $0x180;
	s24 =	simm.s32 $0x400;
	[sflag:s14] =	ssyncadd.s32 $0xFFFFC000  }
.LBB2_2:
0x32: {  	[tilespmem:s18], [sflag:$0x2] =	stream.indirect.gather [hbm4b:s4+s16], $0x80, s25, s16, $0xb8;
	[tilespmem:$0x1E800] =	vst v63  }
0x33: {  	s25 =	smov.u32 s24  }
0x34: {  	p0 =	sne.s32 s24, $0x4800;
	s24 =	sadd.s32 $0x400, s24;
	_ =	swait.ge [sflag:s19], $0x4000  }
0x35: {  	s25 =	sshra.s32 s25, $0x2;
	[sflag:s19] =	ssyncset.done $0x0  }
0x36: {  	s26 =	sadd.s32 $0x1400, s25;
	[sflag:s19] =	ssyncadd.s32 $0xFFFFC000  }
0x37: {  	[spmem:s2] =	stream.indirect.scatter.add.f32 [tilespmem:s17], [sflag:$0x3], $0x80, s26, s16, $0xb8;
	[tilespmem:$0x1E800] =	vst v63  }
0x38: {  	_ =	swait.ge [sflag:s14], $0x4000  }
0x39: {  	[sflag:s14] =	ssyncset.done $0x0  }
0x3a: {  	s26 =	sadd.s32 $0x100, s25;
	[sflag:s14] =	ssyncadd.s32 $0xFFFFC000  }
0x3b: {  	[tilespmem:s17], [sflag:$0x1] =	stream.indirect.gather [hbm4b:s4+s16], $0x80, s26, s16, $0xb8;
	[tilespmem:$0x1E800] =	vst v63  }
0x3c: {  	_ =	swait.ge [sflag:s20], $0x4000  }
0x3d: {  	[sflag:s20] =	ssyncset.done $0x0  }
.Ltmp0:
0x3e: {  	s26 =	sadd.s32 $0x1480, s25;
	[sflag:s20] =	ssyncadd.s32 $0xFFFFC000;
	(pc) =	sbr.rel @p0 .LBB2_2-.Ltmp0, $4  }
0x3f: {  	[spmem:s2] =	stream.indirect.scatter.add.f32 [tilespmem:s18], [sflag:$0x3], $0x80, s26, s16, $0xb8;
	[tilespmem:$0x1E800] =	vst v63  }
0x40: {  	_ =	swait.ge [sflag:s14], $0x4000  }
0x41: {  	[sflag:s14] =	ssyncset.done $0x0  }
0x42: {  	s25 =	sadd.s32 $0x180, s25;
	[sflag:s14] =	ssyncadd.s32 $0xFFFFC000  }
0x43: {  	[tilespmem:s18], [sflag:$0x2] =	stream.indirect.gather [hbm4b:s4+s16], $0x80, s25, s16, $0xb8;
	[tilespmem:$0x1E800] =	vst v63  }
0x44: {  	_ =	swait.ge [sflag:s19], $0x4000  }
0x45: {  	[sflag:s19] =	ssyncset.done $0x0  }
0x46: {  	[sflag:s19] =	ssyncadd.s32 $0xFFFFC000  }
0x47: {  	[spmem:s2] =	stream.indirect.scatter.add.f32 [tilespmem:s17], [sflag:$0x3], $0x80, s21, s16, $0xb8;
	[tilespmem:$0x1E800] =	vst v63  }
0x48: {  	_ =	swait.ge [sflag:s14], $0x4000  }
0x49: {  	[sflag:s14] =	ssyncset.done $0x0  }
0x4a: {  	[sflag:s14] =	ssyncadd.s32 $0xFFFFC000  }
0x4b: {  	_ =	swait.ge [sflag:s20], $0x4000  }
0x4c: {  	[sflag:s20] =	ssyncset.done $0x0  }
0x4d: {  	[sflag:s20] =	ssyncadd.s32 $0xFFFFC000  }
0x4e: {  	[spmem:s2] =	stream.indirect.scatter.add.f32 [tilespmem:s18], [sflag:$0x3], $0x80, s22, s16, $0xb8;
	[tilespmem:$0x1E800] =	vst v63  }
0x4f: {  	_ =	swait.ge [sflag:s14], $0x4000  }
0x50: {  	[sflag:s14] =	ssyncset.done $0x0  }
0x51: {  	s24 =	simm.s32 $0x0;
	[sflag:s14] =	ssyncadd.s32 $0xFFFFC000  }
0x52: {  	[tilespmem:s24], [sflag:$0x3] =	stream.linear.gather [hbm4b:s9+s24], $0x1400, $0x38;
	[tilespmem:$0x1E800] =	vst v63  }
0x53: {  	_ =	swait.ge [sflag:s14], $0x1400  }
0x54: {  	[sflag:s14] =	ssyncset.done $0x0  }
0x55: {  	[sflag:s14] =	ssyncadd.s32 $0xFFFFEC00  }
0x56: {  	[tilespmem:s15], [sflag:$0x3] =	stream.linear.gather [hbm4b:s10+s24], $0x1400, $0x38;
	[tilespmem:$0x1E800] =	vst v63  }
0x57: {  	_ =	swait.ge [sflag:s14], $0x1400  }
0x58: {  	[sflag:s14] =	ssyncset.done $0x0  }
0x59: {  	[sflag:s14] =	ssyncadd.s32 $0xFFFFEC00  }
0x5a: {  	[tilespmem:s17], [sflag:$0x1] =	stream.indirect.gather [hbm4b:s4+s16], $0x80, s24, s16, $0xb8;
	[tilespmem:$0x1E800] =	vst v63  }
0x5b: {  	_ = 	snop  }
0x5c: {  	[tilespmem:s18], [sflag:$0x2] =	stream.indirect.gather [hbm4b:s4+s16], $0x80, s16, s16, $0xb8;
	[tilespmem:$0x1E800] =	vst v63  }
0x5d: {  	_ =	swait.ge [sflag:s19], $0x4000  }
0x5e: {  	[sflag:s19] =	ssyncset.done $0x0  }
0x5f: {  	s29 =	simm.s32 $0x1400;
	[sflag:s19] =	ssyncadd.s32 $0xFFFFC000  }
0x60: {  	[spmem:s2] =	stream.indirect.scatter.add.f32 [tilespmem:s17], [sflag:$0x3], $0x80, s29, s16, $0xb8;
	[tilespmem:$0x1E800] =	vst v63  }
0x61: {  	_ =	swait.ge [sflag:s14], $0x4000  }
0x62: {  	[sflag:s14] =	ssyncset.done $0x0  }
0x63: {  	s30 =	simm.s32 $0x100;
	[sflag:s14] =	ssyncadd.s32 $0xFFFFC000  }
0x64: {  	[tilespmem:s17], [sflag:$0x1] =	stream.indirect.gather [hbm4b:s4+s16], $0x80, s30, s16, $0xb8;
	[tilespmem:$0x1E800] =	vst v63  }
0x65: {  	_ =	swait.ge [sflag:s20], $0x4000  }
0x66: {  	[sflag:s20] =	ssyncset.done $0x0  }
0x67: {  	s31 =	simm.s32 $0x1480;
	[sflag:s20] =	ssyncadd.s32 $0xFFFFC000  }
0x68: {  	[spmem:s2] =	stream.indirect.scatter.add.f32 [tilespmem:s18], [sflag:$0x3], $0x80, s31, s16, $0xb8;
	[tilespmem:$0x1E800] =	vst v63  }
0x69: {  	_ =	swait.ge [sflag:s14], $0x4000  }
0x6a: {  	[sflag:s14] =	ssyncset.done $0x0  }
0x6b: {  	s25 =	simm.s32 $0x180;
	s24 =	simm.s32 $0x400;
	[sflag:s14] =	ssyncadd.s32 $0xFFFFC000  }
.LBB2_4:
0x6c: {  	[tilespmem:s18], [sflag:$0x2] =	stream.indirect.gather [hbm4b:s4+s16], $0x80, s25, s16, $0xb8;
	[tilespmem:$0x1E800] =	vst v63  }
0x6d: {  	s25 =	smov.u32 s24  }
0x6e: {  	p0 =	sne.s32 s24, $0x4800;
	s24 =	sadd.s32 $0x400, s24;
	_ =	swait.ge [sflag:s19], $0x4000  }
0x6f: {  	s25 =	sshra.s32 s25, $0x2;
	[sflag:s19] =	ssyncset.done $0x0  }
0x70: {  	s26 =	sadd.s32 $0x1400, s25;
	[sflag:s19] =	ssyncadd.s32 $0xFFFFC000  }
0x71: {  	[spmem:s2] =	stream.indirect.scatter.add.f32 [tilespmem:s17], [sflag:$0x3], $0x80, s26, s16, $0xb8;
	[tilespmem:$0x1E800] =	vst v63  }
0x72: {  	_ =	swait.ge [sflag:s14], $0x4000  }
0x73: {  	[sflag:s14] =	ssyncset.done $0x0  }
0x74: {  	s26 =	sadd.s32 $0x100, s25;
	[sflag:s14] =	ssyncadd.s32 $0xFFFFC000  }
0x75: {  	[tilespmem:s17], [sflag:$0x1] =	stream.indirect.gather [hbm4b:s4+s16], $0x80, s26, s16, $0xb8;
	[tilespmem:$0x1E800] =	vst v63  }
0x76: {  	_ =	swait.ge [sflag:s20], $0x4000  }
0x77: {  	[sflag:s20] =	ssyncset.done $0x0  }
.Ltmp1:
0x78: {  	s26 =	sadd.s32 $0x1480, s25;
	[sflag:s20] =	ssyncadd.s32 $0xFFFFC000;
	(pc) =	sbr.rel @p0 .LBB2_4-.Ltmp1, $4  }
0x79: {  	[spmem:s2] =	stream.indirect.scatter.add.f32 [tilespmem:s18], [sflag:$0x3], $0x80, s26, s16, $0xb8;
	[tilespmem:$0x1E800] =	vst v63  }
0x7a: {  	_ =	swait.ge [sflag:s14], $0x4000  }
0x7b: {  	[sflag:s14] =	ssyncset.done $0x0  }
0x7c: {  	s25 =	sadd.s32 $0x180, s25;
	[sflag:s14] =	ssyncadd.s32 $0xFFFFC000  }
0x7d: {  	[tilespmem:s18], [sflag:$0x2] =	stream.indirect.gather [hbm4b:s4+s16], $0x80, s25, s16, $0xb8;
	[tilespmem:$0x1E800] =	vst v63  }
0x7e: {  	_ =	swait.ge [sflag:s19], $0x4000  }
0x7f: {  	[sflag:s19] =	ssyncset.done $0x0  }
0x80: {  	[sflag:s19] =	ssyncadd.s32 $0xFFFFC000  }
0x81: {  	[spmem:s2] =	stream.indirect.scatter.add.f32 [tilespmem:s17], [sflag:$0x3], $0x80, s21, s16, $0xb8;
	[tilespmem:$0x1E800] =	vst v63  }
0x82: {  	_ =	swait.ge [sflag:s14], $0x4000  }
0x83: {  	[sflag:s14] =	ssyncset.done $0x0  }
0x84: {  	[sflag:s14] =	ssyncadd.s32 $0xFFFFC000  }
0x85: {  	_ =	swait.ge [sflag:s20], $0x4000  }
0x86: {  	[sflag:s20] =	ssyncset.done $0x0  }
0x87: {  	[sflag:s20] =	ssyncadd.s32 $0xFFFFC000  }
0x88: {  	[spmem:s2] =	stream.indirect.scatter.add.f32 [tilespmem:s18], [sflag:$0x3], $0x80, s22, s16, $0xb8;
	[tilespmem:$0x1E800] =	vst v63  }
0x89: {  	_ =	swait.ge [sflag:s14], $0x4000  }
0x8a: {  	s23 =	sadd.s32 $0x1, s23;
	[sflag:s14] =	ssyncset.done $0x0  }
0x8b: {  	p0 =	sne.s32 s23, s12;
	[sflag:s14] =	ssyncadd.s32 $0xFFFFC000  }
.Ltmp2:
0x8c: {  	[bflag:$0x0] =	sbarrier.arrive $0xFFFF;
	(pc) =	sbr.rel @p0 .LBB2_1-.Ltmp2, $4  }
0x8d: {  	[hbm:s11], [sflag:s6] =	dma.local [spmem:s13], $0x2800  }
0x8e: {  	_ =	swait.ge [sflag:s14], $0x2800  }
0x8f: {  	[sflag:s14] =	ssyncset.done $0x0  }
0x90: {  	[sflag:s14] =	ssyncadd.s32 $0xFFFFD800  }
0x91: {  	_ =	sfence.sel $0x180000  }
0x92: {  	[bflag:$0x0] =	sbarrier.arrive $0xFFFF  }
0x93: {  	p0 =	sne.s32 s1, $0x0;
	_ =	strace $0x9000004A  }
0x94: {  	s0 =	sadd.s32 @!p0 $0x100000, s0;
	[bflag:$0x2] =	sbarrier.arrive $0xFFFF  }
0x95: {  	[sflag:s0] =	ssyncadd.tile.s32 @!p0 $0x1;
	_ =	shalt  }
.Lfunc_end2:
_tile_overlayer_lowered:
.L_overlay_start_2:
0x96: {  	(tag) =	ssettag $0x2  }
0x97: {  	s0 =	rddreg [dreg:$0x0];
	s2 =	stileid.u32  }
0x98: {  	s1 =	rddreg [dreg:$0x1];
	p0 =	sne.s32 s2, $0x0  }
0x99: {  	s3 =	rddreg [dreg:$0x2];
	[bflag:$0x3] =	sbarrier.arrive $0xFFFF;
	s2 =	simm.s32 @!p0 $0x1C03  }
0x9a: {  	[timem:s3], [sflag:s2] =	dma.local @!p0 [hbm:s0], s1  }
0x9b: {  	s0 =	simm.s32 @!p0 $0x3  }
0x9c: {  	_ =	swait.ge @!p0 [sflag:s0], s1  }
0x9d: {  	s1 =	ssub.s32 @!p0 $0x0, s1;
	[sflag:s0] =	ssyncset.done @!p0 $0x0  }
0x9e: {  	[sflag:s0] =	ssyncadd.s32 @!p0 s1  }
0x9f: {  	[bflag:$0x3] =	sbarrier.arrive $0xFFFF  }
0xa0: {  	_ =	shalt  }

// kernel: kernel.19.cloned.1.call-start
scs
__scs_entry_jumppad:
0x0: {  	(pc) =	sbr.rel $0x88, $3  }
0x1: {  	(tag) =	ssettag $0x0;
	lr =	simm.s32 $0x1  }
0x2: {  	[smem:$0x3F94] =	sst lr;
	_ =	strace $0xD0000000  }
0x3: {  	_ = 	snop  }
0x4: {  	_ = 	snop  }
0x5: {  	_ = 	snop  }
0x6: {  	_ = 	snop  }
0x7: {  	_ = 	snop  }
__scs_overlays_trampoline_lowered:
0x8: {  	[smem:$0x3FA3] =	sst s0  }
0x9: {  	[smem:$0x3FA4] =	sst s1  }
0xa: {  	[smem:$0x3FA5] =	sst s2  }
0xb: {  	[smem:$0x3FA6] =	sst s3  }
0xc: {  	[smem:$0x3FA7] =	sst s4  }
0xd: {  	[smem:$0x3FA8] =	sst s5  }
0xe: {  	[smem:$0x3FA9] =	sst s6  }
0xf: {  	[smem:$0x3FAA] =	sst s7  }
0x10: {  	[smem:$0x3FAB] =	sst s8  }
0x11: {  	[smem:$0x3FAC] =	sst s9;
	s0 =	simm.s32 @!p0 $0x0  }
0x12: {  	s1 =	sld [smem:$0x3F92];
	s0 =	simm.s32 @p0 $0x1  }
0x13: {  	[smem:$0x3FAD] =	sst s0;
	s0 =	simm.s32 @!p1 $0x0  }
0x14: {  	s2 =	sld [smem:$0x3F91];
	s0 =	simm.s32 @p1 $0x1  }
0x15: {  	[smem:$0x3FAE] =	sst s0;
	s0 =	simm.s32 @!p2 $0x0  }
0x16: {  	s3 =	sld [smem:$0x3FDB];
	s0 =	simm.s32 @p2 $0x1  }
0x17: {  	s4 =	simm.s32 $0x1BF5;
	[smem:$0x3FB0] =	sst s0  }
0x18: {  	s0 =	sld [smem:$0x3F93];
	_ =	swait.ge [sflag:s4], $0x0  }
0x19: {  	s7 =	sld [smem:$0x3F94]  }
0x1a: {  	s8 =	sadd.s32 $0xFFFFE003, lr  }
0x1b: {  	s9 =	sadd.s32 $0xFFFFFEF7, lr;
	s5 =	simm.s32 $0xFFFFFFFF;
	p2 =	slt.u32 s8, $0xFFFFF086  }
0x1c: {  	p1 =	slt.u32 s9, $0xF7A;
	s5 =	simm.s32 @!p2 $0x0  }
0x1d: {  	s5 =	simm.s32 @p1 $0x1;
	p0 =	seq.s32 s7, s2  }
0x1e: {  	s7 =	smul.u32 @!p0 $0xF7A, s2;
	p2 =	seq.s32 @!p0 s5, $0x0  }
0x1f: {  	s9 =	smul.u32 $0xF7A, s1;
	s8 =	simm.s32 @!p0 $0x1BF5;
	p2 =	por !p2, p0  }
0x20: {  	[sflag:s8] =	ssyncset.s32 @!p0 $0xFFFFF086;
	s6 =	sadd.s32 @!p0 s3, s7;
	s7 =	simm.s32 @!p0 $0x108  }
0x21: {  	s3 =	sadd.s32 s3, s9;
	s6 =	sadd.s32 @!p0 $0x88, s6;
	s7 =	simm.s32 @p2 $0x1082  }
0x22: {  	[simem:s7], [sflag:s8] =	dma.local @!p0 [hbm:s6], $0xF7A  }
0x23: {  	s9 =	sor.u32 $0xD0000000, s2;
	s6 =	simm.s32 $0x108;
	_ =	swait.ge @!p0 [sflag:s8], $0x0  }
0x24: {  	s3 =	sadd.s32 $0x88, s3;
	s6 =	simm.s32 @!p1 $0x1082;
	[sflag:s4] =	ssyncset.s32 $0xFFFFF086  }
0x25: {  	[simem:s6], [sflag:s4] =	dma.local [hbm:s3], $0xF7A  }
0x26: {  	[smem:$0x3F94] =	sst s1;
	(tag) =	ssettag s2;
	_ =	strace s9  }
0x27: {  	s1 =	sld [smem:$0x3FA4]  }
0x28: {  	s2 =	sld [smem:$0x3FA5]  }
0x29: {  	s4 =	sld [smem:$0x3FA7]  }
0x2a: {  	p0 =	seq.s32 s5, $0x0;
	s5 =	sld [smem:$0x3FA8]  }
0x2b: {  	s6 =	sld [smem:$0x3FA9]  }
0x2c: {  	s7 =	sld [smem:$0x3FAA]  }
0x2d: {  	s3 =	simm.s32 $0x108;
	s8 =	sld [smem:$0x3FAB]  }
0x2e: {  	s3 =	simm.s32 @!p0 $0x1082;
	s9 =	sld [smem:$0x3FAC]  }
0x2f: {  	lr =	sadd.s32 s0, s3;
	s0 =	sld [smem:$0x3FA3]  }
0x30: {  	s3 =	sld [smem:$0x3FA6]  }
0x31: {  	[smem:$0x3FAF] =	sst s10  }
0x32: {  	s10 =	sld [smem:$0x3FAD];
	_ =	sdelay $0x3  }
0x33: {  	p0 =	seq.s32 s10, $0x1;
	s10 =	sld [smem:$0x3FAF];
	_ =	sdelay $0x3  }
0x34: {  	[smem:$0x3FAF] =	sst s10  }
0x35: {  	s10 =	sld [smem:$0x3FAE];
	_ =	sdelay $0x3  }
0x36: {  	p1 =	seq.s32 s10, $0x1;
	s10 =	sld [smem:$0x3FAF];
	_ =	sdelay $0x3  }
0x37: {  	[smem:$0x3FAF] =	sst s10  }
0x38: {  	s10 =	sld [smem:$0x3FB0]  }
0x39: {  	_ = 	snop;
	(pc) =	sbr.ind lr, $3  }
0x3a: {  	_ = 	snop  }
0x3b: {  	_ = 	snop  }
0x3c: {  	p2 =	seq.s32 s10, $0x1;
	s10 =	sld [smem:$0x3FAF]  }
0x3d: {  	_ =	shalt  }
0x3e: {  	_ =	shalt  }
0x3f: {  	_ =	shalt  }
0x40: {  	_ =	shalt  }
0x41: {  	_ =	shalt  }
0x42: {  	_ =	shalt  }
0x43: {  	_ =	shalt  }
0x44: {  	_ =	shalt  }
0x45: {  	_ =	shalt  }
0x46: {  	_ =	shalt  }
0x47: {  	_ =	shalt  }
0x48: {  	_ =	shalt  }
0x49: {  	_ =	shalt  }
0x4a: {  	_ =	shalt  }
0x4b: {  	_ =	shalt  }
0x4c: {  	_ =	shalt  }
0x4d: {  	_ =	shalt  }
0x4e: {  	_ =	shalt  }
0x4f: {  	_ =	shalt  }
0x50: {  	_ =	shalt  }
0x51: {  	_ =	shalt  }
0x52: {  	_ =	shalt  }
0x53: {  	_ =	shalt  }
0x54: {  	_ =	shalt  }
0x55: {  	_ =	shalt  }
0x56: {  	_ =	shalt  }
0x57: {  	_ =	shalt  }
0x58: {  	_ =	shalt  }
0x59: {  	_ =	shalt  }
0x5a: {  	_ =	shalt  }
0x5b: {  	_ =	shalt  }
0x5c: {  	_ =	shalt  }
0x5d: {  	_ =	shalt  }
0x5e: {  	_ =	shalt  }
0x5f: {  	_ =	shalt  }
0x60: {  	_ =	shalt  }
0x61: {  	_ =	shalt  }
0x62: {  	_ =	shalt  }
0x63: {  	_ =	shalt  }
0x64: {  	_ =	shalt  }
0x65: {  	_ =	shalt  }
0x66: {  	_ =	shalt  }
0x67: {  	_ =	shalt  }
0x68: {  	_ =	shalt  }
0x69: {  	_ =	shalt  }
0x6a: {  	_ =	shalt  }
0x6b: {  	_ =	shalt  }
0x6c: {  	_ =	shalt  }
0x6d: {  	_ =	shalt  }
0x6e: {  	_ =	shalt  }
0x6f: {  	_ =	shalt  }
0x70: {  	_ =	shalt  }
0x71: {  	_ =	shalt  }
0x72: {  	_ =	shalt  }
0x73: {  	_ =	shalt  }
0x74: {  	_ =	shalt  }
0x75: {  	_ =	shalt  }
0x76: {  	_ =	shalt  }
0x77: {  	_ =	shalt  }
0x78: {  	_ =	shalt  }
0x79: {  	_ =	shalt  }
0x7a: {  	_ =	shalt  }
0x7b: {  	_ =	shalt  }
0x7c: {  	_ =	shalt  }
0x7d: {  	_ =	shalt  }
0x7e: {  	_ =	shalt  }
0x7f: {  	_ =	shalt  }
0x80: {  	_ =	shalt  }
0x81: {  	_ =	shalt  }
0x82: {  	_ =	shalt  }
0x83: {  	_ =	shalt  }
0x84: {  	_ =	shalt  }
0x85: {  	_ =	shalt  }
0x86: {  	_ =	shalt  }
0x87: {  	_ =	shalt  }
.Lfunc_end0:
.L_simem_size_0:
called_computation.2_lowered:
.L_overlay_start_0:
0x88: {  	s2 =	sld [smem:$0x3FD9]  }
0x89: {  	s3 =	sld [smem:$0x3FFE];
	_ =	sdelay $0x1  }
0x8a: {  	s1 =	srdreg.scid  }
0x8b: {  	s0 =	sand.u32 $0x1, s1  }
0x8c: {  	s16 =	sshll.u32 s0, $0xA;
	s2 =	sadd.s32 s3, s2  }
0x8d: {  	s2 =	sadd.s32 s2, s16  }
0x8e: {  	[smem:$0x3FBB] =	sst s2  }
0x8f: {  	_ = 	snop  }
0x90: {  	(tm) =	ssettm $0x1  }
0x91: {  	s17 =	sld [smem:$0x3FFB];
	_ =	sdelay $0x3  }
0x92: {  	_ =	strace s17  }
0x93: {  	s2 =	sld [smem:$0x3FFC];
	_ =	sdelay $0x3  }
0x94: {  	_ =	strace s2  }
0x95: {  	s2 =	sld [smem:$0x3FFD];
	_ =	sdelay $0x3  }
0x96: {  	_ =	strace s2  }
0x97: {  	_ =	strace $0x8FFFFFFF  }
0x98: {  	s18 =	sld [smem:$0x3FDB];
	_ =	sdelay $0x1  }
0x99: {  	s19 =	simm.s32 $_scs_section_size  }
0x9a: {  	s4 =	simm.s32 $_size__tile_overlayer_lowered;
	s5 =	simm.s32 $_tile_overlayer_lowered  }
0x9b: {  	s22 =	simm.s32 $0x1BFF;
	s21 =	sshll.u32 s5, $0x1;
	s2 =	sadd.s32 s19, s18  }
0x9c: {  	s6 =	simm.s32 $0x0;
	s20 =	sshll.u32 s4, $0x1;
	s4 =	sadd.s32 s21, s2  }
0x9d: {  	[timem:s6], [sflag:s22] =	dma.local [hbm:s4], s20  }
0x9e: {  	_ =	swait.ge [sflag:s22], s20  }
0x9f: {  	s3 =	ssub.s32 $0x0, s20;
	[sflag:s22] =	ssyncset.done $0x0  }
0xa0: {  	[sflag:s22] =	ssyncadd.s32 s3;
	_ =	sdelay $0x1  }
0xa1: {  	s23 =	simm.s32 $0x1B8B  }
0xa2: {  	_ =	swait.ge [sflag:s23], $0x1  }
0xa3: {  	[sflag:s23] =	ssyncset.done $0x0  }
0xa4: {  	s25 =	simm.s32 $0x1B8E;
	s24 =	sld [smem:$0x3FFE];
	[sflag:s23] =	ssyncadd.s32 $0xFFFFFFFF  }
0xa5: {  	s26 =	simm.s32 $execute0_lowered;
	[smem:$0x3FD2] =	sst s25  }
0xa6: {  	s4 =	sshll.u32 s26, $0x1;
	_ =	strace $0x8000004C;
	[dreg:$0x1] =	wrdreg $0xFFFFFFFF  }
0xa7: {  	s28 =	simm.s32 $_size_execute0_lowered;
	s2 =	sadd.s32 s2, s4;
	[dreg:$0x0] =	wrdreg $0x0  }
0xa8: {  	s4 =	sshll.u32 s28, $0x1;
	[dreg:$0x2] =	wrdreg s2  }
0xa9: {  	[dreg:$0x3] =	wrdreg s4  }
0xaa: {  	[dreg:$0x4] =	wrdreg $0xC0  }
0xab: {  	_ =	task [dreg:s6], $0x5FFFF  }
0xac: {  	[dreg:$0x1] =	wrdreg $0xFFFFFFFF  }
0xad: {  	[dreg:$0x0] =	wrdreg $0x60  }
0xae: {  	[dreg:$0x2] =	wrdreg s24  }
0xaf: {  	[dreg:$0x3] =	wrdreg $0xA8000  }
0xb0: {  	[dreg:$0x4] =	wrdreg $0x9  }
0xb1: {  	_ =	task.clear_ibuf [dreg:s6], $0x5FFFF;
	_ =	strace $0x9000004C  }
0xb2: {  	s29 =	simm.s32 $0x9;
	_ =	strace $0x8000004E  }
0xb3: {  	_ =	swait.ge [sflag:s29], $0x1  }
0xb4: {  	[sflag:s29] =	ssyncadd.s32 $0xFFFFFFFF  }
0xb5: {  	_ =	strace $0x9000004E  }
0xb6: {  	_ =	sfence  }
0xb7: {  	s30 =	sld [smem:$0x0];
	_ =	sdelay $0x2  }
0xb8: {  	s31 =	sshll.u32 s1, $0xD;
	s1 =	sshrl.u32 s1, $0x2  }
0xb9: {  	s3 =	sand.u32 $0x4000, s31;
	s1 =	sadd.s32 s1, s30  }
0xba: {  	s0 =	sor.u32 s3, s0;
	s1 =	sshll.u32 s1, $0x11  }
0xbb: {  	s0 =	sor.u32 s1, s0  }
0xbc: {  	s0 =	sadd.s32 $0x8F2B, s0  }
0xbd: {  	[sflag:s0] =	ssyncadd.remote.s32 $0x1  }
0xbe: {  	_ =	sfence.sel $0xFFFF  }
0xbf: {  	[dreg:$0x0] =	wrdreg $0xFFFFFFFF;
	(pc) =	sbr.abs _section_cstart, $3  }
0xc0: {  	[dreg:$0x1] =	wrdreg $0xFFFFFFFF  }
0xc1: {  	_ =	task.clear_ibuf [dreg:s6], $0x2FFFF;
	_ =	strace $0x9FFFFFFF  }
0xc2: {  	(tm) =	ssettm $0x7FFFFFFF  }
0xc3: {  	_ =	shalt  }
tec
execute0_lowered:
.L_overlay_start_1:
0x0: {  	(tag) =	ssettag $0x1  }
0x1: {  	s5 =	rddreg [dreg:$0x0]  }
0x2: {  	s2 =	rddreg [dreg:$0x1]  }
0x3: {  	s0 =	rddreg [dreg:$0x2];
	s1 =	stileid.u32  }
0x4: {  	s4 =	srdreg.scid;
	s3 =	simm.s32 $0x0;
	s16 =	simm.s32 $0x80  }
0x5: {  	s17 =	simm.s32 $0x2800;
	s18 =	simm.s32 $0x6800;
	s19 =	simm.s32 $0x1  }
0x6: {  	s20 =	simm.s32 $0x2;
	s21 =	simm.s32 $0x2700;
	s22 =	simm.s32 $0x2780  }
0x7: {  	s23 =	simm.s32 $0x0;
	s6 =	smul.u32 $0x2800, s1;
	s7 =	sand.u32 $0x1, s4  }
0x8: {  	[smem:$0x7FF] =	sst s3;
	s4 =	sadd.s32 $0x1A600, s5;
	s9 =	sadd.s32 $0x6600, s5  }
0x9: {  	s10 =	sadd.s32 $0x10600, s5;
	s12 =	sshll.u32 s1, $0x1;
	s13 =	smul.u32 $0x50000, s1  }
0xa: {  	s30 =	sshll.u32 s1, $0x6;
	s8 =	smul.u32 $0x28000, s7;
	_ =	strace $0x8000004D  }
0xb: {  	s24 =	ssub.s32 $0x2, s7;
	s26 =	sor.u32 s7, s12;
	s11 =	sadd.s32 s6, s5  }
0xc: {  	s25 =	sshrl.u32 s24, $0x1;
	s29 =	sshrl.u32 s13, $0x2;
	s7 =	smul.u32 $0x2800, s26  }
0xd: {  	s15 =	smul.u32 $0x500, s26;
	s6 =	sadd.s32 s6, s8;
	s28 =	ssub.s32 s24, s25  }
0xe: {  	s13 =	sadd.s32 s29, s2;
	s14 =	sadd.s32 s6, s5;
	s5 =	sadd.s32 $0x6A600, s11  }
0xf: {  	s6 =	sor.u32 $0x1C03, s30;
	s31 =	sshrl.u32 s7, $0x3;
	s7 =	sadd.s32 s9, s15  }
0x10: {  	s8 =	sadd.s32 s10, s15;
	s12 =	smax.u32 s28, $0x1;
	s11 =	sadd.s32 $0x280, s31  }
0x11: {  	s13 =	sshrl.u32 s13, $0x3;
	s15 =	simm.s32 $0x1400;
	s9 =	sadd.s32 s9, s11  }
0x12: {  	s10 =	sadd.s32 s10, s11;
	s11 =	sadd.s32 $0x92600, s14;
	s14 =	simm.s32 $0x3  }
.LBB2_1:
0x13: {  	[spmem:s13], [sflag:s6] =	dma.local [hbm:s5], $0x2800  }
0x14: {  	_ =	swait.ge [sflag:s14], $0x2800  }
0x15: {  	[sflag:s14] =	ssyncset.done $0x0  }
0x16: {  	[sflag:s14] =	ssyncadd.s32 $0xFFFFD800  }
0x17: {  	[bflag:$0x0] =	sbarrier.arrive $0xFFFF  }
0x18: {  	[tilespmem:s3], [sflag:$0x3] =	stream.linear.gather [hbm4b:s7+s3], $0x1400, $0x38;
	[tilespmem:$0x1E800] =	vst v63  }
0x19: {  	_ =	swait.ge [sflag:s14], $0x1400  }
0x1a: {  	[sflag:s14] =	ssyncset.done $0x0  }
0x1b: {  	[sflag:s14] =	ssyncadd.s32 $0xFFFFEC00  }
0x1c: {  	[tilespmem:s15], [sflag:$0x3] =	stream.linear.gather [hbm4b:s8+s3], $0x1400, $0x38;
	[tilespmem:$0x1E800] =	vst v63  }
0x1d: {  	_ =	swait.ge [sflag:s14], $0x1400  }
0x1e: {  	[sflag:s14] =	ssyncset.done $0x0  }
0x1f: {  	[sflag:s14] =	ssyncadd.s32 $0xFFFFEC00  }
0x20: {  	[tilespmem:s17], [sflag:$0x1] =	stream.indirect.gather [hbm4b:s4+s16], $0x80, s3, s16, $0xb8;
	[tilespmem:$0x1E800] =	vst v63  }
0x21: {  	_ = 	snop  }
0x22: {  	[tilespmem:s18], [sflag:$0x2] =	stream.indirect.gather [hbm4b:s4+s16], $0x80, s16, s16, $0xb8;
	[tilespmem:$0x1E800] =	vst v63  }
0x23: {  	_ =	swait.ge [sflag:s19], $0x4000  }
0x24: {  	[sflag:s19] =	ssyncset.done $0x0  }
0x25: {  	s24 =	simm.s32 $0x1400;
	[sflag:s19] =	ssyncadd.s32 $0xFFFFC000  }
0x26: {  	[spmem:s2] =	stream.indirect.scatter.add.f32 [tilespmem:s17], [sflag:$0x3], $0x80, s24, s16, $0xb8;
	[tilespmem:$0x1E800] =	vst v63  }
0x27: {  	_ =	swait.ge [sflag:s14], $0x4000  }
0x28: {  	[sflag:s14] =	ssyncset.done $0x0  }
0x29: {  	s30 =	simm.s32 $0x100;
	[sflag:s14] =	ssyncadd.s32 $0xFFFFC000  }
0x2a: {  	[tilespmem:s17], [sflag:$0x1] =	stream.indirect.gather [hbm4b:s4+s16], $0x80, s30, s16, $0xb8;
	[tilespmem:$0x1E800] =	vst v63  }
0x2b: {  	_ =	swait.ge [sflag:s20], $0x4000  }
0x2c: {  	[sflag:s20] =	ssyncset.done $0x0  }
0x2d: {  	s31 =	simm.s32 $0x1480;
	[sflag:s20] =	ssyncadd.s32 $0xFFFFC000  }
0x2e: {  	[spmem:s2] =	stream.indirect.scatter.add.f32 [tilespmem:s18], [sflag:$0x3], $0x80, s31, s16, $0xb8;
	[tilespmem:$0x1E800] =	vst v63  }
0x2f: {  	_ =	swait.ge [sflag:s14], $0x4000  }
0x30: {  	[sflag:s14] =	ssyncset.done $0x0  }
0x31: {  	s25 =	simm.s32 $0x180;
	s24 =	simm.s32 $0x400;
	[sflag:s14] =	ssyncadd.s32 $0xFFFFC000  }
.LBB2_2:
0x32: {  	[tilespmem:s18], [sflag:$0x2] =	stream.indirect.gather [hbm4b:s4+s16], $0x80, s25, s16, $0xb8;
	[tilespmem:$0x1E800] =	vst v63  }
0x33: {  	s25 =	smov.u32 s24  }
0x34: {  	p0 =	sne.s32 s24, $0x4800;
	s24 =	sadd.s32 $0x400, s24;
	_ =	swait.ge [sflag:s19], $0x4000  }
0x35: {  	s25 =	sshra.s32 s25, $0x2;
	[sflag:s19] =	ssyncset.done $0x0  }
0x36: {  	s26 =	sadd.s32 $0x1400, s25;
	[sflag:s19] =	ssyncadd.s32 $0xFFFFC000  }
0x37: {  	[spmem:s2] =	stream.indirect.scatter.add.f32 [tilespmem:s17], [sflag:$0x3], $0x80, s26, s16, $0xb8;
	[tilespmem:$0x1E800] =	vst v63  }
0x38: {  	_ =	swait.ge [sflag:s14], $0x4000  }
0x39: {  	[sflag:s14] =	ssyncset.done $0x0  }
0x3a: {  	s26 =	sadd.s32 $0x100, s25;
	[sflag:s14] =	ssyncadd.s32 $0xFFFFC000  }
0x3b: {  	[tilespmem:s17], [sflag:$0x1] =	stream.indirect.gather [hbm4b:s4+s16], $0x80, s26, s16, $0xb8;
	[tilespmem:$0x1E800] =	vst v63  }
0x3c: {  	_ =	swait.ge [sflag:s20], $0x4000  }
0x3d: {  	[sflag:s20] =	ssyncset.done $0x0  }
.Ltmp0:
0x3e: {  	s26 =	sadd.s32 $0x1480, s25;
	[sflag:s20] =	ssyncadd.s32 $0xFFFFC000;
	(pc) =	sbr.rel @p0 .LBB2_2-.Ltmp0, $4  }
0x3f: {  	[spmem:s2] =	stream.indirect.scatter.add.f32 [tilespmem:s18], [sflag:$0x3], $0x80, s26, s16, $0xb8;
	[tilespmem:$0x1E800] =	vst v63  }
0x40: {  	_ =	swait.ge [sflag:s14], $0x4000  }
0x41: {  	[sflag:s14] =	ssyncset.done $0x0  }
0x42: {  	s25 =	sadd.s32 $0x180, s25;
	[sflag:s14] =	ssyncadd.s32 $0xFFFFC000  }
0x43: {  	[tilespmem:s18], [sflag:$0x2] =	stream.indirect.gather [hbm4b:s4+s16], $0x80, s25, s16, $0xb8;
	[tilespmem:$0x1E800] =	vst v63  }
0x44: {  	_ =	swait.ge [sflag:s19], $0x4000  }
0x45: {  	[sflag:s19] =	ssyncset.done $0x0  }
0x46: {  	[sflag:s19] =	ssyncadd.s32 $0xFFFFC000  }
0x47: {  	[spmem:s2] =	stream.indirect.scatter.add.f32 [tilespmem:s17], [sflag:$0x3], $0x80, s21, s16, $0xb8;
	[tilespmem:$0x1E800] =	vst v63  }
0x48: {  	_ =	swait.ge [sflag:s14], $0x4000  }
0x49: {  	[sflag:s14] =	ssyncset.done $0x0  }
0x4a: {  	[sflag:s14] =	ssyncadd.s32 $0xFFFFC000  }
0x4b: {  	_ =	swait.ge [sflag:s20], $0x4000  }
0x4c: {  	[sflag:s20] =	ssyncset.done $0x0  }
0x4d: {  	[sflag:s20] =	ssyncadd.s32 $0xFFFFC000  }
0x4e: {  	[spmem:s2] =	stream.indirect.scatter.add.f32 [tilespmem:s18], [sflag:$0x3], $0x80, s22, s16, $0xb8;
	[tilespmem:$0x1E800] =	vst v63  }
0x4f: {  	_ =	swait.ge [sflag:s14], $0x4000  }
0x50: {  	[sflag:s14] =	ssyncset.done $0x0  }
0x51: {  	s24 =	simm.s32 $0x0;
	[sflag:s14] =	ssyncadd.s32 $0xFFFFC000  }
0x52: {  	[tilespmem:s24], [sflag:$0x3] =	stream.linear.gather [hbm4b:s9+s24], $0x1400, $0x38;
	[tilespmem:$0x1E800] =	vst v63  }
0x53: {  	_ =	swait.ge [sflag:s14], $0x1400  }
0x54: {  	[sflag:s14] =	ssyncset.done $0x0  }
0x55: {  	[sflag:s14] =	ssyncadd.s32 $0xFFFFEC00  }
0x56: {  	[tilespmem:s15], [sflag:$0x3] =	stream.linear.gather [hbm4b:s10+s24], $0x1400, $0x38;
	[tilespmem:$0x1E800] =	vst v63  }
0x57: {  	_ =	swait.ge [sflag:s14], $0x1400  }
0x58: {  	[sflag:s14] =	ssyncset.done $0x0  }
0x59: {  	[sflag:s14] =	ssyncadd.s32 $0xFFFFEC00  }
0x5a: {  	[tilespmem:s17], [sflag:$0x1] =	stream.indirect.gather [hbm4b:s4+s16], $0x80, s24, s16, $0xb8;
	[tilespmem:$0x1E800] =	vst v63  }
0x5b: {  	_ = 	snop  }
0x5c: {  	[tilespmem:s18], [sflag:$0x2] =	stream.indirect.gather [hbm4b:s4+s16], $0x80, s16, s16, $0xb8;
	[tilespmem:$0x1E800] =	vst v63  }
0x5d: {  	_ =	swait.ge [sflag:s19], $0x4000  }
0x5e: {  	[sflag:s19] =	ssyncset.done $0x0  }
0x5f: {  	s29 =	simm.s32 $0x1400;
	[sflag:s19] =	ssyncadd.s32 $0xFFFFC000  }
0x60: {  	[spmem:s2] =	stream.indirect.scatter.add.f32 [tilespmem:s17], [sflag:$0x3], $0x80, s29, s16, $0xb8;
	[tilespmem:$0x1E800] =	vst v63  }
0x61: {  	_ =	swait.ge [sflag:s14], $0x4000  }
0x62: {  	[sflag:s14] =	ssyncset.done $0x0  }
0x63: {  	s30 =	simm.s32 $0x100;
	[sflag:s14] =	ssyncadd.s32 $0xFFFFC000  }
0x64: {  	[tilespmem:s17], [sflag:$0x1] =	stream.indirect.gather [hbm4b:s4+s16], $0x80, s30, s16, $0xb8;
	[tilespmem:$0x1E800] =	vst v63  }
0x65: {  	_ =	swait.ge [sflag:s20], $0x4000  }
0x66: {  	[sflag:s20] =	ssyncset.done $0x0  }
0x67: {  	s31 =	simm.s32 $0x1480;
	[sflag:s20] =	ssyncadd.s32 $0xFFFFC000  }
0x68: {  	[spmem:s2] =	stream.indirect.scatter.add.f32 [tilespmem:s18], [sflag:$0x3], $0x80, s31, s16, $0xb8;
	[tilespmem:$0x1E800] =	vst v63  }
0x69: {  	_ =	swait.ge [sflag:s14], $0x4000  }
0x6a: {  	[sflag:s14] =	ssyncset.done $0x0  }
0x6b: {  	s25 =	simm.s32 $0x180;
	s24 =	simm.s32 $0x400;
	[sflag:s14] =	ssyncadd.s32 $0xFFFFC000  }
.LBB2_4:
0x6c: {  	[tilespmem:s18], [sflag:$0x2] =	stream.indirect.gather [hbm4b:s4+s16], $0x80, s25, s16, $0xb8;
	[tilespmem:$0x1E800] =	vst v63  }
0x6d: {  	s25 =	smov.u32 s24  }
0x6e: {  	p0 =	sne.s32 s24, $0x4800;
	s24 =	sadd.s32 $0x400, s24;
	_ =	swait.ge [sflag:s19], $0x4000  }
0x6f: {  	s25 =	sshra.s32 s25, $0x2;
	[sflag:s19] =	ssyncset.done $0x0  }
0x70: {  	s26 =	sadd.s32 $0x1400, s25;
	[sflag:s19] =	ssyncadd.s32 $0xFFFFC000  }
0x71: {  	[spmem:s2] =	stream.indirect.scatter.add.f32 [tilespmem:s17], [sflag:$0x3], $0x80, s26, s16, $0xb8;
	[tilespmem:$0x1E800] =	vst v63  }
0x72: {  	_ =	swait.ge [sflag:s14], $0x4000  }
0x73: {  	[sflag:s14] =	ssyncset.done $0x0  }
0x74: {  	s26 =	sadd.s32 $0x100, s25;
	[sflag:s14] =	ssyncadd.s32 $0xFFFFC000  }
0x75: {  	[tilespmem:s17], [sflag:$0x1] =	stream.indirect.gather [hbm4b:s4+s16], $0x80, s26, s16, $0xb8;
	[tilespmem:$0x1E800] =	vst v63  }
0x76: {  	_ =	swait.ge [sflag:s20], $0x4000  }
0x77: {  	[sflag:s20] =	ssyncset.done $0x0  }
.Ltmp1:
0x78: {  	s26 =	sadd.s32 $0x1480, s25;
	[sflag:s20] =	ssyncadd.s32 $0xFFFFC000;
	(pc) =	sbr.rel @p0 .LBB2_4-.Ltmp1, $4  }
0x79: {  	[spmem:s2] =	stream.indirect.scatter.add.f32 [tilespmem:s18], [sflag:$0x3], $0x80, s26, s16, $0xb8;
	[tilespmem:$0x1E800] =	vst v63  }
0x7a: {  	_ =	swait.ge [sflag:s14], $0x4000  }
0x7b: {  	[sflag:s14] =	ssyncset.done $0x0  }
0x7c: {  	s25 =	sadd.s32 $0x180, s25;
	[sflag:s14] =	ssyncadd.s32 $0xFFFFC000  }
0x7d: {  	[tilespmem:s18], [sflag:$0x2] =	stream.indirect.gather [hbm4b:s4+s16], $0x80, s25, s16, $0xb8;
	[tilespmem:$0x1E800] =	vst v63  }
0x7e: {  	_ =	swait.ge [sflag:s19], $0x4000  }
0x7f: {  	[sflag:s19] =	ssyncset.done $0x0  }
0x80: {  	[sflag:s19] =	ssyncadd.s32 $0xFFFFC000  }
0x81: {  	[spmem:s2] =	stream.indirect.scatter.add.f32 [tilespmem:s17], [sflag:$0x3], $0x80, s21, s16, $0xb8;
	[tilespmem:$0x1E800] =	vst v63  }
0x82: {  	_ =	swait.ge [sflag:s14], $0x4000  }
0x83: {  	[sflag:s14] =	ssyncset.done $0x0  }
0x84: {  	[sflag:s14] =	ssyncadd.s32 $0xFFFFC000  }
0x85: {  	_ =	swait.ge [sflag:s20], $0x4000  }
0x86: {  	[sflag:s20] =	ssyncset.done $0x0  }
0x87: {  	[sflag:s20] =	ssyncadd.s32 $0xFFFFC000  }
0x88: {  	[spmem:s2] =	stream.indirect.scatter.add.f32 [tilespmem:s18], [sflag:$0x3], $0x80, s22, s16, $0xb8;
	[tilespmem:$0x1E800] =	vst v63  }
0x89: {  	_ =	swait.ge [sflag:s14], $0x4000  }
0x8a: {  	s23 =	sadd.s32 $0x1, s23;
	[sflag:s14] =	ssyncset.done $0x0  }
0x8b: {  	p0 =	sne.s32 s23, s12;
	[sflag:s14] =	ssyncadd.s32 $0xFFFFC000  }
.Ltmp2:
0x8c: {  	[bflag:$0x0] =	sbarrier.arrive $0xFFFF;
	(pc) =	sbr.rel @p0 .LBB2_1-.Ltmp2, $4  }
0x8d: {  	[hbm:s11], [sflag:s6] =	dma.local [spmem:s13], $0x2800  }
0x8e: {  	_ =	swait.ge [sflag:s14], $0x2800  }
0x8f: {  	[sflag:s14] =	ssyncset.done $0x0  }
0x90: {  	[sflag:s14] =	ssyncadd.s32 $0xFFFFD800  }
0x91: {  	_ =	sfence.sel $0x180000  }
0x92: {  	[bflag:$0x0] =	sbarrier.arrive $0xFFFF  }
0x93: {  	p0 =	sne.s32 s1, $0x0;
	_ =	strace $0x9000004D  }
0x94: {  	s0 =	sadd.s32 @!p0 $0x100000, s0;
	[bflag:$0x2] =	sbarrier.arrive $0xFFFF  }
0x95: {  	[sflag:s0] =	ssyncadd.tile.s32 @!p0 $0x1;
	_ =	shalt  }
.Lfunc_end2:
_tile_overlayer_lowered:
.L_overlay_start_2:
0x96: {  	(tag) =	ssettag $0x2  }
0x97: {  	s0 =	rddreg [dreg:$0x0];
	s2 =	stileid.u32  }
0x98: {  	s1 =	rddreg [dreg:$0x1];
	p0 =	sne.s32 s2, $0x0  }
0x99: {  	s3 =	rddreg [dreg:$0x2];
	[bflag:$0x3] =	sbarrier.arrive $0xFFFF;
	s2 =	simm.s32 @!p0 $0x1C03  }
0x9a: {  	[timem:s3], [sflag:s2] =	dma.local @!p0 [hbm:s0], s1  }
0x9b: {  	s0 =	simm.s32 @!p0 $0x3  }
0x9c: {  	_ =	swait.ge @!p0 [sflag:s0], s1  }
0x9d: {  	s1 =	ssub.s32 @!p0 $0x0, s1;
	[sflag:s0] =	ssyncset.done @!p0 $0x0  }
0x9e: {  	[sflag:s0] =	ssyncadd.s32 @!p0 s1  }
0x9f: {  	[bflag:$0x3] =	sbarrier.arrive $0xFFFF  }
0xa0: {  	_ =	shalt  }

// kernel: kernel.22.cloned.1.call-start
scs
__scs_entry_jumppad:
0x0: {  	(pc) =	sbr.rel $0x88, $3  }
0x1: {  	(tag) =	ssettag $0x0;
	lr =	simm.s32 $0x1  }
0x2: {  	[smem:$0x3F94] =	sst lr;
	_ =	strace $0xD0000000  }
0x3: {  	_ = 	snop  }
0x4: {  	_ = 	snop  }
0x5: {  	_ = 	snop  }
0x6: {  	_ = 	snop  }
0x7: {  	_ = 	snop  }
__scs_overlays_trampoline_lowered:
0x8: {  	[smem:$0x3FA3] =	sst s0  }
0x9: {  	[smem:$0x3FA4] =	sst s1  }
0xa: {  	[smem:$0x3FA5] =	sst s2  }
0xb: {  	[smem:$0x3FA6] =	sst s3  }
0xc: {  	[smem:$0x3FA7] =	sst s4  }
0xd: {  	[smem:$0x3FA8] =	sst s5  }
0xe: {  	[smem:$0x3FA9] =	sst s6  }
0xf: {  	[smem:$0x3FAA] =	sst s7  }
0x10: {  	[smem:$0x3FAB] =	sst s8  }
0x11: {  	[smem:$0x3FAC] =	sst s9;
	s0 =	simm.s32 @!p0 $0x0  }
0x12: {  	s1 =	sld [smem:$0x3F92];
	s0 =	simm.s32 @p0 $0x1  }
0x13: {  	[smem:$0x3FAD] =	sst s0;
	s0 =	simm.s32 @!p1 $0x0  }
0x14: {  	s2 =	sld [smem:$0x3F91];
	s0 =	simm.s32 @p1 $0x1  }
0x15: {  	[smem:$0x3FAE] =	sst s0;
	s0 =	simm.s32 @!p2 $0x0  }
0x16: {  	s3 =	sld [smem:$0x3FDB];
	s0 =	simm.s32 @p2 $0x1  }
0x17: {  	s4 =	simm.s32 $0x1BF5;
	[smem:$0x3FB0] =	sst s0  }
0x18: {  	s0 =	sld [smem:$0x3F93];
	_ =	swait.ge [sflag:s4], $0x0  }
0x19: {  	s7 =	sld [smem:$0x3F94]  }
0x1a: {  	s8 =	sadd.s32 $0xFFFFE003, lr  }
0x1b: {  	s9 =	sadd.s32 $0xFFFFFEF7, lr;
	s5 =	simm.s32 $0xFFFFFFFF;
	p2 =	slt.u32 s8, $0xFFFFF086  }
0x1c: {  	p1 =	slt.u32 s9, $0xF7A;
	s5 =	simm.s32 @!p2 $0x0  }
0x1d: {  	s5 =	simm.s32 @p1 $0x1;
	p0 =	seq.s32 s7, s2  }
0x1e: {  	s7 =	smul.u32 @!p0 $0xF7A, s2;
	p2 =	seq.s32 @!p0 s5, $0x0  }
0x1f: {  	s9 =	smul.u32 $0xF7A, s1;
	s8 =	simm.s32 @!p0 $0x1BF5;
	p2 =	por !p2, p0  }
0x20: {  	[sflag:s8] =	ssyncset.s32 @!p0 $0xFFFFF086;
	s6 =	sadd.s32 @!p0 s3, s7;
	s7 =	simm.s32 @!p0 $0x108  }
0x21: {  	s3 =	sadd.s32 s3, s9;
	s6 =	sadd.s32 @!p0 $0x88, s6;
	s7 =	simm.s32 @p2 $0x1082  }
0x22: {  	[simem:s7], [sflag:s8] =	dma.local @!p0 [hbm:s6], $0xF7A  }
0x23: {  	s9 =	sor.u32 $0xD0000000, s2;
	s6 =	simm.s32 $0x108;
	_ =	swait.ge @!p0 [sflag:s8], $0x0  }
0x24: {  	s3 =	sadd.s32 $0x88, s3;
	s6 =	simm.s32 @!p1 $0x1082;
	[sflag:s4] =	ssyncset.s32 $0xFFFFF086  }
0x25: {  	[simem:s6], [sflag:s4] =	dma.local [hbm:s3], $0xF7A  }
0x26: {  	[smem:$0x3F94] =	sst s1;
	(tag) =	ssettag s2;
	_ =	strace s9  }
0x27: {  	s1 =	sld [smem:$0x3FA4]  }
0x28: {  	s2 =	sld [smem:$0x3FA5]  }
0x29: {  	s4 =	sld [smem:$0x3FA7]  }
0x2a: {  	p0 =	seq.s32 s5, $0x0;
	s5 =	sld [smem:$0x3FA8]  }
0x2b: {  	s6 =	sld [smem:$0x3FA9]  }
0x2c: {  	s7 =	sld [smem:$0x3FAA]  }
0x2d: {  	s3 =	simm.s32 $0x108;
	s8 =	sld [smem:$0x3FAB]  }
0x2e: {  	s3 =	simm.s32 @!p0 $0x1082;
	s9 =	sld [smem:$0x3FAC]  }
0x2f: {  	lr =	sadd.s32 s0, s3;
	s0 =	sld [smem:$0x3FA3]  }
0x30: {  	s3 =	sld [smem:$0x3FA6]  }
0x31: {  	[smem:$0x3FAF] =	sst s10  }
0x32: {  	s10 =	sld [smem:$0x3FAD];
	_ =	sdelay $0x3  }
0x33: {  	p0 =	seq.s32 s10, $0x1;
	s10 =	sld [smem:$0x3FAF];
	_ =	sdelay $0x3  }
0x34: {  	[smem:$0x3FAF] =	sst s10  }
0x35: {  	s10 =	sld [smem:$0x3FAE];
	_ =	sdelay $0x3  }
0x36: {  	p1 =	seq.s32 s10, $0x1;
	s10 =	sld [smem:$0x3FAF];
	_ =	sdelay $0x3  }
0x37: {  	[smem:$0x3FAF] =	sst s10  }
0x38: {  	s10 =	sld [smem:$0x3FB0]  }
0x39: {  	_ = 	snop;
	(pc) =	sbr.ind lr, $3  }
0x3a: {  	_ = 	snop  }
0x3b: {  	_ = 	snop  }
0x3c: {  	p2 =	seq.s32 s10, $0x1;
	s10 =	sld [smem:$0x3FAF]  }
0x3d: {  	_ =	shalt  }
0x3e: {  	_ =	shalt  }
0x3f: {  	_ =	shalt  }
0x40: {  	_ =	shalt  }
0x41: {  	_ =	shalt  }
0x42: {  	_ =	shalt  }
0x43: {  	_ =	shalt  }
0x44: {  	_ =	shalt  }
0x45: {  	_ =	shalt  }
0x46: {  	_ =	shalt  }
0x47: {  	_ =	shalt  }
0x48: {  	_ =	shalt  }
0x49: {  	_ =	shalt  }
0x4a: {  	_ =	shalt  }
0x4b: {  	_ =	shalt  }
0x4c: {  	_ =	shalt  }
0x4d: {  	_ =	shalt  }
0x4e: {  	_ =	shalt  }
0x4f: {  	_ =	shalt  }
0x50: {  	_ =	shalt  }
0x51: {  	_ =	shalt  }
0x52: {  	_ =	shalt  }
0x53: {  	_ =	shalt  }
0x54: {  	_ =	shalt  }
0x55: {  	_ =	shalt  }
0x56: {  	_ =	shalt  }
0x57: {  	_ =	shalt  }
0x58: {  	_ =	shalt  }
0x59: {  	_ =	shalt  }
0x5a: {  	_ =	shalt  }
0x5b: {  	_ =	shalt  }
0x5c: {  	_ =	shalt  }
0x5d: {  	_ =	shalt  }
0x5e: {  	_ =	shalt  }
0x5f: {  	_ =	shalt  }
0x60: {  	_ =	shalt  }
0x61: {  	_ =	shalt  }
0x62: {  	_ =	shalt  }
0x63: {  	_ =	shalt  }
0x64: {  	_ =	shalt  }
0x65: {  	_ =	shalt  }
0x66: {  	_ =	shalt  }
0x67: {  	_ =	shalt  }
0x68: {  	_ =	shalt  }
0x69: {  	_ =	shalt  }
0x6a: {  	_ =	shalt  }
0x6b: {  	_ =	shalt  }
0x6c: {  	_ =	shalt  }
0x6d: {  	_ =	shalt  }
0x6e: {  	_ =	shalt  }
0x6f: {  	_ =	shalt  }
0x70: {  	_ =	shalt  }
0x71: {  	_ =	shalt  }
0x72: {  	_ =	shalt  }
0x73: {  	_ =	shalt  }
0x74: {  	_ =	shalt  }
0x75: {  	_ =	shalt  }
0x76: {  	_ =	shalt  }
0x77: {  	_ =	shalt  }
0x78: {  	_ =	shalt  }
0x79: {  	_ =	shalt  }
0x7a: {  	_ =	shalt  }
0x7b: {  	_ =	shalt  }
0x7c: {  	_ =	shalt  }
0x7d: {  	_ =	shalt  }
0x7e: {  	_ =	shalt  }
0x7f: {  	_ =	shalt  }
0x80: {  	_ =	shalt  }
0x81: {  	_ =	shalt  }
0x82: {  	_ =	shalt  }
0x83: {  	_ =	shalt  }
0x84: {  	_ =	shalt  }
0x85: {  	_ =	shalt  }
0x86: {  	_ =	shalt  }
0x87: {  	_ =	shalt  }
.Lfunc_end0:
.L_simem_size_0:
called_computation.3_lowered:
.L_overlay_start_0:
0x88: {  	s2 =	sld [smem:$0x3FD9]  }
0x89: {  	s3 =	sld [smem:$0x3FFE];
	_ =	sdelay $0x1  }
0x8a: {  	s1 =	srdreg.scid  }
0x8b: {  	s0 =	sand.u32 $0x1, s1  }
0x8c: {  	s16 =	sshll.u32 s0, $0xA;
	s2 =	sadd.s32 s3, s2  }
0x8d: {  	s2 =	sadd.s32 s2, s16  }
0x8e: {  	[smem:$0x3FBB] =	sst s2  }
0x8f: {  	_ = 	snop  }
0x90: {  	(tm) =	ssettm $0x1  }
0x91: {  	s17 =	sld [smem:$0x3FFB];
	_ =	sdelay $0x3  }
0x92: {  	_ =	strace s17  }
0x93: {  	s2 =	sld [smem:$0x3FFC];
	_ =	sdelay $0x3  }
0x94: {  	_ =	strace s2  }
0x95: {  	s2 =	sld [smem:$0x3FFD];
	_ =	sdelay $0x3  }
0x96: {  	_ =	strace s2  }
0x97: {  	_ =	strace $0x8FFFFFFF  }
0x98: {  	s18 =	sld [smem:$0x3FDB];
	_ =	sdelay $0x1  }
0x99: {  	s19 =	simm.s32 $_scs_section_size  }
0x9a: {  	s4 =	simm.s32 $_size__tile_overlayer_lowered;
	s5 =	simm.s32 $_tile_overlayer_lowered  }
0x9b: {  	s22 =	simm.s32 $0x1BFF;
	s21 =	sshll.u32 s5, $0x1;
	s2 =	sadd.s32 s19, s18  }
0x9c: {  	s6 =	simm.s32 $0x0;
	s20 =	sshll.u32 s4, $0x1;
	s4 =	sadd.s32 s21, s2  }
0x9d: {  	[timem:s6], [sflag:s22] =	dma.local [hbm:s4], s20  }
0x9e: {  	_ =	swait.ge [sflag:s22], s20  }
0x9f: {  	s3 =	ssub.s32 $0x0, s20;
	[sflag:s22] =	ssyncset.done $0x0  }
0xa0: {  	[sflag:s22] =	ssyncadd.s32 s3;
	_ =	sdelay $0x1  }
0xa1: {  	s23 =	simm.s32 $0x1B8B  }
0xa2: {  	_ =	swait.ge [sflag:s23], $0x1  }
0xa3: {  	[sflag:s23] =	ssyncset.done $0x0  }
0xa4: {  	s25 =	simm.s32 $0x1B8E;
	s24 =	sld [smem:$0x3FFE];
	[sflag:s23] =	ssyncadd.s32 $0xFFFFFFFF  }
0xa5: {  	s26 =	simm.s32 $execute0_lowered;
	[smem:$0x3FD2] =	sst s25  }
0xa6: {  	s4 =	sshll.u32 s26, $0x1;
	_ =	strace $0x8000004F;
	[dreg:$0x1] =	wrdreg $0xFFFFFFFF  }
0xa7: {  	s28 =	simm.s32 $_size_execute0_lowered;
	s2 =	sadd.s32 s2, s4;
	[dreg:$0x0] =	wrdreg $0x0  }
0xa8: {  	s4 =	sshll.u32 s28, $0x1;
	[dreg:$0x2] =	wrdreg s2  }
0xa9: {  	[dreg:$0x3] =	wrdreg s4  }
0xaa: {  	[dreg:$0x4] =	wrdreg $0xC0  }
0xab: {  	_ =	task [dreg:s6], $0x5FFFF  }
0xac: {  	[dreg:$0x1] =	wrdreg $0xFFFFFFFF  }
0xad: {  	[dreg:$0x0] =	wrdreg $0x60  }
0xae: {  	[dreg:$0x2] =	wrdreg s24  }
0xaf: {  	[dreg:$0x3] =	wrdreg $0xA8000  }
0xb0: {  	[dreg:$0x4] =	wrdreg $0x9  }
0xb1: {  	_ =	task.clear_ibuf [dreg:s6], $0x5FFFF;
	_ =	strace $0x9000004F  }
0xb2: {  	s29 =	simm.s32 $0x9;
	_ =	strace $0x80000051  }
0xb3: {  	_ =	swait.ge [sflag:s29], $0x1  }
0xb4: {  	[sflag:s29] =	ssyncadd.s32 $0xFFFFFFFF  }
0xb5: {  	_ =	strace $0x90000051  }
0xb6: {  	_ =	sfence  }
0xb7: {  	s30 =	sld [smem:$0x0];
	_ =	sdelay $0x2  }
0xb8: {  	s31 =	sshll.u32 s1, $0xD;
	s1 =	sshrl.u32 s1, $0x2  }
0xb9: {  	s3 =	sand.u32 $0x4000, s31;
	s1 =	sadd.s32 s1, s30  }
0xba: {  	s0 =	sor.u32 s3, s0;
	s1 =	sshll.u32 s1, $0x11  }
0xbb: {  	s0 =	sor.u32 s1, s0  }
0xbc: {  	s0 =	sadd.s32 $0x8F2B, s0  }
0xbd: {  	[sflag:s0] =	ssyncadd.remote.s32 $0x1  }
0xbe: {  	_ =	sfence.sel $0xFFFF  }
0xbf: {  	[dreg:$0x0] =	wrdreg $0xFFFFFFFF;
	(pc) =	sbr.abs _section_cstart, $3  }
0xc0: {  	[dreg:$0x1] =	wrdreg $0xFFFFFFFF  }
0xc1: {  	_ =	task.clear_ibuf [dreg:s6], $0x2FFFF;
	_ =	strace $0x9FFFFFFF  }
0xc2: {  	(tm) =	ssettm $0x7FFFFFFF  }
0xc3: {  	_ =	shalt  }
tec
execute0_lowered:
.L_overlay_start_1:
0x0: {  	(tag) =	ssettag $0x1  }
0x1: {  	s5 =	rddreg [dreg:$0x0]  }
0x2: {  	s2 =	rddreg [dreg:$0x1]  }
0x3: {  	s0 =	rddreg [dreg:$0x2];
	s1 =	stileid.u32  }
0x4: {  	s4 =	srdreg.scid;
	s3 =	simm.s32 $0x0;
	s16 =	simm.s32 $0x80  }
0x5: {  	s17 =	simm.s32 $0x2800;
	s18 =	simm.s32 $0x6800;
	s19 =	simm.s32 $0x1  }
0x6: {  	s20 =	simm.s32 $0x2;
	s21 =	simm.s32 $0x2700;
	s22 =	simm.s32 $0x2780  }
0x7: {  	s23 =	simm.s32 $0x0;
	s6 =	smul.u32 $0x2800, s1;
	s7 =	sand.u32 $0x1, s4  }
0x8: {  	[smem:$0x7FF] =	sst s3;
	s4 =	sadd.s32 $0x1A600, s5;
	s9 =	sadd.s32 $0x6600, s5  }
0x9: {  	s10 =	sadd.s32 $0x10600, s5;
	s12 =	sshll.u32 s1, $0x1;
	s13 =	smul.u32 $0x50000, s1  }
0xa: {  	s30 =	sshll.u32 s1, $0x6;
	s8 =	smul.u32 $0x28000, s7;
	_ =	strace $0x80000050  }
0xb: {  	s24 =	ssub.s32 $0x2, s7;
	s26 =	sor.u32 s7, s12;
	s11 =	sadd.s32 s6, s5  }
0xc: {  	s25 =	sshrl.u32 s24, $0x1;
	s29 =	sshrl.u32 s13, $0x2;
	s7 =	smul.u32 $0x2800, s26  }
0xd: {  	s15 =	smul.u32 $0x500, s26;
	s6 =	sadd.s32 s6, s8;
	s28 =	ssub.s32 s24, s25  }
0xe: {  	s13 =	sadd.s32 s29, s2;
	s14 =	sadd.s32 s6, s5;
	s5 =	sadd.s32 $0x6A600, s11  }
0xf: {  	s6 =	sor.u32 $0x1C03, s30;
	s31 =	sshrl.u32 s7, $0x3;
	s7 =	sadd.s32 s9, s15  }
0x10: {  	s8 =	sadd.s32 s10, s15;
	s12 =	smax.u32 s28, $0x1;
	s11 =	sadd.s32 $0x280, s31  }
0x11: {  	s13 =	sshrl.u32 s13, $0x3;
	s15 =	simm.s32 $0x1400;
	s9 =	sadd.s32 s9, s11  }
0x12: {  	s10 =	sadd.s32 s10, s11;
	s11 =	sadd.s32 $0x92600, s14;
	s14 =	simm.s32 $0x3  }
.LBB2_1:
0x13: {  	[spmem:s13], [sflag:s6] =	dma.local [hbm:s5], $0x2800  }
0x14: {  	_ =	swait.ge [sflag:s14], $0x2800  }
0x15: {  	[sflag:s14] =	ssyncset.done $0x0  }
0x16: {  	[sflag:s14] =	ssyncadd.s32 $0xFFFFD800  }
0x17: {  	[bflag:$0x0] =	sbarrier.arrive $0xFFFF  }
0x18: {  	[tilespmem:s3], [sflag:$0x3] =	stream.linear.gather [hbm4b:s7+s3], $0x1400, $0x38;
	[tilespmem:$0x1E800] =	vst v63  }
0x19: {  	_ =	swait.ge [sflag:s14], $0x1400  }
0x1a: {  	[sflag:s14] =	ssyncset.done $0x0  }
0x1b: {  	[sflag:s14] =	ssyncadd.s32 $0xFFFFEC00  }
0x1c: {  	[tilespmem:s15], [sflag:$0x3] =	stream.linear.gather [hbm4b:s8+s3], $0x1400, $0x38;
	[tilespmem:$0x1E800] =	vst v63  }
0x1d: {  	_ =	swait.ge [sflag:s14], $0x1400  }
0x1e: {  	[sflag:s14] =	ssyncset.done $0x0  }
0x1f: {  	[sflag:s14] =	ssyncadd.s32 $0xFFFFEC00  }
0x20: {  	[tilespmem:s17], [sflag:$0x1] =	stream.indirect.gather [hbm4b:s4+s16], $0x80, s3, s16, $0xb8;
	[tilespmem:$0x1E800] =	vst v63  }
0x21: {  	_ = 	snop  }
0x22: {  	[tilespmem:s18], [sflag:$0x2] =	stream.indirect.gather [hbm4b:s4+s16], $0x80, s16, s16, $0xb8;
	[tilespmem:$0x1E800] =	vst v63  }
0x23: {  	_ =	swait.ge [sflag:s19], $0x4000  }
0x24: {  	[sflag:s19] =	ssyncset.done $0x0  }
0x25: {  	s24 =	simm.s32 $0x1400;
	[sflag:s19] =	ssyncadd.s32 $0xFFFFC000  }
0x26: {  	[spmem:s2] =	stream.indirect.scatter.add.f32 [tilespmem:s17], [sflag:$0x3], $0x80, s24, s16, $0xb8;
	[tilespmem:$0x1E800] =	vst v63  }
0x27: {  	_ =	swait.ge [sflag:s14], $0x4000  }
0x28: {  	[sflag:s14] =	ssyncset.done $0x0  }
0x29: {  	s30 =	simm.s32 $0x100;
	[sflag:s14] =	ssyncadd.s32 $0xFFFFC000  }
0x2a: {  	[tilespmem:s17], [sflag:$0x1] =	stream.indirect.gather [hbm4b:s4+s16], $0x80, s30, s16, $0xb8;
	[tilespmem:$0x1E800] =	vst v63  }
0x2b: {  	_ =	swait.ge [sflag:s20], $0x4000  }
0x2c: {  	[sflag:s20] =	ssyncset.done $0x0  }
0x2d: {  	s31 =	simm.s32 $0x1480;
	[sflag:s20] =	ssyncadd.s32 $0xFFFFC000  }
0x2e: {  	[spmem:s2] =	stream.indirect.scatter.add.f32 [tilespmem:s18], [sflag:$0x3], $0x80, s31, s16, $0xb8;
	[tilespmem:$0x1E800] =	vst v63  }
0x2f: {  	_ =	swait.ge [sflag:s14], $0x4000  }
0x30: {  	[sflag:s14] =	ssyncset.done $0x0  }
0x31: {  	s25 =	simm.s32 $0x180;
	s24 =	simm.s32 $0x400;
	[sflag:s14] =	ssyncadd.s32 $0xFFFFC000  }
.LBB2_2:
0x32: {  	[tilespmem:s18], [sflag:$0x2] =	stream.indirect.gather [hbm4b:s4+s16], $0x80, s25, s16, $0xb8;
	[tilespmem:$0x1E800] =	vst v63  }
0x33: {  	s25 =	smov.u32 s24  }
0x34: {  	p0 =	sne.s32 s24, $0x4800;
	s24 =	sadd.s32 $0x400, s24;
	_ =	swait.ge [sflag:s19], $0x4000  }
0x35: {  	s25 =	sshra.s32 s25, $0x2;
	[sflag:s19] =	ssyncset.done $0x0  }
0x36: {  	s26 =	sadd.s32 $0x1400, s25;
	[sflag:s19] =	ssyncadd.s32 $0xFFFFC000  }
0x37: {  	[spmem:s2] =	stream.indirect.scatter.add.f32 [tilespmem:s17], [sflag:$0x3], $0x80, s26, s16, $0xb8;
	[tilespmem:$0x1E800] =	vst v63  }
0x38: {  	_ =	swait.ge [sflag:s14], $0x4000  }
0x39: {  	[sflag:s14] =	ssyncset.done $0x0  }
0x3a: {  	s26 =	sadd.s32 $0x100, s25;
	[sflag:s14] =	ssyncadd.s32 $0xFFFFC000  }
0x3b: {  	[tilespmem:s17], [sflag:$0x1] =	stream.indirect.gather [hbm4b:s4+s16], $0x80, s26, s16, $0xb8;
	[tilespmem:$0x1E800] =	vst v63  }
0x3c: {  	_ =	swait.ge [sflag:s20], $0x4000  }
0x3d: {  	[sflag:s20] =	ssyncset.done $0x0  }
.Ltmp0:
0x3e: {  	s26 =	sadd.s32 $0x1480, s25;
	[sflag:s20] =	ssyncadd.s32 $0xFFFFC000;
	(pc) =	sbr.rel @p0 .LBB2_2-.Ltmp0, $4  }
0x3f: {  	[spmem:s2] =	stream.indirect.scatter.add.f32 [tilespmem:s18], [sflag:$0x3], $0x80, s26, s16, $0xb8;
	[tilespmem:$0x1E800] =	vst v63  }
0x40: {  	_ =	swait.ge [sflag:s14], $0x4000  }
0x41: {  	[sflag:s14] =	ssyncset.done $0x0  }
0x42: {  	s25 =	sadd.s32 $0x180, s25;
	[sflag:s14] =	ssyncadd.s32 $0xFFFFC000  }
0x43: {  	[tilespmem:s18], [sflag:$0x2] =	stream.indirect.gather [hbm4b:s4+s16], $0x80, s25, s16, $0xb8;
	[tilespmem:$0x1E800] =	vst v63  }
0x44: {  	_ =	swait.ge [sflag:s19], $0x4000  }
0x45: {  	[sflag:s19] =	ssyncset.done $0x0  }
0x46: {  	[sflag:s19] =	ssyncadd.s32 $0xFFFFC000  }
0x47: {  	[spmem:s2] =	stream.indirect.scatter.add.f32 [tilespmem:s17], [sflag:$0x3], $0x80, s21, s16, $0xb8;
	[tilespmem:$0x1E800] =	vst v63  }
0x48: {  	_ =	swait.ge [sflag:s14], $0x4000  }
0x49: {  	[sflag:s14] =	ssyncset.done $0x0  }
0x4a: {  	[sflag:s14] =	ssyncadd.s32 $0xFFFFC000  }
0x4b: {  	_ =	swait.ge [sflag:s20], $0x4000  }
0x4c: {  	[sflag:s20] =	ssyncset.done $0x0  }
0x4d: {  	[sflag:s20] =	ssyncadd.s32 $0xFFFFC000  }
0x4e: {  	[spmem:s2] =	stream.indirect.scatter.add.f32 [tilespmem:s18], [sflag:$0x3], $0x80, s22, s16, $0xb8;
	[tilespmem:$0x1E800] =	vst v63  }
0x4f: {  	_ =	swait.ge [sflag:s14], $0x4000  }
0x50: {  	[sflag:s14] =	ssyncset.done $0x0  }
0x51: {  	s24 =	simm.s32 $0x0;
	[sflag:s14] =	ssyncadd.s32 $0xFFFFC000  }
0x52: {  	[tilespmem:s24], [sflag:$0x3] =	stream.linear.gather [hbm4b:s9+s24], $0x1400, $0x38;
	[tilespmem:$0x1E800] =	vst v63  }
0x53: {  	_ =	swait.ge [sflag:s14], $0x1400  }
0x54: {  	[sflag:s14] =	ssyncset.done $0x0  }
0x55: {  	[sflag:s14] =	ssyncadd.s32 $0xFFFFEC00  }
0x56: {  	[tilespmem:s15], [sflag:$0x3] =	stream.linear.gather [hbm4b:s10+s24], $0x1400, $0x38;
	[tilespmem:$0x1E800] =	vst v63  }
0x57: {  	_ =	swait.ge [sflag:s14], $0x1400  }
0x58: {  	[sflag:s14] =	ssyncset.done $0x0  }
0x59: {  	[sflag:s14] =	ssyncadd.s32 $0xFFFFEC00  }
0x5a: {  	[tilespmem:s17], [sflag:$0x1] =	stream.indirect.gather [hbm4b:s4+s16], $0x80, s24, s16, $0xb8;
	[tilespmem:$0x1E800] =	vst v63  }
0x5b: {  	_ = 	snop  }
0x5c: {  	[tilespmem:s18], [sflag:$0x2] =	stream.indirect.gather [hbm4b:s4+s16], $0x80, s16, s16, $0xb8;
	[tilespmem:$0x1E800] =	vst v63  }
0x5d: {  	_ =	swait.ge [sflag:s19], $0x4000  }
0x5e: {  	[sflag:s19] =	ssyncset.done $0x0  }
0x5f: {  	s29 =	simm.s32 $0x1400;
	[sflag:s19] =	ssyncadd.s32 $0xFFFFC000  }
0x60: {  	[spmem:s2] =	stream.indirect.scatter.add.f32 [tilespmem:s17], [sflag:$0x3], $0x80, s29, s16, $0xb8;
	[tilespmem:$0x1E800] =	vst v63  }
0x61: {  	_ =	swait.ge [sflag:s14], $0x4000  }
0x62: {  	[sflag:s14] =	ssyncset.done $0x0  }
0x63: {  	s30 =	simm.s32 $0x100;
	[sflag:s14] =	ssyncadd.s32 $0xFFFFC000  }
0x64: {  	[tilespmem:s17], [sflag:$0x1] =	stream.indirect.gather [hbm4b:s4+s16], $0x80, s30, s16, $0xb8;
	[tilespmem:$0x1E800] =	vst v63  }
0x65: {  	_ =	swait.ge [sflag:s20], $0x4000  }
0x66: {  	[sflag:s20] =	ssyncset.done $0x0  }
0x67: {  	s31 =	simm.s32 $0x1480;
	[sflag:s20] =	ssyncadd.s32 $0xFFFFC000  }
0x68: {  	[spmem:s2] =	stream.indirect.scatter.add.f32 [tilespmem:s18], [sflag:$0x3], $0x80, s31, s16, $0xb8;
	[tilespmem:$0x1E800] =	vst v63  }
0x69: {  	_ =	swait.ge [sflag:s14], $0x4000  }
0x6a: {  	[sflag:s14] =	ssyncset.done $0x0  }
0x6b: {  	s25 =	simm.s32 $0x180;
	s24 =	simm.s32 $0x400;
	[sflag:s14] =	ssyncadd.s32 $0xFFFFC000  }
.LBB2_4:
0x6c: {  	[tilespmem:s18], [sflag:$0x2] =	stream.indirect.gather [hbm4b:s4+s16], $0x80, s25, s16, $0xb8;
	[tilespmem:$0x1E800] =	vst v63  }
0x6d: {  	s25 =	smov.u32 s24  }
0x6e: {  	p0 =	sne.s32 s24, $0x4800;
	s24 =	sadd.s32 $0x400, s24;
	_ =	swait.ge [sflag:s19], $0x4000  }
0x6f: {  	s25 =	sshra.s32 s25, $0x2;
	[sflag:s19] =	ssyncset.done $0x0  }
0x70: {  	s26 =	sadd.s32 $0x1400, s25;
	[sflag:s19] =	ssyncadd.s32 $0xFFFFC000  }
0x71: {  	[spmem:s2] =	stream.indirect.scatter.add.f32 [tilespmem:s17], [sflag:$0x3], $0x80, s26, s16, $0xb8;
	[tilespmem:$0x1E800] =	vst v63  }
0x72: {  	_ =	swait.ge [sflag:s14], $0x4000  }
0x73: {  	[sflag:s14] =	ssyncset.done $0x0  }
0x74: {  	s26 =	sadd.s32 $0x100, s25;
	[sflag:s14] =	ssyncadd.s32 $0xFFFFC000  }
0x75: {  	[tilespmem:s17], [sflag:$0x1] =	stream.indirect.gather [hbm4b:s4+s16], $0x80, s26, s16, $0xb8;
	[tilespmem:$0x1E800] =	vst v63  }
0x76: {  	_ =	swait.ge [sflag:s20], $0x4000  }
0x77: {  	[sflag:s20] =	ssyncset.done $0x0  }
.Ltmp1:
0x78: {  	s26 =	sadd.s32 $0x1480, s25;
	[sflag:s20] =	ssyncadd.s32 $0xFFFFC000;
	(pc) =	sbr.rel @p0 .LBB2_4-.Ltmp1, $4  }
0x79: {  	[spmem:s2] =	stream.indirect.scatter.add.f32 [tilespmem:s18], [sflag:$0x3], $0x80, s26, s16, $0xb8;
	[tilespmem:$0x1E800] =	vst v63  }
0x7a: {  	_ =	swait.ge [sflag:s14], $0x4000  }
0x7b: {  	[sflag:s14] =	ssyncset.done $0x0  }
0x7c: {  	s25 =	sadd.s32 $0x180, s25;
	[sflag:s14] =	ssyncadd.s32 $0xFFFFC000  }
0x7d: {  	[tilespmem:s18], [sflag:$0x2] =	stream.indirect.gather [hbm4b:s4+s16], $0x80, s25, s16, $0xb8;
	[tilespmem:$0x1E800] =	vst v63  }
0x7e: {  	_ =	swait.ge [sflag:s19], $0x4000  }
0x7f: {  	[sflag:s19] =	ssyncset.done $0x0  }
0x80: {  	[sflag:s19] =	ssyncadd.s32 $0xFFFFC000  }
0x81: {  	[spmem:s2] =	stream.indirect.scatter.add.f32 [tilespmem:s17], [sflag:$0x3], $0x80, s21, s16, $0xb8;
	[tilespmem:$0x1E800] =	vst v63  }
0x82: {  	_ =	swait.ge [sflag:s14], $0x4000  }
0x83: {  	[sflag:s14] =	ssyncset.done $0x0  }
0x84: {  	[sflag:s14] =	ssyncadd.s32 $0xFFFFC000  }
0x85: {  	_ =	swait.ge [sflag:s20], $0x4000  }
0x86: {  	[sflag:s20] =	ssyncset.done $0x0  }
0x87: {  	[sflag:s20] =	ssyncadd.s32 $0xFFFFC000  }
0x88: {  	[spmem:s2] =	stream.indirect.scatter.add.f32 [tilespmem:s18], [sflag:$0x3], $0x80, s22, s16, $0xb8;
	[tilespmem:$0x1E800] =	vst v63  }
0x89: {  	_ =	swait.ge [sflag:s14], $0x4000  }
0x8a: {  	s23 =	sadd.s32 $0x1, s23;
	[sflag:s14] =	ssyncset.done $0x0  }
0x8b: {  	p0 =	sne.s32 s23, s12;
	[sflag:s14] =	ssyncadd.s32 $0xFFFFC000  }
.Ltmp2:
0x8c: {  	[bflag:$0x0] =	sbarrier.arrive $0xFFFF;
	(pc) =	sbr.rel @p0 .LBB2_1-.Ltmp2, $4  }
0x8d: {  	[hbm:s11], [sflag:s6] =	dma.local [spmem:s13], $0x2800  }
0x8e: {  	_ =	swait.ge [sflag:s14], $0x2800  }
0x8f: {  	[sflag:s14] =	ssyncset.done $0x0  }
0x90: {  	[sflag:s14] =	ssyncadd.s32 $0xFFFFD800  }
0x91: {  	_ =	sfence.sel $0x180000  }
0x92: {  	[bflag:$0x0] =	sbarrier.arrive $0xFFFF  }
0x93: {  	p0 =	sne.s32 s1, $0x0;
	_ =	strace $0x90000050  }
0x94: {  	s0 =	sadd.s32 @!p0 $0x100000, s0;
	[bflag:$0x2] =	sbarrier.arrive $0xFFFF  }
0x95: {  	[sflag:s0] =	ssyncadd.tile.s32 @!p0 $0x1;
	_ =	shalt  }
.Lfunc_end2:
_tile_overlayer_lowered:
.L_overlay_start_2:
0x96: {  	(tag) =	ssettag $0x2  }
0x97: {  	s0 =	rddreg [dreg:$0x0];
	s2 =	stileid.u32  }
0x98: {  	s1 =	rddreg [dreg:$0x1];
	p0 =	sne.s32 s2, $0x0  }
0x99: {  	s3 =	rddreg [dreg:$0x2];
	[bflag:$0x3] =	sbarrier.arrive $0xFFFF;
	s2 =	simm.s32 @!p0 $0x1C03  }
0x9a: {  	[timem:s3], [sflag:s2] =	dma.local @!p0 [hbm:s0], s1  }
0x9b: {  	s0 =	simm.s32 @!p0 $0x3  }
0x9c: {  	_ =	swait.ge @!p0 [sflag:s0], s1  }
0x9d: {  	s1 =	ssub.s32 @!p0 $0x0, s1;
	[sflag:s0] =	ssyncset.done @!p0 $0x0  }
0x9e: {  	[sflag:s0] =	ssyncadd.s32 @!p0 s1  }
0x9f: {  	[bflag:$0x3] =	sbarrier.arrive $0xFFFF  }
0xa0: {  	_ =	shalt  }

// kernel: kernel.25.cloned.1.call-start
scs
__scs_entry_jumppad:
0x0: {  	(pc) =	sbr.rel $0x88, $3  }
0x1: {  	(tag) =	ssettag $0x0;
	lr =	simm.s32 $0x1  }
0x2: {  	[smem:$0x3F94] =	sst lr;
	_ =	strace $0xD0000000  }
0x3: {  	_ = 	snop  }
0x4: {  	_ = 	snop  }
0x5: {  	_ = 	snop  }
0x6: {  	_ = 	snop  }
0x7: {  	_ = 	snop  }
__scs_overlays_trampoline_lowered:
0x8: {  	[smem:$0x3FA3] =	sst s0  }
0x9: {  	[smem:$0x3FA4] =	sst s1  }
0xa: {  	[smem:$0x3FA5] =	sst s2  }
0xb: {  	[smem:$0x3FA6] =	sst s3  }
0xc: {  	[smem:$0x3FA7] =	sst s4  }
0xd: {  	[smem:$0x3FA8] =	sst s5  }
0xe: {  	[smem:$0x3FA9] =	sst s6  }
0xf: {  	[smem:$0x3FAA] =	sst s7  }
0x10: {  	[smem:$0x3FAB] =	sst s8  }
0x11: {  	[smem:$0x3FAC] =	sst s9;
	s0 =	simm.s32 @!p0 $0x0  }
0x12: {  	s1 =	sld [smem:$0x3F92];
	s0 =	simm.s32 @p0 $0x1  }
0x13: {  	[smem:$0x3FAD] =	sst s0;
	s0 =	simm.s32 @!p1 $0x0  }
0x14: {  	s2 =	sld [smem:$0x3F91];
	s0 =	simm.s32 @p1 $0x1  }
0x15: {  	[smem:$0x3FAE] =	sst s0;
	s0 =	simm.s32 @!p2 $0x0  }
0x16: {  	s3 =	sld [smem:$0x3FDB];
	s0 =	simm.s32 @p2 $0x1  }
0x17: {  	s4 =	simm.s32 $0x1BF5;
	[smem:$0x3FB0] =	sst s0  }
0x18: {  	s0 =	sld [smem:$0x3F93];
	_ =	swait.ge [sflag:s4], $0x0  }
0x19: {  	s7 =	sld [smem:$0x3F94]  }
0x1a: {  	s8 =	sadd.s32 $0xFFFFE003, lr  }
0x1b: {  	s9 =	sadd.s32 $0xFFFFFEF7, lr;
	s5 =	simm.s32 $0xFFFFFFFF;
	p2 =	slt.u32 s8, $0xFFFFF086  }
0x1c: {  	p1 =	slt.u32 s9, $0xF7A;
	s5 =	simm.s32 @!p2 $0x0  }
0x1d: {  	s5 =	simm.s32 @p1 $0x1;
	p0 =	seq.s32 s7, s2  }
0x1e: {  	s7 =	smul.u32 @!p0 $0xF7A, s2;
	p2 =	seq.s32 @!p0 s5, $0x0  }
0x1f: {  	s9 =	smul.u32 $0xF7A, s1;
	s8 =	simm.s32 @!p0 $0x1BF5;
	p2 =	por !p2, p0  }
0x20: {  	[sflag:s8] =	ssyncset.s32 @!p0 $0xFFFFF086;
	s6 =	sadd.s32 @!p0 s3, s7;
	s7 =	simm.s32 @!p0 $0x108  }
0x21: {  	s3 =	sadd.s32 s3, s9;
	s6 =	sadd.s32 @!p0 $0x88, s6;
	s7 =	simm.s32 @p2 $0x1082  }
0x22: {  	[simem:s7], [sflag:s8] =	dma.local @!p0 [hbm:s6], $0xF7A  }
0x23: {  	s9 =	sor.u32 $0xD0000000, s2;
	s6 =	simm.s32 $0x108;
	_ =	swait.ge @!p0 [sflag:s8], $0x0  }
0x24: {  	s3 =	sadd.s32 $0x88, s3;
	s6 =	simm.s32 @!p1 $0x1082;
	[sflag:s4] =	ssyncset.s32 $0xFFFFF086  }
0x25: {  	[simem:s6], [sflag:s4] =	dma.local [hbm:s3], $0xF7A  }
0x26: {  	[smem:$0x3F94] =	sst s1;
	(tag) =	ssettag s2;
	_ =	strace s9  }
0x27: {  	s1 =	sld [smem:$0x3FA4]  }
0x28: {  	s2 =	sld [smem:$0x3FA5]  }
0x29: {  	s4 =	sld [smem:$0x3FA7]  }
0x2a: {  	p0 =	seq.s32 s5, $0x0;
	s5 =	sld [smem:$0x3FA8]  }
0x2b: {  	s6 =	sld [smem:$0x3FA9]  }
0x2c: {  	s7 =	sld [smem:$0x3FAA]  }
0x2d: {  	s3 =	simm.s32 $0x108;
	s8 =	sld [smem:$0x3FAB]  }
0x2e: {  	s3 =	simm.s32 @!p0 $0x1082;
	s9 =	sld [smem:$0x3FAC]  }
0x2f: {  	lr =	sadd.s32 s0, s3;
	s0 =	sld [smem:$0x3FA3]  }
0x30: {  	s3 =	sld [smem:$0x3FA6]  }
0x31: {  	[smem:$0x3FAF] =	sst s10  }
0x32: {  	s10 =	sld [smem:$0x3FAD];
	_ =	sdelay $0x3  }
0x33: {  	p0 =	seq.s32 s10, $0x1;
	s10 =	sld [smem:$0x3FAF];
	_ =	sdelay $0x3  }
0x34: {  	[smem:$0x3FAF] =	sst s10  }
0x35: {  	s10 =	sld [smem:$0x3FAE];
	_ =	sdelay $0x3  }
0x36: {  	p1 =	seq.s32 s10, $0x1;
	s10 =	sld [smem:$0x3FAF];
	_ =	sdelay $0x3  }
0x37: {  	[smem:$0x3FAF] =	sst s10  }
0x38: {  	s10 =	sld [smem:$0x3FB0]  }
0x39: {  	_ = 	snop;
	(pc) =	sbr.ind lr, $3  }
0x3a: {  	_ = 	snop  }
0x3b: {  	_ = 	snop  }
0x3c: {  	p2 =	seq.s32 s10, $0x1;
	s10 =	sld [smem:$0x3FAF]  }
0x3d: {  	_ =	shalt  }
0x3e: {  	_ =	shalt  }
0x3f: {  	_ =	shalt  }
0x40: {  	_ =	shalt  }
0x41: {  	_ =	shalt  }
0x42: {  	_ =	shalt  }
0x43: {  	_ =	shalt  }
0x44: {  	_ =	shalt  }
0x45: {  	_ =	shalt  }
0x46: {  	_ =	shalt  }
0x47: {  	_ =	shalt  }
0x48: {  	_ =	shalt  }
0x49: {  	_ =	shalt  }
0x4a: {  	_ =	shalt  }
0x4b: {  	_ =	shalt  }
0x4c: {  	_ =	shalt  }
0x4d: {  	_ =	shalt  }
0x4e: {  	_ =	shalt  }
0x4f: {  	_ =	shalt  }
0x50: {  	_ =	shalt  }
0x51: {  	_ =	shalt  }
0x52: {  	_ =	shalt  }
0x53: {  	_ =	shalt  }
0x54: {  	_ =	shalt  }
0x55: {  	_ =	shalt  }
0x56: {  	_ =	shalt  }
0x57: {  	_ =	shalt  }
0x58: {  	_ =	shalt  }
0x59: {  	_ =	shalt  }
0x5a: {  	_ =	shalt  }
0x5b: {  	_ =	shalt  }
0x5c: {  	_ =	shalt  }
0x5d: {  	_ =	shalt  }
0x5e: {  	_ =	shalt  }
0x5f: {  	_ =	shalt  }
0x60: {  	_ =	shalt  }
0x61: {  	_ =	shalt  }
0x62: {  	_ =	shalt  }
0x63: {  	_ =	shalt  }
0x64: {  	_ =	shalt  }
0x65: {  	_ =	shalt  }
0x66: {  	_ =	shalt  }
0x67: {  	_ =	shalt  }
0x68: {  	_ =	shalt  }
0x69: {  	_ =	shalt  }
0x6a: {  	_ =	shalt  }
0x6b: {  	_ =	shalt  }
0x6c: {  	_ =	shalt  }
0x6d: {  	_ =	shalt  }
0x6e: {  	_ =	shalt  }
0x6f: {  	_ =	shalt  }
0x70: {  	_ =	shalt  }
0x71: {  	_ =	shalt  }
0x72: {  	_ =	shalt  }
0x73: {  	_ =	shalt  }
0x74: {  	_ =	shalt  }
0x75: {  	_ =	shalt  }
0x76: {  	_ =	shalt  }
0x77: {  	_ =	shalt  }
0x78: {  	_ =	shalt  }
0x79: {  	_ =	shalt  }
0x7a: {  	_ =	shalt  }
0x7b: {  	_ =	shalt  }
0x7c: {  	_ =	shalt  }
0x7d: {  	_ =	shalt  }
0x7e: {  	_ =	shalt  }
0x7f: {  	_ =	shalt  }
0x80: {  	_ =	shalt  }
0x81: {  	_ =	shalt  }
0x82: {  	_ =	shalt  }
0x83: {  	_ =	shalt  }
0x84: {  	_ =	shalt  }
0x85: {  	_ =	shalt  }
0x86: {  	_ =	shalt  }
0x87: {  	_ =	shalt  }
.Lfunc_end0:
.L_simem_size_0:
called_computation.4_lowered:
.L_overlay_start_0:
0x88: {  	s2 =	sld [smem:$0x3FD9]  }
0x89: {  	s3 =	sld [smem:$0x3FFE];
	_ =	sdelay $0x1  }
0x8a: {  	s1 =	srdreg.scid  }
0x8b: {  	s0 =	sand.u32 $0x1, s1  }
0x8c: {  	s16 =	sshll.u32 s0, $0xA;
	s2 =	sadd.s32 s3, s2  }
0x8d: {  	s2 =	sadd.s32 s2, s16  }
0x8e: {  	[smem:$0x3FBB] =	sst s2  }
0x8f: {  	_ = 	snop  }
0x90: {  	(tm) =	ssettm $0x1  }
0x91: {  	s17 =	sld [smem:$0x3FFB];
	_ =	sdelay $0x3  }
0x92: {  	_ =	strace s17  }
0x93: {  	s2 =	sld [smem:$0x3FFC];
	_ =	sdelay $0x3  }
0x94: {  	_ =	strace s2  }
0x95: {  	s2 =	sld [smem:$0x3FFD];
	_ =	sdelay $0x3  }
0x96: {  	_ =	strace s2  }
0x97: {  	_ =	strace $0x8FFFFFFF  }
0x98: {  	s18 =	sld [smem:$0x3FDB];
	_ =	sdelay $0x1  }
0x99: {  	s19 =	simm.s32 $_scs_section_size  }
0x9a: {  	s4 =	simm.s32 $_size__tile_overlayer_lowered;
	s5 =	simm.s32 $_tile_overlayer_lowered  }
0x9b: {  	s22 =	simm.s32 $0x1BFF;
	s21 =	sshll.u32 s5, $0x1;
	s2 =	sadd.s32 s19, s18  }
0x9c: {  	s6 =	simm.s32 $0x0;
	s20 =	sshll.u32 s4, $0x1;
	s4 =	sadd.s32 s21, s2  }
0x9d: {  	[timem:s6], [sflag:s22] =	dma.local [hbm:s4], s20  }
0x9e: {  	_ =	swait.ge [sflag:s22], s20  }
0x9f: {  	s3 =	ssub.s32 $0x0, s20;
	[sflag:s22] =	ssyncset.done $0x0  }
0xa0: {  	[sflag:s22] =	ssyncadd.s32 s3;
	_ =	sdelay $0x1  }
0xa1: {  	s23 =	simm.s32 $0x1B8B  }
0xa2: {  	_ =	swait.ge [sflag:s23], $0x1  }
0xa3: {  	[sflag:s23] =	ssyncset.done $0x0  }
0xa4: {  	s25 =	simm.s32 $0x1B8E;
	s24 =	sld [smem:$0x3FFE];
	[sflag:s23] =	ssyncadd.s32 $0xFFFFFFFF  }
0xa5: {  	s26 =	simm.s32 $execute0_lowered;
	[smem:$0x3FD2] =	sst s25  }
0xa6: {  	s4 =	sshll.u32 s26, $0x1;
	_ =	strace $0x80000052;
	[dreg:$0x1] =	wrdreg $0xFFFFFFFF  }
0xa7: {  	s28 =	simm.s32 $_size_execute0_lowered;
	s2 =	sadd.s32 s2, s4;
	[dreg:$0x0] =	wrdreg $0x0  }
0xa8: {  	s4 =	sshll.u32 s28, $0x1;
	[dreg:$0x2] =	wrdreg s2  }
0xa9: {  	[dreg:$0x3] =	wrdreg s4  }
0xaa: {  	[dreg:$0x4] =	wrdreg $0xC0  }
0xab: {  	_ =	task [dreg:s6], $0x5FFFF  }
0xac: {  	[dreg:$0x1] =	wrdreg $0xFFFFFFFF  }
0xad: {  	[dreg:$0x0] =	wrdreg $0x60  }
0xae: {  	[dreg:$0x2] =	wrdreg s24  }
0xaf: {  	[dreg:$0x3] =	wrdreg $0xA8000  }
0xb0: {  	[dreg:$0x4] =	wrdreg $0x9  }
0xb1: {  	_ =	task.clear_ibuf [dreg:s6], $0x5FFFF;
	_ =	strace $0x90000052  }
0xb2: {  	s29 =	simm.s32 $0x9;
	_ =	strace $0x80000054  }
0xb3: {  	_ =	swait.ge [sflag:s29], $0x1  }
0xb4: {  	[sflag:s29] =	ssyncadd.s32 $0xFFFFFFFF  }
0xb5: {  	_ =	strace $0x90000054  }
0xb6: {  	_ =	sfence  }
0xb7: {  	s30 =	sld [smem:$0x0];
	_ =	sdelay $0x2  }
0xb8: {  	s31 =	sshll.u32 s1, $0xD;
	s1 =	sshrl.u32 s1, $0x2  }
0xb9: {  	s3 =	sand.u32 $0x4000, s31;
	s1 =	sadd.s32 s1, s30  }
0xba: {  	s0 =	sor.u32 s3, s0;
	s1 =	sshll.u32 s1, $0x11  }
0xbb: {  	s0 =	sor.u32 s1, s0  }
0xbc: {  	s0 =	sadd.s32 $0x8F2B, s0  }
0xbd: {  	[sflag:s0] =	ssyncadd.remote.s32 $0x1  }
0xbe: {  	_ =	sfence.sel $0xFFFF  }
0xbf: {  	[dreg:$0x0] =	wrdreg $0xFFFFFFFF;
	(pc) =	sbr.abs _section_cstart, $3  }
0xc0: {  	[dreg:$0x1] =	wrdreg $0xFFFFFFFF  }
0xc1: {  	_ =	task.clear_ibuf [dreg:s6], $0x2FFFF;
	_ =	strace $0x9FFFFFFF  }
0xc2: {  	(tm) =	ssettm $0x7FFFFFFF  }
0xc3: {  	_ =	shalt  }
tec
execute0_lowered:
.L_overlay_start_1:
0x0: {  	(tag) =	ssettag $0x1  }
0x1: {  	s5 =	rddreg [dreg:$0x0]  }
0x2: {  	s2 =	rddreg [dreg:$0x1]  }
0x3: {  	s0 =	rddreg [dreg:$0x2];
	s1 =	stileid.u32  }
0x4: {  	s4 =	srdreg.scid;
	s3 =	simm.s32 $0x0;
	s16 =	simm.s32 $0x80  }
0x5: {  	s17 =	simm.s32 $0x2800;
	s18 =	simm.s32 $0x6800;
	s19 =	simm.s32 $0x1  }
0x6: {  	s20 =	simm.s32 $0x2;
	s21 =	simm.s32 $0x2700;
	s22 =	simm.s32 $0x2780  }
0x7: {  	s23 =	simm.s32 $0x0;
	s6 =	smul.u32 $0x2800, s1;
	s7 =	sand.u32 $0x1, s4  }
0x8: {  	[smem:$0x7FF] =	sst s3;
	s4 =	sadd.s32 $0x1A600, s5;
	s9 =	sadd.s32 $0x6600, s5  }
0x9: {  	s10 =	sadd.s32 $0x10600, s5;
	s12 =	sshll.u32 s1, $0x1;
	s13 =	smul.u32 $0x50000, s1  }
0xa: {  	s30 =	sshll.u32 s1, $0x6;
	s8 =	smul.u32 $0x28000, s7;
	_ =	strace $0x80000053  }
0xb: {  	s24 =	ssub.s32 $0x2, s7;
	s26 =	sor.u32 s7, s12;
	s11 =	sadd.s32 s6, s5  }
0xc: {  	s25 =	sshrl.u32 s24, $0x1;
	s29 =	sshrl.u32 s13, $0x2;
	s7 =	smul.u32 $0x2800, s26  }
0xd: {  	s15 =	smul.u32 $0x500, s26;
	s6 =	sadd.s32 s6, s8;
	s28 =	ssub.s32 s24, s25  }
0xe: {  	s13 =	sadd.s32 s29, s2;
	s14 =	sadd.s32 s6, s5;
	s5 =	sadd.s32 $0x6A600, s11  }
0xf: {  	s6 =	sor.u32 $0x1C03, s30;
	s31 =	sshrl.u32 s7, $0x3;
	s7 =	sadd.s32 s9, s15  }
0x10: {  	s8 =	sadd.s32 s10, s15;
	s12 =	smax.u32 s28, $0x1;
	s11 =	sadd.s32 $0x280, s31  }
0x11: {  	s13 =	sshrl.u32 s13, $0x3;
	s15 =	simm.s32 $0x1400;
	s9 =	sadd.s32 s9, s11  }
0x12: {  	s10 =	sadd.s32 s10, s11;
	s11 =	sadd.s32 $0x92600, s14;
	s14 =	simm.s32 $0x3  }
.LBB2_1:
0x13: {  	[spmem:s13], [sflag:s6] =	dma.local [hbm:s5], $0x2800  }
0x14: {  	_ =	swait.ge [sflag:s14], $0x2800  }
0x15: {  	[sflag:s14] =	ssyncset.done $0x0  }
0x16: {  	[sflag:s14] =	ssyncadd.s32 $0xFFFFD800  }
0x17: {  	[bflag:$0x0] =	sbarrier.arrive $0xFFFF  }
0x18: {  	[tilespmem:s3], [sflag:$0x3] =	stream.linear.gather [hbm4b:s7+s3], $0x1400, $0x38;
	[tilespmem:$0x1E800] =	vst v63  }
0x19: {  	_ =	swait.ge [sflag:s14], $0x1400  }
0x1a: {  	[sflag:s14] =	ssyncset.done $0x0  }
0x1b: {  	[sflag:s14] =	ssyncadd.s32 $0xFFFFEC00  }
0x1c: {  	[tilespmem:s15], [sflag:$0x3] =	stream.linear.gather [hbm4b:s8+s3], $0x1400, $0x38;
	[tilespmem:$0x1E800] =	vst v63  }
0x1d: {  	_ =	swait.ge [sflag:s14], $0x1400  }
0x1e: {  	[sflag:s14] =	ssyncset.done $0x0  }
0x1f: {  	[sflag:s14] =	ssyncadd.s32 $0xFFFFEC00  }
0x20: {  	[tilespmem:s17], [sflag:$0x1] =	stream.indirect.gather [hbm4b:s4+s16], $0x80, s3, s16, $0xb8;
	[tilespmem:$0x1E800] =	vst v63  }
0x21: {  	_ = 	snop  }
0x22: {  	[tilespmem:s18], [sflag:$0x2] =	stream.indirect.gather [hbm4b:s4+s16], $0x80, s16, s16, $0xb8;
	[tilespmem:$0x1E800] =	vst v63  }
0x23: {  	_ =	swait.ge [sflag:s19], $0x4000  }
0x24: {  	[sflag:s19] =	ssyncset.done $0x0  }
0x25: {  	s24 =	simm.s32 $0x1400;
	[sflag:s19] =	ssyncadd.s32 $0xFFFFC000  }
0x26: {  	[spmem:s2] =	stream.indirect.scatter.add.f32 [tilespmem:s17], [sflag:$0x3], $0x80, s24, s16, $0xb8;
	[tilespmem:$0x1E800] =	vst v63  }
0x27: {  	_ =	swait.ge [sflag:s14], $0x4000  }
0x28: {  	[sflag:s14] =	ssyncset.done $0x0  }
0x29: {  	s30 =	simm.s32 $0x100;
	[sflag:s14] =	ssyncadd.s32 $0xFFFFC000  }
0x2a: {  	[tilespmem:s17], [sflag:$0x1] =	stream.indirect.gather [hbm4b:s4+s16], $0x80, s30, s16, $0xb8;
	[tilespmem:$0x1E800] =	vst v63  }
0x2b: {  	_ =	swait.ge [sflag:s20], $0x4000  }
0x2c: {  	[sflag:s20] =	ssyncset.done $0x0  }
0x2d: {  	s31 =	simm.s32 $0x1480;
	[sflag:s20] =	ssyncadd.s32 $0xFFFFC000  }
0x2e: {  	[spmem:s2] =	stream.indirect.scatter.add.f32 [tilespmem:s18], [sflag:$0x3], $0x80, s31, s16, $0xb8;
	[tilespmem:$0x1E800] =	vst v63  }
0x2f: {  	_ =	swait.ge [sflag:s14], $0x4000  }
0x30: {  	[sflag:s14] =	ssyncset.done $0x0  }
0x31: {  	s25 =	simm.s32 $0x180;
	s24 =	simm.s32 $0x400;
	[sflag:s14] =	ssyncadd.s32 $0xFFFFC000  }
.LBB2_2:
0x32: {  	[tilespmem:s18], [sflag:$0x2] =	stream.indirect.gather [hbm4b:s4+s16], $0x80, s25, s16, $0xb8;
	[tilespmem:$0x1E800] =	vst v63  }
0x33: {  	s25 =	smov.u32 s24  }
0x34: {  	p0 =	sne.s32 s24, $0x4800;
	s24 =	sadd.s32 $0x400, s24;
	_ =	swait.ge [sflag:s19], $0x4000  }
0x35: {  	s25 =	sshra.s32 s25, $0x2;
	[sflag:s19] =	ssyncset.done $0x0  }
0x36: {  	s26 =	sadd.s32 $0x1400, s25;
	[sflag:s19] =	ssyncadd.s32 $0xFFFFC000  }
0x37: {  	[spmem:s2] =	stream.indirect.scatter.add.f32 [tilespmem:s17], [sflag:$0x3], $0x80, s26, s16, $0xb8;
	[tilespmem:$0x1E800] =	vst v63  }
0x38: {  	_ =	swait.ge [sflag:s14], $0x4000  }
0x39: {  	[sflag:s14] =	ssyncset.done $0x0  }
0x3a: {  	s26 =	sadd.s32 $0x100, s25;
	[sflag:s14] =	ssyncadd.s32 $0xFFFFC000  }
0x3b: {  	[tilespmem:s17], [sflag:$0x1] =	stream.indirect.gather [hbm4b:s4+s16], $0x80, s26, s16, $0xb8;
	[tilespmem:$0x1E800] =	vst v63  }
0x3c: {  	_ =	swait.ge [sflag:s20], $0x4000  }
0x3d: {  	[sflag:s20] =	ssyncset.done $0x0  }
.Ltmp0:
0x3e: {  	s26 =	sadd.s32 $0x1480, s25;
	[sflag:s20] =	ssyncadd.s32 $0xFFFFC000;
	(pc) =	sbr.rel @p0 .LBB2_2-.Ltmp0, $4  }
0x3f: {  	[spmem:s2] =	stream.indirect.scatter.add.f32 [tilespmem:s18], [sflag:$0x3], $0x80, s26, s16, $0xb8;
	[tilespmem:$0x1E800] =	vst v63  }
0x40: {  	_ =	swait.ge [sflag:s14], $0x4000  }
0x41: {  	[sflag:s14] =	ssyncset.done $0x0  }
0x42: {  	s25 =	sadd.s32 $0x180, s25;
	[sflag:s14] =	ssyncadd.s32 $0xFFFFC000  }
0x43: {  	[tilespmem:s18], [sflag:$0x2] =	stream.indirect.gather [hbm4b:s4+s16], $0x80, s25, s16, $0xb8;
	[tilespmem:$0x1E800] =	vst v63  }
0x44: {  	_ =	swait.ge [sflag:s19], $0x4000  }
0x45: {  	[sflag:s19] =	ssyncset.done $0x0  }
0x46: {  	[sflag:s19] =	ssyncadd.s32 $0xFFFFC000  }
0x47: {  	[spmem:s2] =	stream.indirect.scatter.add.f32 [tilespmem:s17], [sflag:$0x3], $0x80, s21, s16, $0xb8;
	[tilespmem:$0x1E800] =	vst v63  }
0x48: {  	_ =	swait.ge [sflag:s14], $0x4000  }
0x49: {  	[sflag:s14] =	ssyncset.done $0x0  }
0x4a: {  	[sflag:s14] =	ssyncadd.s32 $0xFFFFC000  }
0x4b: {  	_ =	swait.ge [sflag:s20], $0x4000  }
0x4c: {  	[sflag:s20] =	ssyncset.done $0x0  }
0x4d: {  	[sflag:s20] =	ssyncadd.s32 $0xFFFFC000  }
0x4e: {  	[spmem:s2] =	stream.indirect.scatter.add.f32 [tilespmem:s18], [sflag:$0x3], $0x80, s22, s16, $0xb8;
	[tilespmem:$0x1E800] =	vst v63  }
0x4f: {  	_ =	swait.ge [sflag:s14], $0x4000  }
0x50: {  	[sflag:s14] =	ssyncset.done $0x0  }
0x51: {  	s24 =	simm.s32 $0x0;
	[sflag:s14] =	ssyncadd.s32 $0xFFFFC000  }
0x52: {  	[tilespmem:s24], [sflag:$0x3] =	stream.linear.gather [hbm4b:s9+s24], $0x1400, $0x38;
	[tilespmem:$0x1E800] =	vst v63  }
0x53: {  	_ =	swait.ge [sflag:s14], $0x1400  }
0x54: {  	[sflag:s14] =	ssyncset.done $0x0  }
0x55: {  	[sflag:s14] =	ssyncadd.s32 $0xFFFFEC00  }
0x56: {  	[tilespmem:s15], [sflag:$0x3] =	stream.linear.gather [hbm4b:s10+s24], $0x1400, $0x38;
	[tilespmem:$0x1E800] =	vst v63  }
0x57: {  	_ =	swait.ge [sflag:s14], $0x1400  }
0x58: {  	[sflag:s14] =	ssyncset.done $0x0  }
0x59: {  	[sflag:s14] =	ssyncadd.s32 $0xFFFFEC00  }
0x5a: {  	[tilespmem:s17], [sflag:$0x1] =	stream.indirect.gather [hbm4b:s4+s16], $0x80, s24, s16, $0xb8;
	[tilespmem:$0x1E800] =	vst v63  }
0x5b: {  	_ = 	snop  }
0x5c: {  	[tilespmem:s18], [sflag:$0x2] =	stream.indirect.gather [hbm4b:s4+s16], $0x80, s16, s16, $0xb8;
	[tilespmem:$0x1E800] =	vst v63  }
0x5d: {  	_ =	swait.ge [sflag:s19], $0x4000  }
0x5e: {  	[sflag:s19] =	ssyncset.done $0x0  }
0x5f: {  	s29 =	simm.s32 $0x1400;
	[sflag:s19] =	ssyncadd.s32 $0xFFFFC000  }
0x60: {  	[spmem:s2] =	stream.indirect.scatter.add.f32 [tilespmem:s17], [sflag:$0x3], $0x80, s29, s16, $0xb8;
	[tilespmem:$0x1E800] =	vst v63  }
0x61: {  	_ =	swait.ge [sflag:s14], $0x4000  }
0x62: {  	[sflag:s14] =	ssyncset.done $0x0  }
0x63: {  	s30 =	simm.s32 $0x100;
	[sflag:s14] =	ssyncadd.s32 $0xFFFFC000  }
0x64: {  	[tilespmem:s17], [sflag:$0x1] =	stream.indirect.gather [hbm4b:s4+s16], $0x80, s30, s16, $0xb8;
	[tilespmem:$0x1E800] =	vst v63  }
0x65: {  	_ =	swait.ge [sflag:s20], $0x4000  }
0x66: {  	[sflag:s20] =	ssyncset.done $0x0  }
0x67: {  	s31 =	simm.s32 $0x1480;
	[sflag:s20] =	ssyncadd.s32 $0xFFFFC000  }
0x68: {  	[spmem:s2] =	stream.indirect.scatter.add.f32 [tilespmem:s18], [sflag:$0x3], $0x80, s31, s16, $0xb8;
	[tilespmem:$0x1E800] =	vst v63  }
0x69: {  	_ =	swait.ge [sflag:s14], $0x4000  }
0x6a: {  	[sflag:s14] =	ssyncset.done $0x0  }
0x6b: {  	s25 =	simm.s32 $0x180;
	s24 =	simm.s32 $0x400;
	[sflag:s14] =	ssyncadd.s32 $0xFFFFC000  }
.LBB2_4:
0x6c: {  	[tilespmem:s18], [sflag:$0x2] =	stream.indirect.gather [hbm4b:s4+s16], $0x80, s25, s16, $0xb8;
	[tilespmem:$0x1E800] =	vst v63  }
0x6d: {  	s25 =	smov.u32 s24  }
0x6e: {  	p0 =	sne.s32 s24, $0x4800;
	s24 =	sadd.s32 $0x400, s24;
	_ =	swait.ge [sflag:s19], $0x4000  }
0x6f: {  	s25 =	sshra.s32 s25, $0x2;
	[sflag:s19] =	ssyncset.done $0x0  }
0x70: {  	s26 =	sadd.s32 $0x1400, s25;
	[sflag:s19] =	ssyncadd.s32 $0xFFFFC000  }
0x71: {  	[spmem:s2] =	stream.indirect.scatter.add.f32 [tilespmem:s17], [sflag:$0x3], $0x80, s26, s16, $0xb8;
	[tilespmem:$0x1E800] =	vst v63  }
0x72: {  	_ =	swait.ge [sflag:s14], $0x4000  }
0x73: {  	[sflag:s14] =	ssyncset.done $0x0  }
0x74: {  	s26 =	sadd.s32 $0x100, s25;
	[sflag:s14] =	ssyncadd.s32 $0xFFFFC000  }
0x75: {  	[tilespmem:s17], [sflag:$0x1] =	stream.indirect.gather [hbm4b:s4+s16], $0x80, s26, s16, $0xb8;
	[tilespmem:$0x1E800] =	vst v63  }
0x76: {  	_ =	swait.ge [sflag:s20], $0x4000  }
0x77: {  	[sflag:s20] =	ssyncset.done $0x0  }
.Ltmp1:
0x78: {  	s26 =	sadd.s32 $0x1480, s25;
	[sflag:s20] =	ssyncadd.s32 $0xFFFFC000;
	(pc) =	sbr.rel @p0 .LBB2_4-.Ltmp1, $4  }
0x79: {  	[spmem:s2] =	stream.indirect.scatter.add.f32 [tilespmem:s18], [sflag:$0x3], $0x80, s26, s16, $0xb8;
	[tilespmem:$0x1E800] =	vst v63  }
0x7a: {  	_ =	swait.ge [sflag:s14], $0x4000  }
0x7b: {  	[sflag:s14] =	ssyncset.done $0x0  }
0x7c: {  	s25 =	sadd.s32 $0x180, s25;
	[sflag:s14] =	ssyncadd.s32 $0xFFFFC000  }
0x7d: {  	[tilespmem:s18], [sflag:$0x2] =	stream.indirect.gather [hbm4b:s4+s16], $0x80, s25, s16, $0xb8;
	[tilespmem:$0x1E800] =	vst v63  }
0x7e: {  	_ =	swait.ge [sflag:s19], $0x4000  }
0x7f: {  	[sflag:s19] =	ssyncset.done $0x0  }
0x80: {  	[sflag:s19] =	ssyncadd.s32 $0xFFFFC000  }
0x81: {  	[spmem:s2] =	stream.indirect.scatter.add.f32 [tilespmem:s17], [sflag:$0x3], $0x80, s21, s16, $0xb8;
	[tilespmem:$0x1E800] =	vst v63  }
0x82: {  	_ =	swait.ge [sflag:s14], $0x4000  }
0x83: {  	[sflag:s14] =	ssyncset.done $0x0  }
0x84: {  	[sflag:s14] =	ssyncadd.s32 $0xFFFFC000  }
0x85: {  	_ =	swait.ge [sflag:s20], $0x4000  }
0x86: {  	[sflag:s20] =	ssyncset.done $0x0  }
0x87: {  	[sflag:s20] =	ssyncadd.s32 $0xFFFFC000  }
0x88: {  	[spmem:s2] =	stream.indirect.scatter.add.f32 [tilespmem:s18], [sflag:$0x3], $0x80, s22, s16, $0xb8;
	[tilespmem:$0x1E800] =	vst v63  }
0x89: {  	_ =	swait.ge [sflag:s14], $0x4000  }
0x8a: {  	s23 =	sadd.s32 $0x1, s23;
	[sflag:s14] =	ssyncset.done $0x0  }
0x8b: {  	p0 =	sne.s32 s23, s12;
	[sflag:s14] =	ssyncadd.s32 $0xFFFFC000  }
.Ltmp2:
0x8c: {  	[bflag:$0x0] =	sbarrier.arrive $0xFFFF;
	(pc) =	sbr.rel @p0 .LBB2_1-.Ltmp2, $4  }
0x8d: {  	[hbm:s11], [sflag:s6] =	dma.local [spmem:s13], $0x2800  }
0x8e: {  	_ =	swait.ge [sflag:s14], $0x2800  }
0x8f: {  	[sflag:s14] =	ssyncset.done $0x0  }
0x90: {  	[sflag:s14] =	ssyncadd.s32 $0xFFFFD800  }
0x91: {  	_ =	sfence.sel $0x180000  }
0x92: {  	[bflag:$0x0] =	sbarrier.arrive $0xFFFF  }
0x93: {  	p0 =	sne.s32 s1, $0x0;
	_ =	strace $0x90000053  }
0x94: {  	s0 =	sadd.s32 @!p0 $0x100000, s0;
	[bflag:$0x2] =	sbarrier.arrive $0xFFFF  }
0x95: {  	[sflag:s0] =	ssyncadd.tile.s32 @!p0 $0x1;
	_ =	shalt  }
.Lfunc_end2:
_tile_overlayer_lowered:
.L_overlay_start_2:
0x96: {  	(tag) =	ssettag $0x2  }
0x97: {  	s0 =	rddreg [dreg:$0x0];
	s2 =	stileid.u32  }
0x98: {  	s1 =	rddreg [dreg:$0x1];
	p0 =	sne.s32 s2, $0x0  }
0x99: {  	s3 =	rddreg [dreg:$0x2];
	[bflag:$0x3] =	sbarrier.arrive $0xFFFF;
	s2 =	simm.s32 @!p0 $0x1C03  }
0x9a: {  	[timem:s3], [sflag:s2] =	dma.local @!p0 [hbm:s0], s1  }
0x9b: {  	s0 =	simm.s32 @!p0 $0x3  }
0x9c: {  	_ =	swait.ge @!p0 [sflag:s0], s1  }
0x9d: {  	s1 =	ssub.s32 @!p0 $0x0, s1;
	[sflag:s0] =	ssyncset.done @!p0 $0x0  }
0x9e: {  	[sflag:s0] =	ssyncadd.s32 @!p0 s1  }
0x9f: {  	[bflag:$0x3] =	sbarrier.arrive $0xFFFF  }
0xa0: {  	_ =	shalt  }

</sc_bundles>
